<compile_context>
chip_gen: v7x
topology: tpu7x:2x2x1
jax: 0.10.2.dev20260603
libtpu: 0.0.44.dev20260713+nightly
codegen_flags: <defaults>
</compile_context>

<pallas_src>
import functools

import jax
import jax.numpy as jnp
from jax import lax
from jax.experimental import pallas as pl
from jax.experimental.pallas import tpu as pltpu
from jax.experimental.pallas import tpu_sc as plsc

N_NODES = 10000
N_EDGES = 320000
D = 128
N_GRAPHS = 64

_NC = 2
_NS = 16
_NW = _NC * _NS
_K = 125
_NCHUNK = N_EDGES // (_NW * _K)
_NHALF = _NCHUNK // 2
_RPT = (N_NODES // _NS) // 8 * 8
_REM = N_NODES - _NS * _RPT

_BLK = 2000
_NBLK = N_NODES // _BLK


def _sc_agg_body(h_hbm, src_hbm, dst_hbm, zero_hbm, out_hbm,
                 sidx_v, didx_v, rows0, rows1, gs0, gs1, agg_sh):
    c = lax.axis_index("c")
    s = lax.axis_index("s")
    wid = c * _NS + s
    r0 = s * _RPT

    @pl.when(c == 0)
    def _():
        pltpu.make_async_copy(h_hbm.at[pl.ds(r0, _RPT)],
                              agg_sh.at[pl.ds(r0, _RPT)], gs1).start()

        @pl.when(s == _NS - 1)
        def _():
            pltpu.sync_copy(h_hbm.at[pl.ds(_NS * _RPT, _REM)],
                            agg_sh.at[pl.ds(_NS * _RPT, _REM)])

    @pl.when(c != 0)
    def _():
        pltpu.make_async_copy(zero_hbm.at[pl.ds(r0, _RPT)],
                              agg_sh.at[pl.ds(r0, _RPT)], gs1).start()

        @pl.when(s == _NS - 1)
        def _():
            pltpu.sync_copy(zero_hbm.at[pl.ds(_NS * _RPT, _REM)],
                            agg_sh.at[pl.ds(_NS * _RPT, _REM)])

    pltpu.sync_copy(src_hbm.at[wid], sidx_v)

    @pl.when(c == 0)
    def _():
        pltpu.make_async_copy(h_hbm.at[pl.ds(r0, _RPT)],
                              agg_sh.at[pl.ds(r0, _RPT)], gs1).wait()

    @pl.when(c != 0)
    def _():
        pltpu.make_async_copy(zero_hbm.at[pl.ds(r0, _RPT)],
                              agg_sh.at[pl.ds(r0, _RPT)], gs1).wait()

    plsc.subcore_barrier()

    def gather(j, buf, sem):
        return pltpu.make_async_copy(h_hbm.at[sidx_v.at[j]], buf, sem)

    for half in range(2):
        base = half * _NHALF
        pltpu.sync_copy(dst_hbm.at[wid, pl.ds(base, _NHALF)], didx_v)
        gather(base, rows0, gs0).start()

        def chunk(i, carry):
            j = base + 2 * i
            gather(j, rows0, gs0).wait()
            gather(j + 1, rows1, gs1).start()
            pltpu.sync_copy(rows0, agg_sh.at[didx_v.at[2 * i]], add=True)
            gather(j + 1, rows1, gs1).wait()

            @pl.when(2 * i + 2 < _NHALF)
            def _():
                gather(j + 2, rows0, gs0).start()

            pltpu.sync_copy(rows1, agg_sh.at[didx_v.at[2 * i + 1]], add=True)
            return carry

        lax.fori_loop(0, _NHALF // 2, chunk, 0)

    plsc.subcore_barrier()
    pltpu.sync_copy(agg_sh.at[pl.ds(r0, _RPT)],
                    out_hbm.at[c, pl.ds(r0, _RPT)])

    @pl.when(s == _NS - 1)
    def _():
        pltpu.sync_copy(agg_sh.at[pl.ds(_NS * _RPT, _REM)],
                        out_hbm.at[c, pl.ds(_NS * _RPT, _REM)])


@functools.cache
def _sc_agg_kernel():
    return pl.kernel(
        _sc_agg_body,
        out_type=jax.ShapeDtypeStruct((_NC, N_NODES, D), jnp.float32),
        mesh=plsc.VectorSubcoreMesh(core_axis_name="c", subcore_axis_name="s",
                                    num_cores=_NC, num_subcores=_NS),
        scratch_types=[
            pltpu.VMEM((_NCHUNK, _K), jnp.int32),
            pltpu.VMEM((_NHALF, _K), jnp.int32),
            pltpu.VMEM((_K, D), jnp.float32),
            pltpu.VMEM((_K, D), jnp.float32),
            pltpu.SemaphoreType.DMA,
            pltpu.SemaphoreType.DMA,
            pltpu.VMEM_SHARED((N_NODES, D), jnp.float32),
        ],
    )


def _sc_agg(h, srcp, dstp, zeros):
    return _sc_agg_kernel()(h, srcp, dstp, zeros)


def _mm_body(p_ref, w_ref, b_ref, o_ref):
    hsum = p_ref[0] + p_ref[1]
    o_ref[...] = jnp.maximum(
        jax.lax.dot(hsum, w_ref[...], preferred_element_type=jnp.float32)
        + b_ref[...], 0.0)


def _mm(p, W, b2d):
    return pl.pallas_call(
        _mm_body,
        grid=(_NBLK,),
        in_specs=[
            pl.BlockSpec((_NC, _BLK, D), lambda i: (0, i, 0)),
            pl.BlockSpec((D, D), lambda i: (0, 0)),
            pl.BlockSpec((1, D), lambda i: (0, 0)),
        ],
        out_specs=pl.BlockSpec((_BLK, D), lambda i: (i, 0)),
        out_shape=jax.ShapeDtypeStruct((N_NODES, D), jnp.float32),
    )(p, W, b2d)


def _final_body(p_ref, w3_ref, b3_ref, batch_ref, wfc_ref, bfc_ref, o_ref,
                sums, counts):
    i = pl.program_id(0)

    @pl.when(i == 0)
    def _():
        sums[...] = jnp.zeros_like(sums)
        counts[...] = jnp.zeros_like(counts)

    h3 = jnp.maximum(
        jax.lax.dot(p_ref[0] + p_ref[1], w3_ref[...],
                    preferred_element_type=jnp.float32) + b3_ref[...], 0.0)
    bb = batch_ref[0]
    onehot = (lax.broadcasted_iota(jnp.int32, (N_GRAPHS, _BLK), 0)
              == bb).astype(jnp.float32)
    sums[...] += jax.lax.dot(onehot, h3, preferred_element_type=jnp.float32)
    counts[...] += jnp.sum(onehot, axis=1, keepdims=True)

    @pl.when(i == pl.num_programs(0) - 1)
    def _():
        pooled = sums[...] / jnp.maximum(counts[...], 1.0)
        o_ref[...] = (
            jax.lax.dot(pooled, wfc_ref[...],
                        preferred_element_type=jnp.float32) + bfc_ref[...])


def _final(p, W3, b32d, batch3, Wfc, bfc2d):
    return pl.pallas_call(
        _final_body,
        grid=(_NBLK,),
        in_specs=[
            pl.BlockSpec((_NC, _BLK, D), lambda i: (0, i, 0)),
            pl.BlockSpec((D, D), lambda i: (0, 0)),
            pl.BlockSpec((1, D), lambda i: (0, 0)),
            pl.BlockSpec((1, 1, _BLK), lambda i: (i, 0, 0)),
            pl.BlockSpec((D, D), lambda i: (0, 0)),
            pl.BlockSpec((1, D), lambda i: (0, 0)),
        ],
        out_specs=pl.BlockSpec((N_GRAPHS, D), lambda i: (0, 0)),
        out_shape=jax.ShapeDtypeStruct((N_GRAPHS, D), jnp.float32),
        scratch_shapes=[
            pltpu.VMEM((N_GRAPHS, D), jnp.float32),
            pltpu.VMEM((N_GRAPHS, 1), jnp.float32),
        ],
    )(p, W3, b32d, batch3, Wfc, bfc2d)


def kernel(x, edge_index, batch, W1, b1, W2, b2, W3, b3, Wfc, bfc):
    edge_index = edge_index.astype(jnp.int32)
    srcp = edge_index[0].reshape(_NW, _NCHUNK, _K)
    dstp = edge_index[1].reshape(_NW, _NCHUNK, _K)
    zeros = jnp.zeros((N_NODES, D), jnp.float32)
    batch3 = batch.astype(jnp.int32).reshape(_NBLK, 1, _BLK)
    b1r = b1.reshape(1, D)
    b2r = b2.reshape(1, D)
    b3r = b3.reshape(1, D)
    bfcr = bfc.reshape(1, D)

    p = _sc_agg(x, srcp, dstp, zeros)
    h = _mm(p, W1, b1r)
    p = _sc_agg(h, srcp, dstp, zeros)
    h = _mm(p, W2, b2r)
    p = _sc_agg(h, srcp, dstp, zeros)
    return _final(p, W3, b3r, batch3, Wfc, bfcr)

# --- scband reference (transcript-rebuilt; emitter-appended) ---
"""Pipeline reference for scband-gin-40295383171399 (READ-ONLY COPY).

The authoritative reference and input builder live on the scoring server;
editing this copy changes nothing except your own understanding.
"""

import jax, jax.numpy as jnp
import numpy as np

N_NODES = 10000
N_EDGES = 320000
D_IN = 128
D_HID = 128
D_OUT = 128
N_GRAPHS = 64


def setup_inputs(seed: int = 0) -> dict:
    key = jax.random.key(seed)
    ks = jax.random.split(key, 12)
    x = jax.random.normal(ks[0], (N_NODES, D_IN), dtype=jnp.float32)
    edge_index = jax.random.randint(ks[1], (2, N_EDGES), 0, N_NODES)
    batch = jnp.sort(jax.random.randint(ks[2], (N_NODES,), 0, N_GRAPHS))
    def lin(k, fan_in, fan_out):
        kw, kb = jax.random.split(k)
        bound = 1.0 / np.sqrt(fan_in)
        W = jax.random.uniform(kw, (fan_in, fan_out), minval=-bound, maxval=bound, dtype=jnp.float32)
        b = jax.random.uniform(kb, (fan_out,), minval=-bound, maxval=bound, dtype=jnp.float32)
        return W, b
    W1, b1 = lin(ks[3], D_IN, D_HID)
    W2, b2 = lin(ks[4], D_HID, D_HID)
    W3, b3 = lin(ks[5], D_HID, D_HID)
    Wfc, bfc = lin(ks[6], D_HID, D_OUT)
    return {"x": x, "edge_index": edge_index, "batch": batch,
            "W1": W1, "b1": b1, "W2": W2, "b2": b2, "W3": W3, "b3": b3,
            "Wfc": Wfc, "bfc": bfc}


def _gin_layer(x, edge_index, W, b):
    # GINConv with eps=0: nn((1+eps)*x_i + sum_{j in N(i)} x_j)
    src = edge_index[0]
    dst = edge_index[1]
    agg = jnp.zeros_like(x).at[dst].add(x[src])
    h = x + agg
    return h @ W + b


def reference(x, edge_index, batch, W1, b1, W2, b2, W3, b3, Wfc, bfc):
    h = jax.nn.relu(_gin_layer(x, edge_index, W1, b1))
    h = jax.nn.relu(_gin_layer(h, edge_index, W2, b2))
    h = jax.nn.relu(_gin_layer(h, edge_index, W3, b3))
    # global_mean_pool over graph assignment ids
    sums = jax.ops.segment_sum(h, batch, num_segments=N_GRAPHS)
    counts = jax.ops.segment_sum(jnp.ones((h.shape[0], 1), dtype=h.dtype), batch, num_segments=N_GRAPHS)
    pooled = sums / jnp.maximum(counts, 1.0)
    # dropout p=0.5 is identity in eval mode
    logits = pooled @ Wfc + bfc
    return logits

if __name__ == "__main__":
    import jax
    _d = setup_inputs()
    print(jax.jit(kernel)(*tuple(_d.values())))

</pallas_src>

<mosaic_0001>
#map = affine_map<(d0, d1) -> (0, 0)>
#map1 = affine_map<(d0, d1) -> (0, 0, 0)>
module attributes {stable_mosaic.version = 14 : i64} {
  func.func @_sc_agg_body(%arg0: i32, %arg1: i32, %arg2: memref<10000x128xf32, #tpu.memory_space<hbm>>, %arg3: memref<32x80x125xi32, #tpu.memory_space<hbm>>, %arg4: memref<32x80x125xi32, #tpu.memory_space<hbm>>, %arg5: memref<10000x128xf32, #tpu.memory_space<hbm>>, %arg6: memref<2x10000x128xf32, #tpu.memory_space<hbm>>, %arg7: memref<80x125xi32, #tpu.memory_space<vmem>>, %arg8: memref<40x125xi32, #tpu.memory_space<vmem>>, %arg9: memref<125x128xf32, #tpu.memory_space<vmem>>, %arg10: memref<125x128xf32, #tpu.memory_space<vmem>>, %arg11: memref<!tpu.dma_semaphore, #tpu.memory_space<semaphore_mem>>, %arg12: memref<!tpu.dma_semaphore, #tpu.memory_space<semaphore_mem>>, %arg13: memref<10000x128xf32, #tpu.memory_space<vmem_shared>>) attributes {dimension_semantics = [#tpu.dimension_semantics<core_parallel>, #tpu.dimension_semantics<subcore_parallel>], iteration_bounds = array<i64: 2, 16>, scalar_prefetch = 0 : i64, scratch_operands = 7 : i64, tpu.core_type = #tpu.core_type<sc_vector_subcore>, window_params = [{transform_indices = #map}, {transform_indices = #map1}, {transform_indices = #map1}, {transform_indices = #map}, {transform_indices = #map1}]} {
    %mul3A = arith.constant 16 : i32
    %mul3A_0 = arith.muli %arg0, %mul3A : i32
    %add3A = arith.addi %mul3A_0, %arg1 : i32
    %mul3A_1 = arith.constant 624 : i32
    %mul3A_2 = arith.muli %arg1, %mul3A_1 : i32
    %eq3A = arith.constant 0 : i32
    %eq3A_3 = arith.cmpi eq, %arg0, %eq3A : i32
    %convert_element_type3A = arith.extui %eq3A_3 : i1 to i32
    %cond3A = arith.constant 0 : i32
    %cond3A_4 = arith.cmpi ne, %convert_element_type3A, %cond3A : i32
    scf.if %cond3A_4 {
      %dma_start3A_49 = arith.constant 0 : i32
      %dma_start3A_50 = tpu.memref_slice %arg13[%mul3A_2, %dma_start3A_49] : memref<10000x128xf32, #tpu.memory_space<vmem_shared>> -> memref<624x128xf32, #tpu.memory_space<vmem_shared>>
      %dma_start3A_51 = arith.constant 0 : i32
      %dma_start3A_52 = tpu.memref_slice %arg2[%mul3A_2, %dma_start3A_51] : memref<10000x128xf32, #tpu.memory_space<hbm>> -> memref<624x128xf32, #tpu.memory_space<hbm>>
      tpu.enqueue_dma source(%dma_start3A_52 : memref<624x128xf32, #tpu.memory_space<hbm>>) target(%dma_start3A_50 : memref<624x128xf32, #tpu.memory_space<vmem_shared>>) target_semaphore(%arg12 : memref<!tpu.dma_semaphore, #tpu.memory_space<semaphore_mem>>)
      %eq3A_53 = arith.constant 15 : i32
      %eq3A_54 = arith.cmpi eq, %arg1, %eq3A_53 : i32
      %convert_element_type3A_55 = arith.extui %eq3A_54 : i1 to i32
      %cond3A_56 = arith.constant 0 : i32
      %cond3A_57 = arith.cmpi ne, %convert_element_type3A_55, %cond3A_56 : i32
      scf.if %cond3A_57 {
        "tpu.region"() ({
          %run_scoped3A = tpu.sem_alloc : memref<!tpu.dma_semaphore, #tpu.memory_space<semaphore_mem>>
          %dma_start3A_58 = arith.constant 9984 : i32
          %dma_start3A_59 = arith.constant 0 : i32
          %dma_start3A_60 = tpu.memref_slice %arg13[%dma_start3A_58, %dma_start3A_59] : memref<10000x128xf32, #tpu.memory_space<vmem_shared>> -> memref<16x128xf32, #tpu.memory_space<vmem_shared>>
          %dma_start3A_61 = arith.constant 9984 : i32
          %dma_start3A_62 = arith.constant 0 : i32
          %dma_start3A_63 = tpu.memref_slice %arg2[%dma_start3A_61, %dma_start3A_62] : memref<10000x128xf32, #tpu.memory_space<hbm>> -> memref<16x128xf32, #tpu.memory_space<hbm>>
          tpu.enqueue_dma source(%dma_start3A_63 : memref<16x128xf32, #tpu.memory_space<hbm>>) target(%dma_start3A_60 : memref<16x128xf32, #tpu.memory_space<vmem_shared>>) target_semaphore(%run_scoped3A : memref<!tpu.dma_semaphore, #tpu.memory_space<semaphore_mem>>)
          %dma_wait3A = arith.constant 9984 : i32
          %dma_wait3A_64 = arith.constant 0 : i32
          %dma_wait3A_65 = tpu.memref_slice %arg13[%dma_wait3A, %dma_wait3A_64] : memref<10000x128xf32, #tpu.memory_space<vmem_shared>> -> memref<16x128xf32, #tpu.memory_space<vmem_shared>>
          %dma_wait3A_66 = arith.constant 9984 : i32
          %dma_wait3A_67 = arith.constant 0 : i32
          %dma_wait3A_68 = tpu.memref_slice %arg2[%dma_wait3A_66, %dma_wait3A_67] : memref<10000x128xf32, #tpu.memory_space<hbm>> -> memref<16x128xf32, #tpu.memory_space<hbm>>
          tpu.wait_dma2 semaphore(%run_scoped3A : memref<!tpu.dma_semaphore, #tpu.memory_space<semaphore_mem>>) src(%dma_wait3A_68 : memref<16x128xf32, #tpu.memory_space<hbm>>) dst(%dma_wait3A_65 : memref<16x128xf32, #tpu.memory_space<vmem_shared>>)
          tpu.yield
        }) : () -> ()
      } else {
      }
    } else {
    }
    %ne3A = arith.constant 0 : i32
    %ne3A_5 = arith.cmpi ne, %arg0, %ne3A : i32
    %convert_element_type3A_6 = arith.extui %ne3A_5 : i1 to i32
    %cond3A_7 = arith.constant 0 : i32
    %cond3A_8 = arith.cmpi ne, %convert_element_type3A_6, %cond3A_7 : i32
    scf.if %cond3A_8 {
      %dma_start3A_49 = arith.constant 0 : i32
      %dma_start3A_50 = tpu.memref_slice %arg13[%mul3A_2, %dma_start3A_49] : memref<10000x128xf32, #tpu.memory_space<vmem_shared>> -> memref<624x128xf32, #tpu.memory_space<vmem_shared>>
      %dma_start3A_51 = arith.constant 0 : i32
      %dma_start3A_52 = tpu.memref_slice %arg5[%mul3A_2, %dma_start3A_51] : memref<10000x128xf32, #tpu.memory_space<hbm>> -> memref<624x128xf32, #tpu.memory_space<hbm>>
      tpu.enqueue_dma source(%dma_start3A_52 : memref<624x128xf32, #tpu.memory_space<hbm>>) target(%dma_start3A_50 : memref<624x128xf32, #tpu.memory_space<vmem_shared>>) target_semaphore(%arg12 : memref<!tpu.dma_semaphore, #tpu.memory_space<semaphore_mem>>)
      %eq3A_53 = arith.constant 15 : i32
      %eq3A_54 = arith.cmpi eq, %arg1, %eq3A_53 : i32
      %convert_element_type3A_55 = arith.extui %eq3A_54 : i1 to i32
      %cond3A_56 = arith.constant 0 : i32
      %cond3A_57 = arith.cmpi ne, %convert_element_type3A_55, %cond3A_56 : i32
      scf.if %cond3A_57 {
        "tpu.region"() ({
          %run_scoped3A = tpu.sem_alloc : memref<!tpu.dma_semaphore, #tpu.memory_space<semaphore_mem>>
          %dma_start3A_58 = arith.constant 9984 : i32
          %dma_start3A_59 = arith.constant 0 : i32
          %dma_start3A_60 = tpu.memref_slice %arg13[%dma_start3A_58, %dma_start3A_59] : memref<10000x128xf32, #tpu.memory_space<vmem_shared>> -> memref<16x128xf32, #tpu.memory_space<vmem_shared>>
          %dma_start3A_61 = arith.constant 9984 : i32
          %dma_start3A_62 = arith.constant 0 : i32
          %dma_start3A_63 = tpu.memref_slice %arg5[%dma_start3A_61, %dma_start3A_62] : memref<10000x128xf32, #tpu.memory_space<hbm>> -> memref<16x128xf32, #tpu.memory_space<hbm>>
          tpu.enqueue_dma source(%dma_start3A_63 : memref<16x128xf32, #tpu.memory_space<hbm>>) target(%dma_start3A_60 : memref<16x128xf32, #tpu.memory_space<vmem_shared>>) target_semaphore(%run_scoped3A : memref<!tpu.dma_semaphore, #tpu.memory_space<semaphore_mem>>)
          %dma_wait3A = arith.constant 9984 : i32
          %dma_wait3A_64 = arith.constant 0 : i32
          %dma_wait3A_65 = tpu.memref_slice %arg13[%dma_wait3A, %dma_wait3A_64] : memref<10000x128xf32, #tpu.memory_space<vmem_shared>> -> memref<16x128xf32, #tpu.memory_space<vmem_shared>>
          %dma_wait3A_66 = arith.constant 9984 : i32
          %dma_wait3A_67 = arith.constant 0 : i32
          %dma_wait3A_68 = tpu.memref_slice %arg5[%dma_wait3A_66, %dma_wait3A_67] : memref<10000x128xf32, #tpu.memory_space<hbm>> -> memref<16x128xf32, #tpu.memory_space<hbm>>
          tpu.wait_dma2 semaphore(%run_scoped3A : memref<!tpu.dma_semaphore, #tpu.memory_space<semaphore_mem>>) src(%dma_wait3A_68 : memref<16x128xf32, #tpu.memory_space<hbm>>) dst(%dma_wait3A_65 : memref<16x128xf32, #tpu.memory_space<vmem_shared>>)
          tpu.yield
        }) : () -> ()
      } else {
      }
    } else {
    }
    "tpu.region"() ({
      %run_scoped3A = tpu.sem_alloc : memref<!tpu.dma_semaphore, #tpu.memory_space<semaphore_mem>>
      %dma_start3A_49 = arith.constant 0 : i32
      %dma_start3A_50 = arith.constant 0 : i32
      %dma_start3A_51 = tpu.memref_slice %arg3[%add3A, %dma_start3A_49, %dma_start3A_50] : memref<32x80x125xi32, #tpu.memory_space<hbm>> -> memref<1x80x125xi32, #tpu.memory_space<hbm>>
      %dma_start3A_52 = tpu.memref_squeeze %dma_start3A_51 : memref<1x80x125xi32, #tpu.memory_space<hbm>> -> memref<80x125xi32, #tpu.memory_space<hbm>>
      %dma_start3A_53 = arith.constant 0 : i32
      %dma_start3A_54 = arith.constant 0 : i32
      %dma_start3A_55 = tpu.memref_slice %arg3[%add3A, %dma_start3A_53, %dma_start3A_54] : memref<32x80x125xi32, #tpu.memory_space<hbm>> -> memref<1x80x125xi32, #tpu.memory_space<hbm>>
      %dma_start3A_56 = tpu.memref_squeeze %dma_start3A_55 : memref<1x80x125xi32, #tpu.memory_space<hbm>> -> memref<80x125xi32, #tpu.memory_space<hbm>>
      tpu.enqueue_dma source(%dma_start3A_56 : memref<80x125xi32, #tpu.memory_space<hbm>>) target(%arg7 : memref<80x125xi32, #tpu.memory_space<vmem>>) target_semaphore(%run_scoped3A : memref<!tpu.dma_semaphore, #tpu.memory_space<semaphore_mem>>)
      %dma_wait3A = arith.constant 0 : i32
      %dma_wait3A_57 = arith.constant 0 : i32
      %dma_wait3A_58 = tpu.memref_slice %arg3[%add3A, %dma_wait3A, %dma_wait3A_57] : memref<32x80x125xi32, #tpu.memory_space<hbm>> -> memref<1x80x125xi32, #tpu.memory_space<hbm>>
      %dma_wait3A_59 = tpu.memref_squeeze %dma_wait3A_58 : memref<1x80x125xi32, #tpu.memory_space<hbm>> -> memref<80x125xi32, #tpu.memory_space<hbm>>
      %dma_wait3A_60 = arith.constant 0 : i32
      %dma_wait3A_61 = arith.constant 0 : i32
      %dma_wait3A_62 = tpu.memref_slice %arg3[%add3A, %dma_wait3A_60, %dma_wait3A_61] : memref<32x80x125xi32, #tpu.memory_space<hbm>> -> memref<1x80x125xi32, #tpu.memory_space<hbm>>
      %dma_wait3A_63 = tpu.memref_squeeze %dma_wait3A_62 : memref<1x80x125xi32, #tpu.memory_space<hbm>> -> memref<80x125xi32, #tpu.memory_space<hbm>>
      tpu.wait_dma2 semaphore(%run_scoped3A : memref<!tpu.dma_semaphore, #tpu.memory_space<semaphore_mem>>) src(%dma_wait3A_63 : memref<80x125xi32, #tpu.memory_space<hbm>>) dst(%arg7 : memref<80x125xi32, #tpu.memory_space<vmem>>)
      tpu.yield
    }) : () -> ()
    %eq3A_9 = arith.constant 0 : i32
    %eq3A_10 = arith.cmpi eq, %arg0, %eq3A_9 : i32
    %convert_element_type3A_11 = arith.extui %eq3A_10 : i1 to i32
    %cond3A_12 = arith.constant 0 : i32
    %cond3A_13 = arith.cmpi ne, %convert_element_type3A_11, %cond3A_12 : i32
    scf.if %cond3A_13 {
      %dma_wait3A = arith.constant 0 : i32
      %dma_wait3A_49 = tpu.memref_slice %arg13[%mul3A_2, %dma_wait3A] : memref<10000x128xf32, #tpu.memory_space<vmem_shared>> -> memref<624x128xf32, #tpu.memory_space<vmem_shared>>
      %dma_wait3A_50 = arith.constant 0 : i32
      %dma_wait3A_51 = tpu.memref_slice %arg2[%mul3A_2, %dma_wait3A_50] : memref<10000x128xf32, #tpu.memory_space<hbm>> -> memref<624x128xf32, #tpu.memory_space<hbm>>
      tpu.wait_dma2 semaphore(%arg12 : memref<!tpu.dma_semaphore, #tpu.memory_space<semaphore_mem>>) src(%dma_wait3A_51 : memref<624x128xf32, #tpu.memory_space<hbm>>) dst(%dma_wait3A_49 : memref<624x128xf32, #tpu.memory_space<vmem_shared>>)
    } else {
    }
    %ne3A_14 = arith.constant 0 : i32
    %ne3A_15 = arith.cmpi ne, %arg0, %ne3A_14 : i32
    %convert_element_type3A_16 = arith.extui %ne3A_15 : i1 to i32
    %cond3A_17 = arith.constant 0 : i32
    %cond3A_18 = arith.cmpi ne, %convert_element_type3A_16, %cond3A_17 : i32
    scf.if %cond3A_18 {
      %dma_wait3A = arith.constant 0 : i32
      %dma_wait3A_49 = tpu.memref_slice %arg13[%mul3A_2, %dma_wait3A] : memref<10000x128xf32, #tpu.memory_space<vmem_shared>> -> memref<624x128xf32, #tpu.memory_space<vmem_shared>>
      %dma_wait3A_50 = arith.constant 0 : i32
      %dma_wait3A_51 = tpu.memref_slice %arg5[%mul3A_2, %dma_wait3A_50] : memref<10000x128xf32, #tpu.memory_space<hbm>> -> memref<624x128xf32, #tpu.memory_space<hbm>>
      tpu.wait_dma2 semaphore(%arg12 : memref<!tpu.dma_semaphore, #tpu.memory_space<semaphore_mem>>) src(%dma_wait3A_51 : memref<624x128xf32, #tpu.memory_space<hbm>>) dst(%dma_wait3A_49 : memref<624x128xf32, #tpu.memory_space<vmem_shared>>)
    } else {
    }
    %barrier3A = arith.constant 0 : index
    tpu.barrier barrier_id(%barrier3A)
    "tpu.region"() ({
      %run_scoped3A = tpu.sem_alloc : memref<!tpu.dma_semaphore, #tpu.memory_space<semaphore_mem>>
      %dma_start3A_49 = arith.constant 0 : i32
      %dma_start3A_50 = arith.constant 0 : i32
      %dma_start3A_51 = tpu.memref_slice %arg4[%add3A, %dma_start3A_49, %dma_start3A_50] : memref<32x80x125xi32, #tpu.memory_space<hbm>> -> memref<1x40x125xi32, #tpu.memory_space<hbm>>
      %dma_start3A_52 = tpu.memref_squeeze %dma_start3A_51 : memref<1x40x125xi32, #tpu.memory_space<hbm>> -> memref<40x125xi32, #tpu.memory_space<hbm>>
      %dma_start3A_53 = arith.constant 0 : i32
      %dma_start3A_54 = arith.constant 0 : i32
      %dma_start3A_55 = tpu.memref_slice %arg4[%add3A, %dma_start3A_53, %dma_start3A_54] : memref<32x80x125xi32, #tpu.memory_space<hbm>> -> memref<1x40x125xi32, #tpu.memory_space<hbm>>
      %dma_start3A_56 = tpu.memref_squeeze %dma_start3A_55 : memref<1x40x125xi32, #tpu.memory_space<hbm>> -> memref<40x125xi32, #tpu.memory_space<hbm>>
      tpu.enqueue_dma source(%dma_start3A_56 : memref<40x125xi32, #tpu.memory_space<hbm>>) target(%arg8 : memref<40x125xi32, #tpu.memory_space<vmem>>) target_semaphore(%run_scoped3A : memref<!tpu.dma_semaphore, #tpu.memory_space<semaphore_mem>>)
      %dma_wait3A = arith.constant 0 : i32
      %dma_wait3A_57 = arith.constant 0 : i32
      %dma_wait3A_58 = tpu.memref_slice %arg4[%add3A, %dma_wait3A, %dma_wait3A_57] : memref<32x80x125xi32, #tpu.memory_space<hbm>> -> memref<1x40x125xi32, #tpu.memory_space<hbm>>
      %dma_wait3A_59 = tpu.memref_squeeze %dma_wait3A_58 : memref<1x40x125xi32, #tpu.memory_space<hbm>> -> memref<40x125xi32, #tpu.memory_space<hbm>>
      %dma_wait3A_60 = arith.constant 0 : i32
      %dma_wait3A_61 = arith.constant 0 : i32
      %dma_wait3A_62 = tpu.memref_slice %arg4[%add3A, %dma_wait3A_60, %dma_wait3A_61] : memref<32x80x125xi32, #tpu.memory_space<hbm>> -> memref<1x40x125xi32, #tpu.memory_space<hbm>>
      %dma_wait3A_63 = tpu.memref_squeeze %dma_wait3A_62 : memref<1x40x125xi32, #tpu.memory_space<hbm>> -> memref<40x125xi32, #tpu.memory_space<hbm>>
      tpu.wait_dma2 semaphore(%run_scoped3A : memref<!tpu.dma_semaphore, #tpu.memory_space<semaphore_mem>>) src(%dma_wait3A_63 : memref<40x125xi32, #tpu.memory_space<hbm>>) dst(%arg8 : memref<40x125xi32, #tpu.memory_space<vmem>>)
      tpu.yield
    }) : () -> ()
    %dma_start3A = arith.constant 0 : i32
    %dma_start3A_19 = arith.constant 0 : i32
    %dma_start3A_20 = tpu.memref_slice %arg7[%dma_start3A, %dma_start3A_19] : memref<80x125xi32, #tpu.memory_space<vmem>> -> memref<1x125xi32, #tpu.memory_space<vmem>>
    %dma_start3A_21 = tpu.memref_squeeze %dma_start3A_20 : memref<1x125xi32, #tpu.memory_space<vmem>> -> memref<125xi32, #tpu.memory_space<vmem>>
    %dma_start3A_22 = arith.constant 0 : i32
    %dma_start3A_23 = arith.constant 0 : i32
    %dma_start3A_24 = tpu.memref_slice %arg2[%dma_start3A_22, %dma_start3A_23] : memref<10000x128xf32, #tpu.memory_space<hbm>> -> memref<10000x128xf32, #tpu.memory_space<hbm>>
    tpu.enqueue_indirect_dma source(%dma_start3A_24 : memref<10000x128xf32, #tpu.memory_space<hbm>>) target(%arg9 : memref<125x128xf32, #tpu.memory_space<vmem>>) offsets(%dma_start3A_21 : memref<125xi32, #tpu.memory_space<vmem>>) semaphore(%arg11 : memref<!tpu.dma_semaphore, #tpu.memory_space<semaphore_mem>>)
    %scan3A = arith.constant 0 : i32
    %scan3A_25 = arith.constant 0 : i32
    %scan3A_26 = arith.constant 20 : i32
    %scan3A_27 = arith.addi %scan3A_25, %scan3A_26 : i32
    %scan3A_28 = arith.constant 1 : i32
    scf.for %scan3A_49 = %scan3A_25 to %scan3A_27 step %scan3A_28  : i32 {
      %mul3A_50 = arith.constant 2 : i32
      %mul3A_51 = arith.muli %mul3A_50, %scan3A_49 : i32
      %add3A_52 = arith.constant 0 : i32
      %add3A_53 = arith.addi %add3A_52, %mul3A_51 : i32
      %dma_wait3A = arith.constant 0 : i32
      %dma_wait3A_54 = tpu.memref_slice %arg7[%add3A_53, %dma_wait3A] : memref<80x125xi32, #tpu.memory_space<vmem>> -> memref<1x125xi32, #tpu.memory_space<vmem>>
      %dma_wait3A_55 = tpu.memref_squeeze %dma_wait3A_54 : memref<1x125xi32, #tpu.memory_space<vmem>> -> memref<125xi32, #tpu.memory_space<vmem>>
      %dma_wait3A_56 = arith.constant 0 : i32
      %dma_wait3A_57 = arith.constant 0 : i32
      %dma_wait3A_58 = tpu.memref_slice %arg2[%dma_wait3A_56, %dma_wait3A_57] : memref<10000x128xf32, #tpu.memory_space<hbm>> -> memref<10000x128xf32, #tpu.memory_space<hbm>>
      tpu.wait_indirect_dma semaphore(%arg11 : memref<!tpu.dma_semaphore, #tpu.memory_space<semaphore_mem>>) src(%dma_wait3A_58 : memref<10000x128xf32, #tpu.memory_space<hbm>>) dst(%arg9 : memref<125x128xf32, #tpu.memory_space<vmem>>)
      %add3A_59 = arith.constant 1 : i32
      %add3A_60 = arith.addi %add3A_53, %add3A_59 : i32
      %dma_start3A_61 = arith.constant 0 : i32
      %dma_start3A_62 = tpu.memref_slice %arg7[%add3A_60, %dma_start3A_61] : memref<80x125xi32, #tpu.memory_space<vmem>> -> memref<1x125xi32, #tpu.memory_space<vmem>>
      %dma_start3A_63 = tpu.memref_squeeze %dma_start3A_62 : memref<1x125xi32, #tpu.memory_space<vmem>> -> memref<125xi32, #tpu.memory_space<vmem>>
      %dma_start3A_64 = arith.constant 0 : i32
      %dma_start3A_65 = arith.constant 0 : i32
      %dma_start3A_66 = tpu.memref_slice %arg2[%dma_start3A_64, %dma_start3A_65] : memref<10000x128xf32, #tpu.memory_space<hbm>> -> memref<10000x128xf32, #tpu.memory_space<hbm>>
      tpu.enqueue_indirect_dma source(%dma_start3A_66 : memref<10000x128xf32, #tpu.memory_space<hbm>>) target(%arg10 : memref<125x128xf32, #tpu.memory_space<vmem>>) offsets(%dma_start3A_63 : memref<125xi32, #tpu.memory_space<vmem>>) semaphore(%arg12 : memref<!tpu.dma_semaphore, #tpu.memory_space<semaphore_mem>>)
      %mul3A_67 = arith.constant 2 : i32
      %mul3A_68 = arith.muli %mul3A_67, %scan3A_49 : i32
      "tpu.region"() ({
        %run_scoped3A = tpu.sem_alloc : memref<!tpu.dma_semaphore, #tpu.memory_space<semaphore_mem>>
        %dma_start3A_89 = arith.constant 0 : i32
        %dma_start3A_90 = tpu.memref_slice %arg8[%mul3A_68, %dma_start3A_89] : memref<40x125xi32, #tpu.memory_space<vmem>> -> memref<1x125xi32, #tpu.memory_space<vmem>>
        %dma_start3A_91 = tpu.memref_squeeze %dma_start3A_90 : memref<1x125xi32, #tpu.memory_space<vmem>> -> memref<125xi32, #tpu.memory_space<vmem>>
        %dma_start3A_92 = arith.constant 0 : i32
        %dma_start3A_93 = arith.constant 0 : i32
        %dma_start3A_94 = tpu.memref_slice %arg13[%dma_start3A_92, %dma_start3A_93] : memref<10000x128xf32, #tpu.memory_space<vmem_shared>> -> memref<10000x128xf32, #tpu.memory_space<vmem_shared>>
        tpu.enqueue_indirect_dma source(%arg9 : memref<125x128xf32, #tpu.memory_space<vmem>>) target(%dma_start3A_94 : memref<10000x128xf32, #tpu.memory_space<vmem_shared>>) offsets(%dma_start3A_91 : memref<125xi32, #tpu.memory_space<vmem>>) semaphore(%run_scoped3A : memref<!tpu.dma_semaphore, #tpu.memory_space<semaphore_mem>>) {add = true}
        %dma_wait3A_95 = arith.constant 0 : i32
        %dma_wait3A_96 = tpu.memref_slice %arg8[%mul3A_68, %dma_wait3A_95] : memref<40x125xi32, #tpu.memory_space<vmem>> -> memref<1x125xi32, #tpu.memory_space<vmem>>
        %dma_wait3A_97 = tpu.memref_squeeze %dma_wait3A_96 : memref<1x125xi32, #tpu.memory_space<vmem>> -> memref<125xi32, #tpu.memory_space<vmem>>
        %dma_wait3A_98 = arith.constant 0 : i32
        %dma_wait3A_99 = arith.constant 0 : i32
        %dma_wait3A_100 = tpu.memref_slice %arg13[%dma_wait3A_98, %dma_wait3A_99] : memref<10000x128xf32, #tpu.memory_space<vmem_shared>> -> memref<10000x128xf32, #tpu.memory_space<vmem_shared>>
        tpu.wait_indirect_dma semaphore(%run_scoped3A : memref<!tpu.dma_semaphore, #tpu.memory_space<semaphore_mem>>) src(%arg9 : memref<125x128xf32, #tpu.memory_space<vmem>>) dst(%dma_wait3A_100 : memref<10000x128xf32, #tpu.memory_space<vmem_shared>>)
        tpu.yield
      }) : () -> ()
      %add3A_69 = arith.constant 1 : i32
      %add3A_70 = arith.addi %add3A_53, %add3A_69 : i32
      %dma_wait3A_71 = arith.constant 0 : i32
      %dma_wait3A_72 = tpu.memref_slice %arg7[%add3A_70, %dma_wait3A_71] : memref<80x125xi32, #tpu.memory_space<vmem>> -> memref<1x125xi32, #tpu.memory_space<vmem>>
      %dma_wait3A_73 = tpu.memref_squeeze %dma_wait3A_72 : memref<1x125xi32, #tpu.memory_space<vmem>> -> memref<125xi32, #tpu.memory_space<vmem>>
      %dma_wait3A_74 = arith.constant 0 : i32
      %dma_wait3A_75 = arith.constant 0 : i32
      %dma_wait3A_76 = tpu.memref_slice %arg2[%dma_wait3A_74, %dma_wait3A_75] : memref<10000x128xf32, #tpu.memory_space<hbm>> -> memref<10000x128xf32, #tpu.memory_space<hbm>>
      tpu.wait_indirect_dma semaphore(%arg12 : memref<!tpu.dma_semaphore, #tpu.memory_space<semaphore_mem>>) src(%dma_wait3A_76 : memref<10000x128xf32, #tpu.memory_space<hbm>>) dst(%arg10 : memref<125x128xf32, #tpu.memory_space<vmem>>)
      %mul3A_77 = arith.constant 2 : i32
      %mul3A_78 = arith.muli %mul3A_77, %scan3A_49 : i32
      %add3A_79 = arith.constant 2 : i32
      %add3A_80 = arith.addi %mul3A_78, %add3A_79 : i32
      %lt3A = arith.constant 40 : i32
      %lt3A_81 = arith.cmpi slt, %add3A_80, %lt3A : i32
      %convert_element_type3A_82 = arith.extui %lt3A_81 : i1 to i32
      %cond3A_83 = arith.constant 0 : i32
      %cond3A_84 = arith.cmpi ne, %convert_element_type3A_82, %cond3A_83 : i32
      scf.if %cond3A_84 {
        %add3A_89 = arith.constant 2 : i32
        %add3A_90 = arith.addi %add3A_53, %add3A_89 : i32
        %dma_start3A_91 = arith.constant 0 : i32
        %dma_start3A_92 = tpu.memref_slice %arg7[%add3A_90, %dma_start3A_91] : memref<80x125xi32, #tpu.memory_space<vmem>> -> memref<1x125xi32, #tpu.memory_space<vmem>>
        %dma_start3A_93 = tpu.memref_squeeze %dma_start3A_92 : memref<1x125xi32, #tpu.memory_space<vmem>> -> memref<125xi32, #tpu.memory_space<vmem>>
        %dma_start3A_94 = arith.constant 0 : i32
        %dma_start3A_95 = arith.constant 0 : i32
        %dma_start3A_96 = tpu.memref_slice %arg2[%dma_start3A_94, %dma_start3A_95] : memref<10000x128xf32, #tpu.memory_space<hbm>> -> memref<10000x128xf32, #tpu.memory_space<hbm>>
        tpu.enqueue_indirect_dma source(%dma_start3A_96 : memref<10000x128xf32, #tpu.memory_space<hbm>>) target(%arg9 : memref<125x128xf32, #tpu.memory_space<vmem>>) offsets(%dma_start3A_93 : memref<125xi32, #tpu.memory_space<vmem>>) semaphore(%arg11 : memref<!tpu.dma_semaphore, #tpu.memory_space<semaphore_mem>>)
      } else {
      }
      %mul3A_85 = arith.constant 2 : i32
      %mul3A_86 = arith.muli %mul3A_85, %scan3A_49 : i32
      %add3A_87 = arith.constant 1 : i32
      %add3A_88 = arith.addi %mul3A_86, %add3A_87 : i32
      "tpu.region"() ({
        %run_scoped3A = tpu.sem_alloc : memref<!tpu.dma_semaphore, #tpu.memory_space<semaphore_mem>>
        %dma_start3A_89 = arith.constant 0 : i32
        %dma_start3A_90 = tpu.memref_slice %arg8[%add3A_88, %dma_start3A_89] : memref<40x125xi32, #tpu.memory_space<vmem>> -> memref<1x125xi32, #tpu.memory_space<vmem>>
        %dma_start3A_91 = tpu.memref_squeeze %dma_start3A_90 : memref<1x125xi32, #tpu.memory_space<vmem>> -> memref<125xi32, #tpu.memory_space<vmem>>
        %dma_start3A_92 = arith.constant 0 : i32
        %dma_start3A_93 = arith.constant 0 : i32
        %dma_start3A_94 = tpu.memref_slice %arg13[%dma_start3A_92, %dma_start3A_93] : memref<10000x128xf32, #tpu.memory_space<vmem_shared>> -> memref<10000x128xf32, #tpu.memory_space<vmem_shared>>
        tpu.enqueue_indirect_dma source(%arg10 : memref<125x128xf32, #tpu.memory_space<vmem>>) target(%dma_start3A_94 : memref<10000x128xf32, #tpu.memory_space<vmem_shared>>) offsets(%dma_start3A_91 : memref<125xi32, #tpu.memory_space<vmem>>) semaphore(%run_scoped3A : memref<!tpu.dma_semaphore, #tpu.memory_space<semaphore_mem>>) {add = true}
        %dma_wait3A_95 = arith.constant 0 : i32
        %dma_wait3A_96 = tpu.memref_slice %arg8[%add3A_88, %dma_wait3A_95] : memref<40x125xi32, #tpu.memory_space<vmem>> -> memref<1x125xi32, #tpu.memory_space<vmem>>
        %dma_wait3A_97 = tpu.memref_squeeze %dma_wait3A_96 : memref<1x125xi32, #tpu.memory_space<vmem>> -> memref<125xi32, #tpu.memory_space<vmem>>
        %dma_wait3A_98 = arith.constant 0 : i32
        %dma_wait3A_99 = arith.constant 0 : i32
        %dma_wait3A_100 = tpu.memref_slice %arg13[%dma_wait3A_98, %dma_wait3A_99] : memref<10000x128xf32, #tpu.memory_space<vmem_shared>> -> memref<10000x128xf32, #tpu.memory_space<vmem_shared>>
        tpu.wait_indirect_dma semaphore(%run_scoped3A : memref<!tpu.dma_semaphore, #tpu.memory_space<semaphore_mem>>) src(%arg10 : memref<125x128xf32, #tpu.memory_space<vmem>>) dst(%dma_wait3A_100 : memref<10000x128xf32, #tpu.memory_space<vmem_shared>>)
        tpu.yield
      }) : () -> ()
    }
    %scan3A_29 = arith.constant 20 : i32
    "tpu.region"() ({
      %run_scoped3A = tpu.sem_alloc : memref<!tpu.dma_semaphore, #tpu.memory_space<semaphore_mem>>
      %dma_start3A_49 = arith.constant 40 : i32
      %dma_start3A_50 = arith.constant 0 : i32
      %dma_start3A_51 = tpu.memref_slice %arg4[%add3A, %dma_start3A_49, %dma_start3A_50] : memref<32x80x125xi32, #tpu.memory_space<hbm>> -> memref<1x40x125xi32, #tpu.memory_space<hbm>>
      %dma_start3A_52 = tpu.memref_squeeze %dma_start3A_51 : memref<1x40x125xi32, #tpu.memory_space<hbm>> -> memref<40x125xi32, #tpu.memory_space<hbm>>
      %dma_start3A_53 = arith.constant 40 : i32
      %dma_start3A_54 = arith.constant 0 : i32
      %dma_start3A_55 = tpu.memref_slice %arg4[%add3A, %dma_start3A_53, %dma_start3A_54] : memref<32x80x125xi32, #tpu.memory_space<hbm>> -> memref<1x40x125xi32, #tpu.memory_space<hbm>>
      %dma_start3A_56 = tpu.memref_squeeze %dma_start3A_55 : memref<1x40x125xi32, #tpu.memory_space<hbm>> -> memref<40x125xi32, #tpu.memory_space<hbm>>
      tpu.enqueue_dma source(%dma_start3A_56 : memref<40x125xi32, #tpu.memory_space<hbm>>) target(%arg8 : memref<40x125xi32, #tpu.memory_space<vmem>>) target_semaphore(%run_scoped3A : memref<!tpu.dma_semaphore, #tpu.memory_space<semaphore_mem>>)
      %dma_wait3A = arith.constant 40 : i32
      %dma_wait3A_57 = arith.constant 0 : i32
      %dma_wait3A_58 = tpu.memref_slice %arg4[%add3A, %dma_wait3A, %dma_wait3A_57] : memref<32x80x125xi32, #tpu.memory_space<hbm>> -> memref<1x40x125xi32, #tpu.memory_space<hbm>>
      %dma_wait3A_59 = tpu.memref_squeeze %dma_wait3A_58 : memref<1x40x125xi32, #tpu.memory_space<hbm>> -> memref<40x125xi32, #tpu.memory_space<hbm>>
      %dma_wait3A_60 = arith.constant 40 : i32
      %dma_wait3A_61 = arith.constant 0 : i32
      %dma_wait3A_62 = tpu.memref_slice %arg4[%add3A, %dma_wait3A_60, %dma_wait3A_61] : memref<32x80x125xi32, #tpu.memory_space<hbm>> -> memref<1x40x125xi32, #tpu.memory_space<hbm>>
      %dma_wait3A_63 = tpu.memref_squeeze %dma_wait3A_62 : memref<1x40x125xi32, #tpu.memory_space<hbm>> -> memref<40x125xi32, #tpu.memory_space<hbm>>
      tpu.wait_dma2 semaphore(%run_scoped3A : memref<!tpu.dma_semaphore, #tpu.memory_space<semaphore_mem>>) src(%dma_wait3A_63 : memref<40x125xi32, #tpu.memory_space<hbm>>) dst(%arg8 : memref<40x125xi32, #tpu.memory_space<vmem>>)
      tpu.yield
    }) : () -> ()
    %dma_start3A_30 = arith.constant 40 : i32
    %dma_start3A_31 = arith.constant 0 : i32
    %dma_start3A_32 = tpu.memref_slice %arg7[%dma_start3A_30, %dma_start3A_31] : memref<80x125xi32, #tpu.memory_space<vmem>> -> memref<1x125xi32, #tpu.memory_space<vmem>>
    %dma_start3A_33 = tpu.memref_squeeze %dma_start3A_32 : memref<1x125xi32, #tpu.memory_space<vmem>> -> memref<125xi32, #tpu.memory_space<vmem>>
    %dma_start3A_34 = arith.constant 0 : i32
    %dma_start3A_35 = arith.constant 0 : i32
    %dma_start3A_36 = tpu.memref_slice %arg2[%dma_start3A_34, %dma_start3A_35] : memref<10000x128xf32, #tpu.memory_space<hbm>> -> memref<10000x128xf32, #tpu.memory_space<hbm>>
    tpu.enqueue_indirect_dma source(%dma_start3A_36 : memref<10000x128xf32, #tpu.memory_space<hbm>>) target(%arg9 : memref<125x128xf32, #tpu.memory_space<vmem>>) offsets(%dma_start3A_33 : memref<125xi32, #tpu.memory_space<vmem>>) semaphore(%arg11 : memref<!tpu.dma_semaphore, #tpu.memory_space<semaphore_mem>>)
    %scan3A_37 = arith.constant 0 : i32
    %scan3A_38 = arith.constant 0 : i32
    %scan3A_39 = arith.constant 20 : i32
    %scan3A_40 = arith.addi %scan3A_38, %scan3A_39 : i32
    %scan3A_41 = arith.constant 1 : i32
    scf.for %scan3A_49 = %scan3A_38 to %scan3A_40 step %scan3A_41  : i32 {
      %mul3A_50 = arith.constant 2 : i32
      %mul3A_51 = arith.muli %mul3A_50, %scan3A_49 : i32
      %add3A_52 = arith.constant 40 : i32
      %add3A_53 = arith.addi %add3A_52, %mul3A_51 : i32
      %dma_wait3A = arith.constant 0 : i32
      %dma_wait3A_54 = tpu.memref_slice %arg7[%add3A_53, %dma_wait3A] : memref<80x125xi32, #tpu.memory_space<vmem>> -> memref<1x125xi32, #tpu.memory_space<vmem>>
      %dma_wait3A_55 = tpu.memref_squeeze %dma_wait3A_54 : memref<1x125xi32, #tpu.memory_space<vmem>> -> memref<125xi32, #tpu.memory_space<vmem>>
      %dma_wait3A_56 = arith.constant 0 : i32
      %dma_wait3A_57 = arith.constant 0 : i32
      %dma_wait3A_58 = tpu.memref_slice %arg2[%dma_wait3A_56, %dma_wait3A_57] : memref<10000x128xf32, #tpu.memory_space<hbm>> -> memref<10000x128xf32, #tpu.memory_space<hbm>>
      tpu.wait_indirect_dma semaphore(%arg11 : memref<!tpu.dma_semaphore, #tpu.memory_space<semaphore_mem>>) src(%dma_wait3A_58 : memref<10000x128xf32, #tpu.memory_space<hbm>>) dst(%arg9 : memref<125x128xf32, #tpu.memory_space<vmem>>)
      %add3A_59 = arith.constant 1 : i32
      %add3A_60 = arith.addi %add3A_53, %add3A_59 : i32
      %dma_start3A_61 = arith.constant 0 : i32
      %dma_start3A_62 = tpu.memref_slice %arg7[%add3A_60, %dma_start3A_61] : memref<80x125xi32, #tpu.memory_space<vmem>> -> memref<1x125xi32, #tpu.memory_space<vmem>>
      %dma_start3A_63 = tpu.memref_squeeze %dma_start3A_62 : memref<1x125xi32, #tpu.memory_space<vmem>> -> memref<125xi32, #tpu.memory_space<vmem>>
      %dma_start3A_64 = arith.constant 0 : i32
      %dma_start3A_65 = arith.constant 0 : i32
      %dma_start3A_66 = tpu.memref_slice %arg2[%dma_start3A_64, %dma_start3A_65] : memref<10000x128xf32, #tpu.memory_space<hbm>> -> memref<10000x128xf32, #tpu.memory_space<hbm>>
      tpu.enqueue_indirect_dma source(%dma_start3A_66 : memref<10000x128xf32, #tpu.memory_space<hbm>>) target(%arg10 : memref<125x128xf32, #tpu.memory_space<vmem>>) offsets(%dma_start3A_63 : memref<125xi32, #tpu.memory_space<vmem>>) semaphore(%arg12 : memref<!tpu.dma_semaphore, #tpu.memory_space<semaphore_mem>>)
      %mul3A_67 = arith.constant 2 : i32
      %mul3A_68 = arith.muli %mul3A_67, %scan3A_49 : i32
      "tpu.region"() ({
        %run_scoped3A = tpu.sem_alloc : memref<!tpu.dma_semaphore, #tpu.memory_space<semaphore_mem>>
        %dma_start3A_89 = arith.constant 0 : i32
        %dma_start3A_90 = tpu.memref_slice %arg8[%mul3A_68, %dma_start3A_89] : memref<40x125xi32, #tpu.memory_space<vmem>> -> memref<1x125xi32, #tpu.memory_space<vmem>>
        %dma_start3A_91 = tpu.memref_squeeze %dma_start3A_90 : memref<1x125xi32, #tpu.memory_space<vmem>> -> memref<125xi32, #tpu.memory_space<vmem>>
        %dma_start3A_92 = arith.constant 0 : i32
        %dma_start3A_93 = arith.constant 0 : i32
        %dma_start3A_94 = tpu.memref_slice %arg13[%dma_start3A_92, %dma_start3A_93] : memref<10000x128xf32, #tpu.memory_space<vmem_shared>> -> memref<10000x128xf32, #tpu.memory_space<vmem_shared>>
        tpu.enqueue_indirect_dma source(%arg9 : memref<125x128xf32, #tpu.memory_space<vmem>>) target(%dma_start3A_94 : memref<10000x128xf32, #tpu.memory_space<vmem_shared>>) offsets(%dma_start3A_91 : memref<125xi32, #tpu.memory_space<vmem>>) semaphore(%run_scoped3A : memref<!tpu.dma_semaphore, #tpu.memory_space<semaphore_mem>>) {add = true}
        %dma_wait3A_95 = arith.constant 0 : i32
        %dma_wait3A_96 = tpu.memref_slice %arg8[%mul3A_68, %dma_wait3A_95] : memref<40x125xi32, #tpu.memory_space<vmem>> -> memref<1x125xi32, #tpu.memory_space<vmem>>
        %dma_wait3A_97 = tpu.memref_squeeze %dma_wait3A_96 : memref<1x125xi32, #tpu.memory_space<vmem>> -> memref<125xi32, #tpu.memory_space<vmem>>
        %dma_wait3A_98 = arith.constant 0 : i32
        %dma_wait3A_99 = arith.constant 0 : i32
        %dma_wait3A_100 = tpu.memref_slice %arg13[%dma_wait3A_98, %dma_wait3A_99] : memref<10000x128xf32, #tpu.memory_space<vmem_shared>> -> memref<10000x128xf32, #tpu.memory_space<vmem_shared>>
        tpu.wait_indirect_dma semaphore(%run_scoped3A : memref<!tpu.dma_semaphore, #tpu.memory_space<semaphore_mem>>) src(%arg9 : memref<125x128xf32, #tpu.memory_space<vmem>>) dst(%dma_wait3A_100 : memref<10000x128xf32, #tpu.memory_space<vmem_shared>>)
        tpu.yield
      }) : () -> ()
      %add3A_69 = arith.constant 1 : i32
      %add3A_70 = arith.addi %add3A_53, %add3A_69 : i32
      %dma_wait3A_71 = arith.constant 0 : i32
      %dma_wait3A_72 = tpu.memref_slice %arg7[%add3A_70, %dma_wait3A_71] : memref<80x125xi32, #tpu.memory_space<vmem>> -> memref<1x125xi32, #tpu.memory_space<vmem>>
      %dma_wait3A_73 = tpu.memref_squeeze %dma_wait3A_72 : memref<1x125xi32, #tpu.memory_space<vmem>> -> memref<125xi32, #tpu.memory_space<vmem>>
      %dma_wait3A_74 = arith.constant 0 : i32
      %dma_wait3A_75 = arith.constant 0 : i32
      %dma_wait3A_76 = tpu.memref_slice %arg2[%dma_wait3A_74, %dma_wait3A_75] : memref<10000x128xf32, #tpu.memory_space<hbm>> -> memref<10000x128xf32, #tpu.memory_space<hbm>>
      tpu.wait_indirect_dma semaphore(%arg12 : memref<!tpu.dma_semaphore, #tpu.memory_space<semaphore_mem>>) src(%dma_wait3A_76 : memref<10000x128xf32, #tpu.memory_space<hbm>>) dst(%arg10 : memref<125x128xf32, #tpu.memory_space<vmem>>)
      %mul3A_77 = arith.constant 2 : i32
      %mul3A_78 = arith.muli %mul3A_77, %scan3A_49 : i32
      %add3A_79 = arith.constant 2 : i32
      %add3A_80 = arith.addi %mul3A_78, %add3A_79 : i32
      %lt3A = arith.constant 40 : i32
      %lt3A_81 = arith.cmpi slt, %add3A_80, %lt3A : i32
      %convert_element_type3A_82 = arith.extui %lt3A_81 : i1 to i32
      %cond3A_83 = arith.constant 0 : i32
      %cond3A_84 = arith.cmpi ne, %convert_element_type3A_82, %cond3A_83 : i32
      scf.if %cond3A_84 {
        %add3A_89 = arith.constant 2 : i32
        %add3A_90 = arith.addi %add3A_53, %add3A_89 : i32
        %dma_start3A_91 = arith.constant 0 : i32
        %dma_start3A_92 = tpu.memref_slice %arg7[%add3A_90, %dma_start3A_91] : memref<80x125xi32, #tpu.memory_space<vmem>> -> memref<1x125xi32, #tpu.memory_space<vmem>>
        %dma_start3A_93 = tpu.memref_squeeze %dma_start3A_92 : memref<1x125xi32, #tpu.memory_space<vmem>> -> memref<125xi32, #tpu.memory_space<vmem>>
        %dma_start3A_94 = arith.constant 0 : i32
        %dma_start3A_95 = arith.constant 0 : i32
        %dma_start3A_96 = tpu.memref_slice %arg2[%dma_start3A_94, %dma_start3A_95] : memref<10000x128xf32, #tpu.memory_space<hbm>> -> memref<10000x128xf32, #tpu.memory_space<hbm>>
        tpu.enqueue_indirect_dma source(%dma_start3A_96 : memref<10000x128xf32, #tpu.memory_space<hbm>>) target(%arg9 : memref<125x128xf32, #tpu.memory_space<vmem>>) offsets(%dma_start3A_93 : memref<125xi32, #tpu.memory_space<vmem>>) semaphore(%arg11 : memref<!tpu.dma_semaphore, #tpu.memory_space<semaphore_mem>>)
      } else {
      }
      %mul3A_85 = arith.constant 2 : i32
      %mul3A_86 = arith.muli %mul3A_85, %scan3A_49 : i32
      %add3A_87 = arith.constant 1 : i32
      %add3A_88 = arith.addi %mul3A_86, %add3A_87 : i32
      "tpu.region"() ({
        %run_scoped3A = tpu.sem_alloc : memref<!tpu.dma_semaphore, #tpu.memory_space<semaphore_mem>>
        %dma_start3A_89 = arith.constant 0 : i32
        %dma_start3A_90 = tpu.memref_slice %arg8[%add3A_88, %dma_start3A_89] : memref<40x125xi32, #tpu.memory_space<vmem>> -> memref<1x125xi32, #tpu.memory_space<vmem>>
        %dma_start3A_91 = tpu.memref_squeeze %dma_start3A_90 : memref<1x125xi32, #tpu.memory_space<vmem>> -> memref<125xi32, #tpu.memory_space<vmem>>
        %dma_start3A_92 = arith.constant 0 : i32
        %dma_start3A_93 = arith.constant 0 : i32
        %dma_start3A_94 = tpu.memref_slice %arg13[%dma_start3A_92, %dma_start3A_93] : memref<10000x128xf32, #tpu.memory_space<vmem_shared>> -> memref<10000x128xf32, #tpu.memory_space<vmem_shared>>
        tpu.enqueue_indirect_dma source(%arg10 : memref<125x128xf32, #tpu.memory_space<vmem>>) target(%dma_start3A_94 : memref<10000x128xf32, #tpu.memory_space<vmem_shared>>) offsets(%dma_start3A_91 : memref<125xi32, #tpu.memory_space<vmem>>) semaphore(%run_scoped3A : memref<!tpu.dma_semaphore, #tpu.memory_space<semaphore_mem>>) {add = true}
        %dma_wait3A_95 = arith.constant 0 : i32
        %dma_wait3A_96 = tpu.memref_slice %arg8[%add3A_88, %dma_wait3A_95] : memref<40x125xi32, #tpu.memory_space<vmem>> -> memref<1x125xi32, #tpu.memory_space<vmem>>
        %dma_wait3A_97 = tpu.memref_squeeze %dma_wait3A_96 : memref<1x125xi32, #tpu.memory_space<vmem>> -> memref<125xi32, #tpu.memory_space<vmem>>
        %dma_wait3A_98 = arith.constant 0 : i32
        %dma_wait3A_99 = arith.constant 0 : i32
        %dma_wait3A_100 = tpu.memref_slice %arg13[%dma_wait3A_98, %dma_wait3A_99] : memref<10000x128xf32, #tpu.memory_space<vmem_shared>> -> memref<10000x128xf32, #tpu.memory_space<vmem_shared>>
        tpu.wait_indirect_dma semaphore(%run_scoped3A : memref<!tpu.dma_semaphore, #tpu.memory_space<semaphore_mem>>) src(%arg10 : memref<125x128xf32, #tpu.memory_space<vmem>>) dst(%dma_wait3A_100 : memref<10000x128xf32, #tpu.memory_space<vmem_shared>>)
        tpu.yield
      }) : () -> ()
    }
    %scan3A_42 = arith.constant 20 : i32
    %barrier3A_43 = arith.constant 0 : index
    tpu.barrier barrier_id(%barrier3A_43)
    "tpu.region"() ({
      %run_scoped3A = tpu.sem_alloc : memref<!tpu.dma_semaphore, #tpu.memory_space<semaphore_mem>>
      %dma_start3A_49 = arith.constant 0 : i32
      %dma_start3A_50 = tpu.memref_slice %arg6[%arg0, %mul3A_2, %dma_start3A_49] : memref<2x10000x128xf32, #tpu.memory_space<hbm>> -> memref<1x624x128xf32, #tpu.memory_space<hbm>>
      %dma_start3A_51 = tpu.memref_squeeze %dma_start3A_50 : memref<1x624x128xf32, #tpu.memory_space<hbm>> -> memref<624x128xf32, #tpu.memory_space<hbm>>
      %dma_start3A_52 = arith.constant 0 : i32
      %dma_start3A_53 = tpu.memref_slice %arg13[%mul3A_2, %dma_start3A_52] : memref<10000x128xf32, #tpu.memory_space<vmem_shared>> -> memref<624x128xf32, #tpu.memory_space<vmem_shared>>
      tpu.enqueue_dma source(%dma_start3A_53 : memref<624x128xf32, #tpu.memory_space<vmem_shared>>) target(%dma_start3A_51 : memref<624x128xf32, #tpu.memory_space<hbm>>) target_semaphore(%run_scoped3A : memref<!tpu.dma_semaphore, #tpu.memory_space<semaphore_mem>>)
      %dma_wait3A = arith.constant 0 : i32
      %dma_wait3A_54 = tpu.memref_slice %arg6[%arg0, %mul3A_2, %dma_wait3A] : memref<2x10000x128xf32, #tpu.memory_space<hbm>> -> memref<1x624x128xf32, #tpu.memory_space<hbm>>
      %dma_wait3A_55 = tpu.memref_squeeze %dma_wait3A_54 : memref<1x624x128xf32, #tpu.memory_space<hbm>> -> memref<624x128xf32, #tpu.memory_space<hbm>>
      %dma_wait3A_56 = arith.constant 0 : i32
      %dma_wait3A_57 = tpu.memref_slice %arg13[%mul3A_2, %dma_wait3A_56] : memref<10000x128xf32, #tpu.memory_space<vmem_shared>> -> memref<624x128xf32, #tpu.memory_space<vmem_shared>>
      tpu.wait_dma2 semaphore(%run_scoped3A : memref<!tpu.dma_semaphore, #tpu.memory_space<semaphore_mem>>) src(%dma_wait3A_57 : memref<624x128xf32, #tpu.memory_space<vmem_shared>>) dst(%dma_wait3A_55 : memref<624x128xf32, #tpu.memory_space<hbm>>)
      tpu.yield
    }) : () -> ()
    %eq3A_44 = arith.constant 15 : i32
    %eq3A_45 = arith.cmpi eq, %arg1, %eq3A_44 : i32
    %convert_element_type3A_46 = arith.extui %eq3A_45 : i1 to i32
    %cond3A_47 = arith.constant 0 : i32
    %cond3A_48 = arith.cmpi ne, %convert_element_type3A_46, %cond3A_47 : i32
    scf.if %cond3A_48 {
      "tpu.region"() ({
        %run_scoped3A = tpu.sem_alloc : memref<!tpu.dma_semaphore, #tpu.memory_space<semaphore_mem>>
        %dma_start3A_49 = arith.constant 9984 : i32
        %dma_start3A_50 = arith.constant 0 : i32
        %dma_start3A_51 = tpu.memref_slice %arg6[%arg0, %dma_start3A_49, %dma_start3A_50] : memref<2x10000x128xf32, #tpu.memory_space<hbm>> -> memref<1x16x128xf32, #tpu.memory_space<hbm>>
        %dma_start3A_52 = tpu.memref_squeeze %dma_start3A_51 : memref<1x16x128xf32, #tpu.memory_space<hbm>> -> memref<16x128xf32, #tpu.memory_space<hbm>>
        %dma_start3A_53 = arith.constant 9984 : i32
        %dma_start3A_54 = arith.constant 0 : i32
        %dma_start3A_55 = tpu.memref_slice %arg13[%dma_start3A_53, %dma_start3A_54] : memref<10000x128xf32, #tpu.memory_space<vmem_shared>> -> memref<16x128xf32, #tpu.memory_space<vmem_shared>>
        tpu.enqueue_dma source(%dma_start3A_55 : memref<16x128xf32, #tpu.memory_space<vmem_shared>>) target(%dma_start3A_52 : memref<16x128xf32, #tpu.memory_space<hbm>>) target_semaphore(%run_scoped3A : memref<!tpu.dma_semaphore, #tpu.memory_space<semaphore_mem>>)
        %dma_wait3A = arith.constant 9984 : i32
        %dma_wait3A_56 = arith.constant 0 : i32
        %dma_wait3A_57 = tpu.memref_slice %arg6[%arg0, %dma_wait3A, %dma_wait3A_56] : memref<2x10000x128xf32, #tpu.memory_space<hbm>> -> memref<1x16x128xf32, #tpu.memory_space<hbm>>
        %dma_wait3A_58 = tpu.memref_squeeze %dma_wait3A_57 : memref<1x16x128xf32, #tpu.memory_space<hbm>> -> memref<16x128xf32, #tpu.memory_space<hbm>>
        %dma_wait3A_59 = arith.constant 9984 : i32
        %dma_wait3A_60 = arith.constant 0 : i32
        %dma_wait3A_61 = tpu.memref_slice %arg13[%dma_wait3A_59, %dma_wait3A_60] : memref<10000x128xf32, #tpu.memory_space<vmem_shared>> -> memref<16x128xf32, #tpu.memory_space<vmem_shared>>
        tpu.wait_dma2 semaphore(%run_scoped3A : memref<!tpu.dma_semaphore, #tpu.memory_space<semaphore_mem>>) src(%dma_wait3A_61 : memref<16x128xf32, #tpu.memory_space<vmem_shared>>) dst(%dma_wait3A_58 : memref<16x128xf32, #tpu.memory_space<hbm>>)
        tpu.yield
      }) : () -> ()
    } else {
    }
    return
  }
}

#map = affine_map<(d0, d1) -> (0, 0)>
#map1 = affine_map<(d0, d1) -> (0, 0, 0)>
module attributes {stable_mosaic.version = 14 : i64} {
  func.func @_sc_agg_body(%arg0: i32, %arg1: i32, %arg2: memref<10000x128xf32, #tpu.memory_space<hbm>>, %arg3: memref<32x80x125xi32, #tpu.memory_space<hbm>>, %arg4: memref<32x80x125xi32, #tpu.memory_space<hbm>>, %arg5: memref<10000x128xf32, #tpu.memory_space<hbm>>, %arg6: memref<2x10000x128xf32, #tpu.memory_space<hbm>>, %arg7: memref<80x125xi32, #tpu.memory_space<vmem>>, %arg8: memref<40x125xi32, #tpu.memory_space<vmem>>, %arg9: memref<125x128xf32, #tpu.memory_space<vmem>>, %arg10: memref<125x128xf32, #tpu.memory_space<vmem>>, %arg11: memref<!tpu.dma_semaphore, #tpu.memory_space<semaphore_mem>>, %arg12: memref<!tpu.dma_semaphore, #tpu.memory_space<semaphore_mem>>, %arg13: memref<10000x128xf32, #tpu.memory_space<vmem_shared>>) attributes {dimension_semantics = [#tpu.dimension_semantics<core_parallel>, #tpu.dimension_semantics<subcore_parallel>], iteration_bounds = array<i64: 2, 16>, scalar_prefetch = 0 : i64, scratch_operands = 7 : i64, tpu.core_type = #tpu.core_type<sc_vector_subcore>, window_params = [{transform_indices = #map}, {transform_indices = #map1}, {transform_indices = #map1}, {transform_indices = #map}, {transform_indices = #map1}]} {
    %mul3A = arith.constant 16 : i32
    %mul3A_0 = arith.muli %arg0, %mul3A : i32
    %add3A = arith.addi %mul3A_0, %arg1 : i32
    %mul3A_1 = arith.constant 624 : i32
    %mul3A_2 = arith.muli %arg1, %mul3A_1 : i32
    %eq3A = arith.constant 0 : i32
    %eq3A_3 = arith.cmpi eq, %arg0, %eq3A : i32
    %convert_element_type3A = arith.extui %eq3A_3 : i1 to i32
    %cond3A = arith.constant 0 : i32
    %cond3A_4 = arith.cmpi ne, %convert_element_type3A, %cond3A : i32
    scf.if %cond3A_4 {
      %dma_start3A_49 = arith.constant 0 : i32
      %dma_start3A_50 = tpu.memref_slice %arg13[%mul3A_2, %dma_start3A_49] : memref<10000x128xf32, #tpu.memory_space<vmem_shared>> -> memref<624x128xf32, #tpu.memory_space<vmem_shared>>
      %dma_start3A_51 = arith.constant 0 : i32
      %dma_start3A_52 = tpu.memref_slice %arg2[%mul3A_2, %dma_start3A_51] : memref<10000x128xf32, #tpu.memory_space<hbm>> -> memref<624x128xf32, #tpu.memory_space<hbm>>
      tpu.enqueue_dma source(%dma_start3A_52 : memref<624x128xf32, #tpu.memory_space<hbm>>) target(%dma_start3A_50 : memref<624x128xf32, #tpu.memory_space<vmem_shared>>) target_semaphore(%arg12 : memref<!tpu.dma_semaphore, #tpu.memory_space<semaphore_mem>>)
      %eq3A_53 = arith.constant 15 : i32
      %eq3A_54 = arith.cmpi eq, %arg1, %eq3A_53 : i32
      %convert_element_type3A_55 = arith.extui %eq3A_54 : i1 to i32
      %cond3A_56 = arith.constant 0 : i32
      %cond3A_57 = arith.cmpi ne, %convert_element_type3A_55, %cond3A_56 : i32
      scf.if %cond3A_57 {
        "tpu.region"() ({
          %run_scoped3A = tpu.sem_alloc : memref<!tpu.dma_semaphore, #tpu.memory_space<semaphore_mem>>
          %dma_start3A_58 = arith.constant 9984 : i32
          %dma_start3A_59 = arith.constant 0 : i32
          %dma_start3A_60 = tpu.memref_slice %arg13[%dma_start3A_58, %dma_start3A_59] : memref<10000x128xf32, #tpu.memory_space<vmem_shared>> -> memref<16x128xf32, #tpu.memory_space<vmem_shared>>
          %dma_start3A_61 = arith.constant 9984 : i32
          %dma_start3A_62 = arith.constant 0 : i32
          %dma_start3A_63 = tpu.memref_slice %arg2[%dma_start3A_61, %dma_start3A_62] : memref<10000x128xf32, #tpu.memory_space<hbm>> -> memref<16x128xf32, #tpu.memory_space<hbm>>
          tpu.enqueue_dma source(%dma_start3A_63 : memref<16x128xf32, #tpu.memory_space<hbm>>) target(%dma_start3A_60 : memref<16x128xf32, #tpu.memory_space<vmem_shared>>) target_semaphore(%run_scoped3A : memref<!tpu.dma_semaphore, #tpu.memory_space<semaphore_mem>>)
          %dma_wait3A = arith.constant 9984 : i32
          %dma_wait3A_64 = arith.constant 0 : i32
          %dma_wait3A_65 = tpu.memref_slice %arg13[%dma_wait3A, %dma_wait3A_64] : memref<10000x128xf32, #tpu.memory_space<vmem_shared>> -> memref<16x128xf32, #tpu.memory_space<vmem_shared>>
          %dma_wait3A_66 = arith.constant 9984 : i32
          %dma_wait3A_67 = arith.constant 0 : i32
          %dma_wait3A_68 = tpu.memref_slice %arg2[%dma_wait3A_66, %dma_wait3A_67] : memref<10000x128xf32, #tpu.memory_space<hbm>> -> memref<16x128xf32, #tpu.memory_space<hbm>>
          tpu.wait_dma2 semaphore(%run_scoped3A : memref<!tpu.dma_semaphore, #tpu.memory_space<semaphore_mem>>) src(%dma_wait3A_68 : memref<16x128xf32, #tpu.memory_space<hbm>>) dst(%dma_wait3A_65 : memref<16x128xf32, #tpu.memory_space<vmem_shared>>)
          tpu.yield
        }) : () -> ()
      } else {
      }
    } else {
    }
    %ne3A = arith.constant 0 : i32
    %ne3A_5 = arith.cmpi ne, %arg0, %ne3A : i32
    %convert_element_type3A_6 = arith.extui %ne3A_5 : i1 to i32
    %cond3A_7 = arith.constant 0 : i32
    %cond3A_8 = arith.cmpi ne, %convert_element_type3A_6, %cond3A_7 : i32
    scf.if %cond3A_8 {
      %dma_start3A_49 = arith.constant 0 : i32
      %dma_start3A_50 = tpu.memref_slice %arg13[%mul3A_2, %dma_start3A_49] : memref<10000x128xf32, #tpu.memory_space<vmem_shared>> -> memref<624x128xf32, #tpu.memory_space<vmem_shared>>
      %dma_start3A_51 = arith.constant 0 : i32
      %dma_start3A_52 = tpu.memref_slice %arg5[%mul3A_2, %dma_start3A_51] : memref<10000x128xf32, #tpu.memory_space<hbm>> -> memref<624x128xf32, #tpu.memory_space<hbm>>
      tpu.enqueue_dma source(%dma_start3A_52 : memref<624x128xf32, #tpu.memory_space<hbm>>) target(%dma_start3A_50 : memref<624x128xf32, #tpu.memory_space<vmem_shared>>) target_semaphore(%arg12 : memref<!tpu.dma_semaphore, #tpu.memory_space<semaphore_mem>>)
      %eq3A_53 = arith.constant 15 : i32
      %eq3A_54 = arith.cmpi eq, %arg1, %eq3A_53 : i32
      %convert_element_type3A_55 = arith.extui %eq3A_54 : i1 to i32
      %cond3A_56 = arith.constant 0 : i32
      %cond3A_57 = arith.cmpi ne, %convert_element_type3A_55, %cond3A_56 : i32
      scf.if %cond3A_57 {
        "tpu.region"() ({
          %run_scoped3A = tpu.sem_alloc : memref<!tpu.dma_semaphore, #tpu.memory_space<semaphore_mem>>
          %dma_start3A_58 = arith.constant 9984 : i32
          %dma_start3A_59 = arith.constant 0 : i32
          %dma_start3A_60 = tpu.memref_slice %arg13[%dma_start3A_58, %dma_start3A_59] : memref<10000x128xf32, #tpu.memory_space<vmem_shared>> -> memref<16x128xf32, #tpu.memory_space<vmem_shared>>
          %dma_start3A_61 = arith.constant 9984 : i32
          %dma_start3A_62 = arith.constant 0 : i32
          %dma_start3A_63 = tpu.memref_slice %arg5[%dma_start3A_61, %dma_start3A_62] : memref<10000x128xf32, #tpu.memory_space<hbm>> -> memref<16x128xf32, #tpu.memory_space<hbm>>
          tpu.enqueue_dma source(%dma_start3A_63 : memref<16x128xf32, #tpu.memory_space<hbm>>) target(%dma_start3A_60 : memref<16x128xf32, #tpu.memory_space<vmem_shared>>) target_semaphore(%run_scoped3A : memref<!tpu.dma_semaphore, #tpu.memory_space<semaphore_mem>>)
          %dma_wait3A = arith.constant 9984 : i32
          %dma_wait3A_64 = arith.constant 0 : i32
          %dma_wait3A_65 = tpu.memref_slice %arg13[%dma_wait3A, %dma_wait3A_64] : memref<10000x128xf32, #tpu.memory_space<vmem_shared>> -> memref<16x128xf32, #tpu.memory_space<vmem_shared>>
          %dma_wait3A_66 = arith.constant 9984 : i32
          %dma_wait3A_67 = arith.constant 0 : i32
          %dma_wait3A_68 = tpu.memref_slice %arg5[%dma_wait3A_66, %dma_wait3A_67] : memref<10000x128xf32, #tpu.memory_space<hbm>> -> memref<16x128xf32, #tpu.memory_space<hbm>>
          tpu.wait_dma2 semaphore(%run_scoped3A : memref<!tpu.dma_semaphore, #tpu.memory_space<semaphore_mem>>) src(%dma_wait3A_68 : memref<16x128xf32, #tpu.memory_space<hbm>>) dst(%dma_wait3A_65 : memref<16x128xf32, #tpu.memory_space<vmem_shared>>)
          tpu.yield
        }) : () -> ()
      } else {
      }
    } else {
    }
    "tpu.region"() ({
      %run_scoped3A = tpu.sem_alloc : memref<!tpu.dma_semaphore, #tpu.memory_space<semaphore_mem>>
      %dma_start3A_49 = arith.constant 0 : i32
      %dma_start3A_50 = arith.constant 0 : i32
      %dma_start3A_51 = tpu.memref_slice %arg3[%add3A, %dma_start3A_49, %dma_start3A_50] : memref<32x80x125xi32, #tpu.memory_space<hbm>> -> memref<1x80x125xi32, #tpu.memory_space<hbm>>
      %dma_start3A_52 = tpu.memref_squeeze %dma_start3A_51 : memref<1x80x125xi32, #tpu.memory_space<hbm>> -> memref<80x125xi32, #tpu.memory_space<hbm>>
      %dma_start3A_53 = arith.constant 0 : i32
      %dma_start3A_54 = arith.constant 0 : i32
      %dma_start3A_55 = tpu.memref_slice %arg3[%add3A, %dma_start3A_53, %dma_start3A_54] : memref<32x80x125xi32, #tpu.memory_space<hbm>> -> memref<1x80x125xi32, #tpu.memory_space<hbm>>
      %dma_start3A_56 = tpu.memref_squeeze %dma_start3A_55 : memref<1x80x125xi32, #tpu.memory_space<hbm>> -> memref<80x125xi32, #tpu.memory_space<hbm>>
      tpu.enqueue_dma source(%dma_start3A_56 : memref<80x125xi32, #tpu.memory_space<hbm>>) target(%arg7 : memref<80x125xi32, #tpu.memory_space<vmem>>) target_semaphore(%run_scoped3A : memref<!tpu.dma_semaphore, #tpu.memory_space<semaphore_mem>>)
      %dma_wait3A = arith.constant 0 : i32
      %dma_wait3A_57 = arith.constant 0 : i32
      %dma_wait3A_58 = tpu.memref_slice %arg3[%add3A, %dma_wait3A, %dma_wait3A_57] : memref<32x80x125xi32, #tpu.memory_space<hbm>> -> memref<1x80x125xi32, #tpu.memory_space<hbm>>
      %dma_wait3A_59 = tpu.memref_squeeze %dma_wait3A_58 : memref<1x80x125xi32, #tpu.memory_space<hbm>> -> memref<80x125xi32, #tpu.memory_space<hbm>>
      %dma_wait3A_60 = arith.constant 0 : i32
      %dma_wait3A_61 = arith.constant 0 : i32
      %dma_wait3A_62 = tpu.memref_slice %arg3[%add3A, %dma_wait3A_60, %dma_wait3A_61] : memref<32x80x125xi32, #tpu.memory_space<hbm>> -> memref<1x80x125xi32, #tpu.memory_space<hbm>>
      %dma_wait3A_63 = tpu.memref_squeeze %dma_wait3A_62 : memref<1x80x125xi32, #tpu.memory_space<hbm>> -> memref<80x125xi32, #tpu.memory_space<hbm>>
      tpu.wait_dma2 semaphore(%run_scoped3A : memref<!tpu.dma_semaphore, #tpu.memory_space<semaphore_mem>>) src(%dma_wait3A_63 : memref<80x125xi32, #tpu.memory_space<hbm>>) dst(%arg7 : memref<80x125xi32, #tpu.memory_space<vmem>>)
      tpu.yield
    }) : () -> ()
    %eq3A_9 = arith.constant 0 : i32
    %eq3A_10 = arith.cmpi eq, %arg0, %eq3A_9 : i32
    %convert_element_type3A_11 = arith.extui %eq3A_10 : i1 to i32
    %cond3A_12 = arith.constant 0 : i32
    %cond3A_13 = arith.cmpi ne, %convert_element_type3A_11, %cond3A_12 : i32
    scf.if %cond3A_13 {
      %dma_wait3A = arith.constant 0 : i32
      %dma_wait3A_49 = tpu.memref_slice %arg13[%mul3A_2, %dma_wait3A] : memref<10000x128xf32, #tpu.memory_space<vmem_shared>> -> memref<624x128xf32, #tpu.memory_space<vmem_shared>>
      %dma_wait3A_50 = arith.constant 0 : i32
      %dma_wait3A_51 = tpu.memref_slice %arg2[%mul3A_2, %dma_wait3A_50] : memref<10000x128xf32, #tpu.memory_space<hbm>> -> memref<624x128xf32, #tpu.memory_space<hbm>>
      tpu.wait_dma2 semaphore(%arg12 : memref<!tpu.dma_semaphore, #tpu.memory_space<semaphore_mem>>) src(%dma_wait3A_51 : memref<624x128xf32, #tpu.memory_space<hbm>>) dst(%dma_wait3A_49 : memref<624x128xf32, #tpu.memory_space<vmem_shared>>)
    } else {
    }
    %ne3A_14 = arith.constant 0 : i32
    %ne3A_15 = arith.cmpi ne, %arg0, %ne3A_14 : i32
    %convert_element_type3A_16 = arith.extui %ne3A_15 : i1 to i32
    %cond3A_17 = arith.constant 0 : i32
    %cond3A_18 = arith.cmpi ne, %convert_element_type3A_16, %cond3A_17 : i32
    scf.if %cond3A_18 {
      %dma_wait3A = arith.constant 0 : i32
      %dma_wait3A_49 = tpu.memref_slice %arg13[%mul3A_2, %dma_wait3A] : memref<10000x128xf32, #tpu.memory_space<vmem_shared>> -> memref<624x128xf32, #tpu.memory_space<vmem_shared>>
      %dma_wait3A_50 = arith.constant 0 : i32
      %dma_wait3A_51 = tpu.memref_slice %arg5[%mul3A_2, %dma_wait3A_50] : memref<10000x128xf32, #tpu.memory_space<hbm>> -> memref<624x128xf32, #tpu.memory_space<hbm>>
      tpu.wait_dma2 semaphore(%arg12 : memref<!tpu.dma_semaphore, #tpu.memory_space<semaphore_mem>>) src(%dma_wait3A_51 : memref<624x128xf32, #tpu.memory_space<hbm>>) dst(%dma_wait3A_49 : memref<624x128xf32, #tpu.memory_space<vmem_shared>>)
    } else {
    }
    %barrier3A = arith.constant 0 : index
    tpu.barrier barrier_id(%barrier3A)
    "tpu.region"() ({
      %run_scoped3A = tpu.sem_alloc : memref<!tpu.dma_semaphore, #tpu.memory_space<semaphore_mem>>
      %dma_start3A_49 = arith.constant 0 : i32
      %dma_start3A_50 = arith.constant 0 : i32
      %dma_start3A_51 = tpu.memref_slice %arg4[%add3A, %dma_start3A_49, %dma_start3A_50] : memref<32x80x125xi32, #tpu.memory_space<hbm>> -> memref<1x40x125xi32, #tpu.memory_space<hbm>>
      %dma_start3A_52 = tpu.memref_squeeze %dma_start3A_51 : memref<1x40x125xi32, #tpu.memory_space<hbm>> -> memref<40x125xi32, #tpu.memory_space<hbm>>
      %dma_start3A_53 = arith.constant 0 : i32
      %dma_start3A_54 = arith.constant 0 : i32
      %dma_start3A_55 = tpu.memref_slice %arg4[%add3A, %dma_start3A_53, %dma_start3A_54] : memref<32x80x125xi32, #tpu.memory_space<hbm>> -> memref<1x40x125xi32, #tpu.memory_space<hbm>>
      %dma_start3A_56 = tpu.memref_squeeze %dma_start3A_55 : memref<1x40x125xi32, #tpu.memory_space<hbm>> -> memref<40x125xi32, #tpu.memory_space<hbm>>
      tpu.enqueue_dma source(%dma_start3A_56 : memref<40x125xi32, #tpu.memory_space<hbm>>) target(%arg8 : memref<40x125xi32, #tpu.memory_space<vmem>>) target_semaphore(%run_scoped3A : memref<!tpu.dma_semaphore, #tpu.memory_space<semaphore_mem>>)
      %dma_wait3A = arith.constant 0 : i32
      %dma_wait3A_57 = arith.constant 0 : i32
      %dma_wait3A_58 = tpu.memref_slice %arg4[%add3A, %dma_wait3A, %dma_wait3A_57] : memref<32x80x125xi32, #tpu.memory_space<hbm>> -> memref<1x40x125xi32, #tpu.memory_space<hbm>>
      %dma_wait3A_59 = tpu.memref_squeeze %dma_wait3A_58 : memref<1x40x125xi32, #tpu.memory_space<hbm>> -> memref<40x125xi32, #tpu.memory_space<hbm>>
      %dma_wait3A_60 = arith.constant 0 : i32
      %dma_wait3A_61 = arith.constant 0 : i32
      %dma_wait3A_62 = tpu.memref_slice %arg4[%add3A, %dma_wait3A_60, %dma_wait3A_61] : memref<32x80x125xi32, #tpu.memory_space<hbm>> -> memref<1x40x125xi32, #tpu.memory_space<hbm>>
      %dma_wait3A_63 = tpu.memref_squeeze %dma_wait3A_62 : memref<1x40x125xi32, #tpu.memory_space<hbm>> -> memref<40x125xi32, #tpu.memory_space<hbm>>
      tpu.wait_dma2 semaphore(%run_scoped3A : memref<!tpu.dma_semaphore, #tpu.memory_space<semaphore_mem>>) src(%dma_wait3A_63 : memref<40x125xi32, #tpu.memory_space<hbm>>) dst(%arg8 : memref<40x125xi32, #tpu.memory_space<vmem>>)
      tpu.yield
    }) : () -> ()
    %dma_start3A = arith.constant 0 : i32
    %dma_start3A_19 = arith.constant 0 : i32
    %dma_start3A_20 = tpu.memref_slice %arg7[%dma_start3A, %dma_start3A_19] : memref<80x125xi32, #tpu.memory_space<vmem>> -> memref<1x125xi32, #tpu.memory_space<vmem>>
    %dma_start3A_21 = tpu.memref_squeeze %dma_start3A_20 : memref<1x125xi32, #tpu.memory_space<vmem>> -> memref<125xi32, #tpu.memory_space<vmem>>
    %dma_start3A_22 = arith.constant 0 : i32
    %dma_start3A_23 = arith.constant 0 : i32
    %dma_start3A_24 = tpu.memref_slice %arg2[%dma_start3A_22, %dma_start3A_23] : memref<10000x128xf32, #tpu.memory_space<hbm>> -> memref<10000x128xf32, #tpu.memory_space<hbm>>
    tpu.enqueue_indirect_dma source(%dma_start3A_24 : memref<10000x128xf32, #tpu.memory_space<hbm>>) target(%arg9 : memref<125x128xf32, #tpu.memory_space<vmem>>) offsets(%dma_start3A_21 : memref<125xi32, #tpu.memory_space<vmem>>) semaphore(%arg11 : memref<!tpu.dma_semaphore, #tpu.memory_space<semaphore_mem>>)
    %scan3A = arith.constant 0 : i32
    %scan3A_25 = arith.constant 0 : i32
    %scan3A_26 = arith.constant 20 : i32
    %scan3A_27 = arith.addi %scan3A_25, %scan3A_26 : i32
    %scan3A_28 = arith.constant 1 : i32
    scf.for %scan3A_49 = %scan3A_25 to %scan3A_27 step %scan3A_28  : i32 {
      %mul3A_50 = arith.constant 2 : i32
      %mul3A_51 = arith.muli %mul3A_50, %scan3A_49 : i32
      %add3A_52 = arith.constant 0 : i32
      %add3A_53 = arith.addi %add3A_52, %mul3A_51 : i32
      %dma_wait3A = arith.constant 0 : i32
      %dma_wait3A_54 = tpu.memref_slice %arg7[%add3A_53, %dma_wait3A] : memref<80x125xi32, #tpu.memory_space<vmem>> -> memref<1x125xi32, #tpu.memory_space<vmem>>
      %dma_wait3A_55 = tpu.memref_squeeze %dma_wait3A_54 : memref<1x125xi32, #tpu.memory_space<vmem>> -> memref<125xi32, #tpu.memory_space<vmem>>
      %dma_wait3A_56 = arith.constant 0 : i32
      %dma_wait3A_57 = arith.constant 0 : i32
      %dma_wait3A_58 = tpu.memref_slice %arg2[%dma_wait3A_56, %dma_wait3A_57] : memref<10000x128xf32, #tpu.memory_space<hbm>> -> memref<10000x128xf32, #tpu.memory_space<hbm>>
      tpu.wait_indirect_dma semaphore(%arg11 : memref<!tpu.dma_semaphore, #tpu.memory_space<semaphore_mem>>) src(%dma_wait3A_58 : memref<10000x128xf32, #tpu.memory_space<hbm>>) dst(%arg9 : memref<125x128xf32, #tpu.memory_space<vmem>>)
      %add3A_59 = arith.constant 1 : i32
      %add3A_60 = arith.addi %add3A_53, %add3A_59 : i32
      %dma_start3A_61 = arith.constant 0 : i32
      %dma_start3A_62 = tpu.memref_slice %arg7[%add3A_60, %dma_start3A_61] : memref<80x125xi32, #tpu.memory_space<vmem>> -> memref<1x125xi32, #tpu.memory_space<vmem>>
      %dma_start3A_63 = tpu.memref_squeeze %dma_start3A_62 : memref<1x125xi32, #tpu.memory_space<vmem>> -> memref<125xi32, #tpu.memory_space<vmem>>
      %dma_start3A_64 = arith.constant 0 : i32
      %dma_start3A_65 = arith.constant 0 : i32
      %dma_start3A_66 = tpu.memref_slice %arg2[%dma_start3A_64, %dma_start3A_65] : memref<10000x128xf32, #tpu.memory_space<hbm>> -> memref<10000x128xf32, #tpu.memory_space<hbm>>
      tpu.enqueue_indirect_dma source(%dma_start3A_66 : memref<10000x128xf32, #tpu.memory_space<hbm>>) target(%arg10 : memref<125x128xf32, #tpu.memory_space<vmem>>) offsets(%dma_start3A_63 : memref<125xi32, #tpu.memory_space<vmem>>) semaphore(%arg12 : memref<!tpu.dma_semaphore, #tpu.memory_space<semaphore_mem>>)
      %mul3A_67 = arith.constant 2 : i32
      %mul3A_68 = arith.muli %mul3A_67, %scan3A_49 : i32
      "tpu.region"() ({
        %run_scoped3A = tpu.sem_alloc : memref<!tpu.dma_semaphore, #tpu.memory_space<semaphore_mem>>
        %dma_start3A_89 = arith.constant 0 : i32
        %dma_start3A_90 = tpu.memref_slice %arg8[%mul3A_68, %dma_start3A_89] : memref<40x125xi32, #tpu.memory_space<vmem>> -> memref<1x125xi32, #tpu.memory_space<vmem>>
        %dma_start3A_91 = tpu.memref_squeeze %dma_start3A_90 : memref<1x125xi32, #tpu.memory_space<vmem>> -> memref<125xi32, #tpu.memory_space<vmem>>
        %dma_start3A_92 = arith.constant 0 : i32
        %dma_start3A_93 = arith.constant 0 : i32
        %dma_start3A_94 = tpu.memref_slice %arg13[%dma_start3A_92, %dma_start3A_93] : memref<10000x128xf32, #tpu.memory_space<vmem_shared>> -> memref<10000x128xf32, #tpu.memory_space<vmem_shared>>
        tpu.enqueue_indirect_dma source(%arg9 : memref<125x128xf32, #tpu.memory_space<vmem>>) target(%dma_start3A_94 : memref<10000x128xf32, #tpu.memory_space<vmem_shared>>) offsets(%dma_start3A_91 : memref<125xi32, #tpu.memory_space<vmem>>) semaphore(%run_scoped3A : memref<!tpu.dma_semaphore, #tpu.memory_space<semaphore_mem>>) {add = true}
        %dma_wait3A_95 = arith.constant 0 : i32
        %dma_wait3A_96 = tpu.memref_slice %arg8[%mul3A_68, %dma_wait3A_95] : memref<40x125xi32, #tpu.memory_space<vmem>> -> memref<1x125xi32, #tpu.memory_space<vmem>>
        %dma_wait3A_97 = tpu.memref_squeeze %dma_wait3A_96 : memref<1x125xi32, #tpu.memory_space<vmem>> -> memref<125xi32, #tpu.memory_space<vmem>>
        %dma_wait3A_98 = arith.constant 0 : i32
        %dma_wait3A_99 = arith.constant 0 : i32
        %dma_wait3A_100 = tpu.memref_slice %arg13[%dma_wait3A_98, %dma_wait3A_99] : memref<10000x128xf32, #tpu.memory_space<vmem_shared>> -> memref<10000x128xf32, #tpu.memory_space<vmem_shared>>
        tpu.wait_indirect_dma semaphore(%run_scoped3A : memref<!tpu.dma_semaphore, #tpu.memory_space<semaphore_mem>>) src(%arg9 : memref<125x128xf32, #tpu.memory_space<vmem>>) dst(%dma_wait3A_100 : memref<10000x128xf32, #tpu.memory_space<vmem_shared>>)
        tpu.yield
      }) : () -> ()
      %add3A_69 = arith.constant 1 : i32
      %add3A_70 = arith.addi %add3A_53, %add3A_69 : i32
      %dma_wait3A_71 = arith.constant 0 : i32
      %dma_wait3A_72 = tpu.memref_slice %arg7[%add3A_70, %dma_wait3A_71] : memref<80x125xi32, #tpu.memory_space<vmem>> -> memref<1x125xi32, #tpu.memory_space<vmem>>
      %dma_wait3A_73 = tpu.memref_squeeze %dma_wait3A_72 : memref<1x125xi32, #tpu.memory_space<vmem>> -> memref<125xi32, #tpu.memory_space<vmem>>
      %dma_wait3A_74 = arith.constant 0 : i32
      %dma_wait3A_75 = arith.constant 0 : i32
      %dma_wait3A_76 = tpu.memref_slice %arg2[%dma_wait3A_74, %dma_wait3A_75] : memref<10000x128xf32, #tpu.memory_space<hbm>> -> memref<10000x128xf32, #tpu.memory_space<hbm>>
      tpu.wait_indirect_dma semaphore(%arg12 : memref<!tpu.dma_semaphore, #tpu.memory_space<semaphore_mem>>) src(%dma_wait3A_76 : memref<10000x128xf32, #tpu.memory_space<hbm>>) dst(%arg10 : memref<125x128xf32, #tpu.memory_space<vmem>>)
      %mul3A_77 = arith.constant 2 : i32
      %mul3A_78 = arith.muli %mul3A_77, %scan3A_49 : i32
      %add3A_79 = arith.constant 2 : i32
      %add3A_80 = arith.addi %mul3A_78, %add3A_79 : i32
      %lt3A = arith.constant 40 : i32
      %lt3A_81 = arith.cmpi slt, %add3A_80, %lt3A : i32
      %convert_element_type3A_82 = arith.extui %lt3A_81 : i1 to i32
      %cond3A_83 = arith.constant 0 : i32
      %cond3A_84 = arith.cmpi ne, %convert_element_type3A_82, %cond3A_83 : i32
      scf.if %cond3A_84 {
        %add3A_89 = arith.constant 2 : i32
        %add3A_90 = arith.addi %add3A_53, %add3A_89 : i32
        %dma_start3A_91 = arith.constant 0 : i32
        %dma_start3A_92 = tpu.memref_slice %arg7[%add3A_90, %dma_start3A_91] : memref<80x125xi32, #tpu.memory_space<vmem>> -> memref<1x125xi32, #tpu.memory_space<vmem>>
        %dma_start3A_93 = tpu.memref_squeeze %dma_start3A_92 : memref<1x125xi32, #tpu.memory_space<vmem>> -> memref<125xi32, #tpu.memory_space<vmem>>
        %dma_start3A_94 = arith.constant 0 : i32
        %dma_start3A_95 = arith.constant 0 : i32
        %dma_start3A_96 = tpu.memref_slice %arg2[%dma_start3A_94, %dma_start3A_95] : memref<10000x128xf32, #tpu.memory_space<hbm>> -> memref<10000x128xf32, #tpu.memory_space<hbm>>
        tpu.enqueue_indirect_dma source(%dma_start3A_96 : memref<10000x128xf32, #tpu.memory_space<hbm>>) target(%arg9 : memref<125x128xf32, #tpu.memory_space<vmem>>) offsets(%dma_start3A_93 : memref<125xi32, #tpu.memory_space<vmem>>) semaphore(%arg11 : memref<!tpu.dma_semaphore, #tpu.memory_space<semaphore_mem>>)
      } else {
      }
      %mul3A_85 = arith.constant 2 : i32
      %mul3A_86 = arith.muli %mul3A_85, %scan3A_49 : i32
      %add3A_87 = arith.constant 1 : i32
      %add3A_88 = arith.addi %mul3A_86, %add3A_87 : i32
      "tpu.region"() ({
        %run_scoped3A = tpu.sem_alloc : memref<!tpu.dma_semaphore, #tpu.memory_space<semaphore_mem>>
        %dma_start3A_89 = arith.constant 0 : i32
        %dma_start3A_90 = tpu.memref_slice %arg8[%add3A_88, %dma_start3A_89] : memref<40x125xi32, #tpu.memory_space<vmem>> -> memref<1x125xi32, #tpu.memory_space<vmem>>
        %dma_start3A_91 = tpu.memref_squeeze %dma_start3A_90 : memref<1x125xi32, #tpu.memory_space<vmem>> -> memref<125xi32, #tpu.memory_space<vmem>>
        %dma_start3A_92 = arith.constant 0 : i32
        %dma_start3A_93 = arith.constant 0 : i32
        %dma_start3A_94 = tpu.memref_slice %arg13[%dma_start3A_92, %dma_start3A_93] : memref<10000x128xf32, #tpu.memory_space<vmem_shared>> -> memref<10000x128xf32, #tpu.memory_space<vmem_shared>>
        tpu.enqueue_indirect_dma source(%arg10 : memref<125x128xf32, #tpu.memory_space<vmem>>) target(%dma_start3A_94 : memref<10000x128xf32, #tpu.memory_space<vmem_shared>>) offsets(%dma_start3A_91 : memref<125xi32, #tpu.memory_space<vmem>>) semaphore(%run_scoped3A : memref<!tpu.dma_semaphore, #tpu.memory_space<semaphore_mem>>) {add = true}
        %dma_wait3A_95 = arith.constant 0 : i32
        %dma_wait3A_96 = tpu.memref_slice %arg8[%add3A_88, %dma_wait3A_95] : memref<40x125xi32, #tpu.memory_space<vmem>> -> memref<1x125xi32, #tpu.memory_space<vmem>>
        %dma_wait3A_97 = tpu.memref_squeeze %dma_wait3A_96 : memref<1x125xi32, #tpu.memory_space<vmem>> -> memref<125xi32, #tpu.memory_space<vmem>>
        %dma_wait3A_98 = arith.constant 0 : i32
        %dma_wait3A_99 = arith.constant 0 : i32
        %dma_wait3A_100 = tpu.memref_slice %arg13[%dma_wait3A_98, %dma_wait3A_99] : memref<10000x128xf32, #tpu.memory_space<vmem_shared>> -> memref<10000x128xf32, #tpu.memory_space<vmem_shared>>
        tpu.wait_indirect_dma semaphore(%run_scoped3A : memref<!tpu.dma_semaphore, #tpu.memory_space<semaphore_mem>>) src(%arg10 : memref<125x128xf32, #tpu.memory_space<vmem>>) dst(%dma_wait3A_100 : memref<10000x128xf32, #tpu.memory_space<vmem_shared>>)
        tpu.yield
      }) : () -> ()
    }
    %scan3A_29 = arith.constant 20 : i32
    "tpu.region"() ({
      %run_scoped3A = tpu.sem_alloc : memref<!tpu.dma_semaphore, #tpu.memory_space<semaphore_mem>>
      %dma_start3A_49 = arith.constant 40 : i32
      %dma_start3A_50 = arith.constant 0 : i32
      %dma_start3A_51 = tpu.memref_slice %arg4[%add3A, %dma_start3A_49, %dma_start3A_50] : memref<32x80x125xi32, #tpu.memory_space<hbm>> -> memref<1x40x125xi32, #tpu.memory_space<hbm>>
      %dma_start3A_52 = tpu.memref_squeeze %dma_start3A_51 : memref<1x40x125xi32, #tpu.memory_space<hbm>> -> memref<40x125xi32, #tpu.memory_space<hbm>>
      %dma_start3A_53 = arith.constant 40 : i32
      %dma_start3A_54 = arith.constant 0 : i32
      %dma_start3A_55 = tpu.memref_slice %arg4[%add3A, %dma_start3A_53, %dma_start3A_54] : memref<32x80x125xi32, #tpu.memory_space<hbm>> -> memref<1x40x125xi32, #tpu.memory_space<hbm>>
      %dma_start3A_56 = tpu.memref_squeeze %dma_start3A_55 : memref<1x40x125xi32, #tpu.memory_space<hbm>> -> memref<40x125xi32, #tpu.memory_space<hbm>>
      tpu.enqueue_dma source(%dma_start3A_56 : memref<40x125xi32, #tpu.memory_space<hbm>>) target(%arg8 : memref<40x125xi32, #tpu.memory_space<vmem>>) target_semaphore(%run_scoped3A : memref<!tpu.dma_semaphore, #tpu.memory_space<semaphore_mem>>)
      %dma_wait3A = arith.constant 40 : i32
      %dma_wait3A_57 = arith.constant 0 : i32
      %dma_wait3A_58 = tpu.memref_slice %arg4[%add3A, %dma_wait3A, %dma_wait3A_57] : memref<32x80x125xi32, #tpu.memory_space<hbm>> -> memref<1x40x125xi32, #tpu.memory_space<hbm>>
      %dma_wait3A_59 = tpu.memref_squeeze %dma_wait3A_58 : memref<1x40x125xi32, #tpu.memory_space<hbm>> -> memref<40x125xi32, #tpu.memory_space<hbm>>
      %dma_wait3A_60 = arith.constant 40 : i32
      %dma_wait3A_61 = arith.constant 0 : i32
      %dma_wait3A_62 = tpu.memref_slice %arg4[%add3A, %dma_wait3A_60, %dma_wait3A_61] : memref<32x80x125xi32, #tpu.memory_space<hbm>> -> memref<1x40x125xi32, #tpu.memory_space<hbm>>
      %dma_wait3A_63 = tpu.memref_squeeze %dma_wait3A_62 : memref<1x40x125xi32, #tpu.memory_space<hbm>> -> memref<40x125xi32, #tpu.memory_space<hbm>>
      tpu.wait_dma2 semaphore(%run_scoped3A : memref<!tpu.dma_semaphore, #tpu.memory_space<semaphore_mem>>) src(%dma_wait3A_63 : memref<40x125xi32, #tpu.memory_space<hbm>>) dst(%arg8 : memref<40x125xi32, #tpu.memory_space<vmem>>)
      tpu.yield
    }) : () -> ()
    %dma_start3A_30 = arith.constant 40 : i32
    %dma_start3A_31 = arith.constant 0 : i32
    %dma_start3A_32 = tpu.memref_slice %arg7[%dma_start3A_30, %dma_start3A_31] : memref<80x125xi32, #tpu.memory_space<vmem>> -> memref<1x125xi32, #tpu.memory_space<vmem>>
    %dma_start3A_33 = tpu.memref_squeeze %dma_start3A_32 : memref<1x125xi32, #tpu.memory_space<vmem>> -> memref<125xi32, #tpu.memory_space<vmem>>
    %dma_start3A_34 = arith.constant 0 : i32
    %dma_start3A_35 = arith.constant 0 : i32
    %dma_start3A_36 = tpu.memref_slice %arg2[%dma_start3A_34, %dma_start3A_35] : memref<10000x128xf32, #tpu.memory_space<hbm>> -> memref<10000x128xf32, #tpu.memory_space<hbm>>
    tpu.enqueue_indirect_dma source(%dma_start3A_36 : memref<10000x128xf32, #tpu.memory_space<hbm>>) target(%arg9 : memref<125x128xf32, #tpu.memory_space<vmem>>) offsets(%dma_start3A_33 : memref<125xi32, #tpu.memory_space<vmem>>) semaphore(%arg11 : memref<!tpu.dma_semaphore, #tpu.memory_space<semaphore_mem>>)
    %scan3A_37 = arith.constant 0 : i32
    %scan3A_38 = arith.constant 0 : i32
    %scan3A_39 = arith.constant 20 : i32
    %scan3A_40 = arith.addi %scan3A_38, %scan3A_39 : i32
    %scan3A_41 = arith.constant 1 : i32
    scf.for %scan3A_49 = %scan3A_38 to %scan3A_40 step %scan3A_41  : i32 {
      %mul3A_50 = arith.constant 2 : i32
      %mul3A_51 = arith.muli %mul3A_50, %scan3A_49 : i32
      %add3A_52 = arith.constant 40 : i32
      %add3A_53 = arith.addi %add3A_52, %mul3A_51 : i32
      %dma_wait3A = arith.constant 0 : i32
      %dma_wait3A_54 = tpu.memref_slice %arg7[%add3A_53, %dma_wait3A] : memref<80x125xi32, #tpu.memory_space<vmem>> -> memref<1x125xi32, #tpu.memory_space<vmem>>
      %dma_wait3A_55 = tpu.memref_squeeze %dma_wait3A_54 : memref<1x125xi32, #tpu.memory_space<vmem>> -> memref<125xi32, #tpu.memory_space<vmem>>
      %dma_wait3A_56 = arith.constant 0 : i32
      %dma_wait3A_57 = arith.constant 0 : i32
      %dma_wait3A_58 = tpu.memref_slice %arg2[%dma_wait3A_56, %dma_wait3A_57] : memref<10000x128xf32, #tpu.memory_space<hbm>> -> memref<10000x128xf32, #tpu.memory_space<hbm>>
      tpu.wait_indirect_dma semaphore(%arg11 : memref<!tpu.dma_semaphore, #tpu.memory_space<semaphore_mem>>) src(%dma_wait3A_58 : memref<10000x128xf32, #tpu.memory_space<hbm>>) dst(%arg9 : memref<125x128xf32, #tpu.memory_space<vmem>>)
      %add3A_59 = arith.constant 1 : i32
      %add3A_60 = arith.addi %add3A_53, %add3A_59 : i32
      %dma_start3A_61 = arith.constant 0 : i32
      %dma_start3A_62 = tpu.memref_slice %arg7[%add3A_60, %dma_start3A_61] : memref<80x125xi32, #tpu.memory_space<vmem>> -> memref<1x125xi32, #tpu.memory_space<vmem>>
      %dma_start3A_63 = tpu.memref_squeeze %dma_start3A_62 : memref<1x125xi32, #tpu.memory_space<vmem>> -> memref<125xi32, #tpu.memory_space<vmem>>
      %dma_start3A_64 = arith.constant 0 : i32
      %dma_start3A_65 = arith.constant 0 : i32
      %dma_start3A_66 = tpu.memref_slice %arg2[%dma_start3A_64, %dma_start3A_65] : memref<10000x128xf32, #tpu.memory_space<hbm>> -> memref<10000x128xf32, #tpu.memory_space<hbm>>
      tpu.enqueue_indirect_dma source(%dma_start3A_66 : memref<10000x128xf32, #tpu.memory_space<hbm>>) target(%arg10 : memref<125x128xf32, #tpu.memory_space<vmem>>) offsets(%dma_start3A_63 : memref<125xi32, #tpu.memory_space<vmem>>) semaphore(%arg12 : memref<!tpu.dma_semaphore, #tpu.memory_space<semaphore_mem>>)
      %mul3A_67 = arith.constant 2 : i32
      %mul3A_68 = arith.muli %mul3A_67, %scan3A_49 : i32
      "tpu.region"() ({
        %run_scoped3A = tpu.sem_alloc : memref<!tpu.dma_semaphore, #tpu.memory_space<semaphore_mem>>
        %dma_start3A_89 = arith.constant 0 : i32
        %dma_start3A_90 = tpu.memref_slice %arg8[%mul3A_68, %dma_start3A_89] : memref<40x125xi32, #tpu.memory_space<vmem>> -> memref<1x125xi32, #tpu.memory_space<vmem>>
        %dma_start3A_91 = tpu.memref_squeeze %dma_start3A_90 : memref<1x125xi32, #tpu.memory_space<vmem>> -> memref<125xi32, #tpu.memory_space<vmem>>
        %dma_start3A_92 = arith.constant 0 : i32
        %dma_start3A_93 = arith.constant 0 : i32
        %dma_start3A_94 = tpu.memref_slice %arg13[%dma_start3A_92, %dma_start3A_93] : memref<10000x128xf32, #tpu.memory_space<vmem_shared>> -> memref<10000x128xf32, #tpu.memory_space<vmem_shared>>
        tpu.enqueue_indirect_dma source(%arg9 : memref<125x128xf32, #tpu.memory_space<vmem>>) target(%dma_start3A_94 : memref<10000x128xf32, #tpu.memory_space<vmem_shared>>) offsets(%dma_start3A_91 : memref<125xi32, #tpu.memory_space<vmem>>) semaphore(%run_scoped3A : memref<!tpu.dma_semaphore, #tpu.memory_space<semaphore_mem>>) {add = true}
        %dma_wait3A_95 = arith.constant 0 : i32
        %dma_wait3A_96 = tpu.memref_slice %arg8[%mul3A_68, %dma_wait3A_95] : memref<40x125xi32, #tpu.memory_space<vmem>> -> memref<1x125xi32, #tpu.memory_space<vmem>>
        %dma_wait3A_97 = tpu.memref_squeeze %dma_wait3A_96 : memref<1x125xi32, #tpu.memory_space<vmem>> -> memref<125xi32, #tpu.memory_space<vmem>>
        %dma_wait3A_98 = arith.constant 0 : i32
        %dma_wait3A_99 = arith.constant 0 : i32
        %dma_wait3A_100 = tpu.memref_slice %arg13[%dma_wait3A_98, %dma_wait3A_99] : memref<10000x128xf32, #tpu.memory_space<vmem_shared>> -> memref<10000x128xf32, #tpu.memory_space<vmem_shared>>
        tpu.wait_indirect_dma semaphore(%run_scoped3A : memref<!tpu.dma_semaphore, #tpu.memory_space<semaphore_mem>>) src(%arg9 : memref<125x128xf32, #tpu.memory_space<vmem>>) dst(%dma_wait3A_100 : memref<10000x128xf32, #tpu.memory_space<vmem_shared>>)
        tpu.yield
      }) : () -> ()
      %add3A_69 = arith.constant 1 : i32
      %add3A_70 = arith.addi %add3A_53, %add3A_69 : i32
      %dma_wait3A_71 = arith.constant 0 : i32
      %dma_wait3A_72 = tpu.memref_slice %arg7[%add3A_70, %dma_wait3A_71] : memref<80x125xi32, #tpu.memory_space<vmem>> -> memref<1x125xi32, #tpu.memory_space<vmem>>
      %dma_wait3A_73 = tpu.memref_squeeze %dma_wait3A_72 : memref<1x125xi32, #tpu.memory_space<vmem>> -> memref<125xi32, #tpu.memory_space<vmem>>
      %dma_wait3A_74 = arith.constant 0 : i32
      %dma_wait3A_75 = arith.constant 0 : i32
      %dma_wait3A_76 = tpu.memref_slice %arg2[%dma_wait3A_74, %dma_wait3A_75] : memref<10000x128xf32, #tpu.memory_space<hbm>> -> memref<10000x128xf32, #tpu.memory_space<hbm>>
      tpu.wait_indirect_dma semaphore(%arg12 : memref<!tpu.dma_semaphore, #tpu.memory_space<semaphore_mem>>) src(%dma_wait3A_76 : memref<10000x128xf32, #tpu.memory_space<hbm>>) dst(%arg10 : memref<125x128xf32, #tpu.memory_space<vmem>>)
      %mul3A_77 = arith.constant 2 : i32
      %mul3A_78 = arith.muli %mul3A_77, %scan3A_49 : i32
      %add3A_79 = arith.constant 2 : i32
      %add3A_80 = arith.addi %mul3A_78, %add3A_79 : i32
      %lt3A = arith.constant 40 : i32
      %lt3A_81 = arith.cmpi slt, %add3A_80, %lt3A : i32
      %convert_element_type3A_82 = arith.extui %lt3A_81 : i1 to i32
      %cond3A_83 = arith.constant 0 : i32
      %cond3A_84 = arith.cmpi ne, %convert_element_type3A_82, %cond3A_83 : i32
      scf.if %cond3A_84 {
        %add3A_89 = arith.constant 2 : i32
        %add3A_90 = arith.addi %add3A_53, %add3A_89 : i32
        %dma_start3A_91 = arith.constant 0 : i32
        %dma_start3A_92 = tpu.memref_slice %arg7[%add3A_90, %dma_start3A_91] : memref<80x125xi32, #tpu.memory_space<vmem>> -> memref<1x125xi32, #tpu.memory_space<vmem>>
        %dma_start3A_93 = tpu.memref_squeeze %dma_start3A_92 : memref<1x125xi32, #tpu.memory_space<vmem>> -> memref<125xi32, #tpu.memory_space<vmem>>
        %dma_start3A_94 = arith.constant 0 : i32
        %dma_start3A_95 = arith.constant 0 : i32
        %dma_start3A_96 = tpu.memref_slice %arg2[%dma_start3A_94, %dma_start3A_95] : memref<10000x128xf32, #tpu.memory_space<hbm>> -> memref<10000x128xf32, #tpu.memory_space<hbm>>
        tpu.enqueue_indirect_dma source(%dma_start3A_96 : memref<10000x128xf32, #tpu.memory_space<hbm>>) target(%arg9 : memref<125x128xf32, #tpu.memory_space<vmem>>) offsets(%dma_start3A_93 : memref<125xi32, #tpu.memory_space<vmem>>) semaphore(%arg11 : memref<!tpu.dma_semaphore, #tpu.memory_space<semaphore_mem>>)
      } else {
      }
      %mul3A_85 = arith.constant 2 : i32
      %mul3A_86 = arith.muli %mul3A_85, %scan3A_49 : i32
      %add3A_87 = arith.constant 1 : i32
      %add3A_88 = arith.addi %mul3A_86, %add3A_87 : i32
      "tpu.region"() ({
        %run_scoped3A = tpu.sem_alloc : memref<!tpu.dma_semaphore, #tpu.memory_space<semaphore_mem>>
        %dma_start3A_89 = arith.constant 0 : i32
        %dma_start3A_90 = tpu.memref_slice %arg8[%add3A_88, %dma_start3A_89] : memref<40x125xi32, #tpu.memory_space<vmem>> -> memref<1x125xi32, #tpu.memory_space<vmem>>
        %dma_start3A_91 = tpu.memref_squeeze %dma_start3A_90 : memref<1x125xi32, #tpu.memory_space<vmem>> -> memref<125xi32, #tpu.memory_space<vmem>>
        %dma_start3A_92 = arith.constant 0 : i32
        %dma_start3A_93 = arith.constant 0 : i32
        %dma_start3A_94 = tpu.memref_slice %arg13[%dma_start3A_92, %dma_start3A_93] : memref<10000x128xf32, #tpu.memory_space<vmem_shared>> -> memref<10000x128xf32, #tpu.memory_space<vmem_shared>>
        tpu.enqueue_indirect_dma source(%arg10 : memref<125x128xf32, #tpu.memory_space<vmem>>) target(%dma_start3A_94 : memref<10000x128xf32, #tpu.memory_space<vmem_shared>>) offsets(%dma_start3A_91 : memref<125xi32, #tpu.memory_space<vmem>>) semaphore(%run_scoped3A : memref<!tpu.dma_semaphore, #tpu.memory_space<semaphore_mem>>) {add = true}
        %dma_wait3A_95 = arith.constant 0 : i32
        %dma_wait3A_96 = tpu.memref_slice %arg8[%add3A_88, %dma_wait3A_95] : memref<40x125xi32, #tpu.memory_space<vmem>> -> memref<1x125xi32, #tpu.memory_space<vmem>>
        %dma_wait3A_97 = tpu.memref_squeeze %dma_wait3A_96 : memref<1x125xi32, #tpu.memory_space<vmem>> -> memref<125xi32, #tpu.memory_space<vmem>>
        %dma_wait3A_98 = arith.constant 0 : i32
        %dma_wait3A_99 = arith.constant 0 : i32
        %dma_wait3A_100 = tpu.memref_slice %arg13[%dma_wait3A_98, %dma_wait3A_99] : memref<10000x128xf32, #tpu.memory_space<vmem_shared>> -> memref<10000x128xf32, #tpu.memory_space<vmem_shared>>
        tpu.wait_indirect_dma semaphore(%run_scoped3A : memref<!tpu.dma_semaphore, #tpu.memory_space<semaphore_mem>>) src(%arg10 : memref<125x128xf32, #tpu.memory_space<vmem>>) dst(%dma_wait3A_100 : memref<10000x128xf32, #tpu.memory_space<vmem_shared>>)
        tpu.yield
      }) : () -> ()
    }
    %scan3A_42 = arith.constant 20 : i32
    %barrier3A_43 = arith.constant 0 : index
    tpu.barrier barrier_id(%barrier3A_43)
    "tpu.region"() ({
      %run_scoped3A = tpu.sem_alloc : memref<!tpu.dma_semaphore, #tpu.memory_space<semaphore_mem>>
      %dma_start3A_49 = arith.constant 0 : i32
      %dma_start3A_50 = tpu.memref_slice %arg6[%arg0, %mul3A_2, %dma_start3A_49] : memref<2x10000x128xf32, #tpu.memory_space<hbm>> -> memref<1x624x128xf32, #tpu.memory_space<hbm>>
      %dma_start3A_51 = tpu.memref_squeeze %dma_start3A_50 : memref<1x624x128xf32, #tpu.memory_space<hbm>> -> memref<624x128xf32, #tpu.memory_space<hbm>>
      %dma_start3A_52 = arith.constant 0 : i32
      %dma_start3A_53 = tpu.memref_slice %arg13[%mul3A_2, %dma_start3A_52] : memref<10000x128xf32, #tpu.memory_space<vmem_shared>> -> memref<624x128xf32, #tpu.memory_space<vmem_shared>>
      tpu.enqueue_dma source(%dma_start3A_53 : memref<624x128xf32, #tpu.memory_space<vmem_shared>>) target(%dma_start3A_51 : memref<624x128xf32, #tpu.memory_space<hbm>>) target_semaphore(%run_scoped3A : memref<!tpu.dma_semaphore, #tpu.memory_space<semaphore_mem>>)
      %dma_wait3A = arith.constant 0 : i32
      %dma_wait3A_54 = tpu.memref_slice %arg6[%arg0, %mul3A_2, %dma_wait3A] : memref<2x10000x128xf32, #tpu.memory_space<hbm>> -> memref<1x624x128xf32, #tpu.memory_space<hbm>>
      %dma_wait3A_55 = tpu.memref_squeeze %dma_wait3A_54 : memref<1x624x128xf32, #tpu.memory_space<hbm>> -> memref<624x128xf32, #tpu.memory_space<hbm>>
      %dma_wait3A_56 = arith.constant 0 : i32
      %dma_wait3A_57 = tpu.memref_slice %arg13[%mul3A_2, %dma_wait3A_56] : memref<10000x128xf32, #tpu.memory_space<vmem_shared>> -> memref<624x128xf32, #tpu.memory_space<vmem_shared>>
      tpu.wait_dma2 semaphore(%run_scoped3A : memref<!tpu.dma_semaphore, #tpu.memory_space<semaphore_mem>>) src(%dma_wait3A_57 : memref<624x128xf32, #tpu.memory_space<vmem_shared>>) dst(%dma_wait3A_55 : memref<624x128xf32, #tpu.memory_space<hbm>>)
      tpu.yield
    }) : () -> ()
    %eq3A_44 = arith.constant 15 : i32
    %eq3A_45 = arith.cmpi eq, %arg1, %eq3A_44 : i32
    %convert_element_type3A_46 = arith.extui %eq3A_45 : i1 to i32
    %cond3A_47 = arith.constant 0 : i32
    %cond3A_48 = arith.cmpi ne, %convert_element_type3A_46, %cond3A_47 : i32
    scf.if %cond3A_48 {
      "tpu.region"() ({
        %run_scoped3A = tpu.sem_alloc : memref<!tpu.dma_semaphore, #tpu.memory_space<semaphore_mem>>
        %dma_start3A_49 = arith.constant 9984 : i32
        %dma_start3A_50 = arith.constant 0 : i32
        %dma_start3A_51 = tpu.memref_slice %arg6[%arg0, %dma_start3A_49, %dma_start3A_50] : memref<2x10000x128xf32, #tpu.memory_space<hbm>> -> memref<1x16x128xf32, #tpu.memory_space<hbm>>
        %dma_start3A_52 = tpu.memref_squeeze %dma_start3A_51 : memref<1x16x128xf32, #tpu.memory_space<hbm>> -> memref<16x128xf32, #tpu.memory_space<hbm>>
        %dma_start3A_53 = arith.constant 9984 : i32
        %dma_start3A_54 = arith.constant 0 : i32
        %dma_start3A_55 = tpu.memref_slice %arg13[%dma_start3A_53, %dma_start3A_54] : memref<10000x128xf32, #tpu.memory_space<vmem_shared>> -> memref<16x128xf32, #tpu.memory_space<vmem_shared>>
        tpu.enqueue_dma source(%dma_start3A_55 : memref<16x128xf32, #tpu.memory_space<vmem_shared>>) target(%dma_start3A_52 : memref<16x128xf32, #tpu.memory_space<hbm>>) target_semaphore(%run_scoped3A : memref<!tpu.dma_semaphore, #tpu.memory_space<semaphore_mem>>)
        %dma_wait3A = arith.constant 9984 : i32
        %dma_wait3A_56 = arith.constant 0 : i32
        %dma_wait3A_57 = tpu.memref_slice %arg6[%arg0, %dma_wait3A, %dma_wait3A_56] : memref<2x10000x128xf32, #tpu.memory_space<hbm>> -> memref<1x16x128xf32, #tpu.memory_space<hbm>>
        %dma_wait3A_58 = tpu.memref_squeeze %dma_wait3A_57 : memref<1x16x128xf32, #tpu.memory_space<hbm>> -> memref<16x128xf32, #tpu.memory_space<hbm>>
        %dma_wait3A_59 = arith.constant 9984 : i32
        %dma_wait3A_60 = arith.constant 0 : i32
        %dma_wait3A_61 = tpu.memref_slice %arg13[%dma_wait3A_59, %dma_wait3A_60] : memref<10000x128xf32, #tpu.memory_space<vmem_shared>> -> memref<16x128xf32, #tpu.memory_space<vmem_shared>>
        tpu.wait_dma2 semaphore(%run_scoped3A : memref<!tpu.dma_semaphore, #tpu.memory_space<semaphore_mem>>) src(%dma_wait3A_61 : memref<16x128xf32, #tpu.memory_space<vmem_shared>>) dst(%dma_wait3A_58 : memref<16x128xf32, #tpu.memory_space<hbm>>)
        tpu.yield
      }) : () -> ()
    } else {
    }
    return
  }
}

#map = affine_map<(d0, d1) -> (0, 0)>
#map1 = affine_map<(d0, d1) -> (0, 0, 0)>
module attributes {stable_mosaic.version = 14 : i64} {
  func.func @_sc_agg_body(%arg0: i32, %arg1: i32, %arg2: memref<10000x128xf32, #tpu.memory_space<hbm>>, %arg3: memref<32x80x125xi32, #tpu.memory_space<hbm>>, %arg4: memref<32x80x125xi32, #tpu.memory_space<hbm>>, %arg5: memref<10000x128xf32, #tpu.memory_space<hbm>>, %arg6: memref<2x10000x128xf32, #tpu.memory_space<hbm>>, %arg7: memref<80x125xi32, #tpu.memory_space<vmem>>, %arg8: memref<40x125xi32, #tpu.memory_space<vmem>>, %arg9: memref<125x128xf32, #tpu.memory_space<vmem>>, %arg10: memref<125x128xf32, #tpu.memory_space<vmem>>, %arg11: memref<!tpu.dma_semaphore, #tpu.memory_space<semaphore_mem>>, %arg12: memref<!tpu.dma_semaphore, #tpu.memory_space<semaphore_mem>>, %arg13: memref<10000x128xf32, #tpu.memory_space<vmem_shared>>) attributes {dimension_semantics = [#tpu.dimension_semantics<core_parallel>, #tpu.dimension_semantics<subcore_parallel>], iteration_bounds = array<i64: 2, 16>, scalar_prefetch = 0 : i64, scratch_operands = 7 : i64, tpu.core_type = #tpu.core_type<sc_vector_subcore>, window_params = [{transform_indices = #map}, {transform_indices = #map1}, {transform_indices = #map1}, {transform_indices = #map}, {transform_indices = #map1}]} {
    %mul3A = arith.constant 16 : i32
    %mul3A_0 = arith.muli %arg0, %mul3A : i32
    %add3A = arith.addi %mul3A_0, %arg1 : i32
    %mul3A_1 = arith.constant 624 : i32
    %mul3A_2 = arith.muli %arg1, %mul3A_1 : i32
    %eq3A = arith.constant 0 : i32
    %eq3A_3 = arith.cmpi eq, %arg0, %eq3A : i32
    %convert_element_type3A = arith.extui %eq3A_3 : i1 to i32
    %cond3A = arith.constant 0 : i32
    %cond3A_4 = arith.cmpi ne, %convert_element_type3A, %cond3A : i32
    scf.if %cond3A_4 {
      %dma_start3A_49 = arith.constant 0 : i32
      %dma_start3A_50 = tpu.memref_slice %arg13[%mul3A_2, %dma_start3A_49] : memref<10000x128xf32, #tpu.memory_space<vmem_shared>> -> memref<624x128xf32, #tpu.memory_space<vmem_shared>>
      %dma_start3A_51 = arith.constant 0 : i32
      %dma_start3A_52 = tpu.memref_slice %arg2[%mul3A_2, %dma_start3A_51] : memref<10000x128xf32, #tpu.memory_space<hbm>> -> memref<624x128xf32, #tpu.memory_space<hbm>>
      tpu.enqueue_dma source(%dma_start3A_52 : memref<624x128xf32, #tpu.memory_space<hbm>>) target(%dma_start3A_50 : memref<624x128xf32, #tpu.memory_space<vmem_shared>>) target_semaphore(%arg12 : memref<!tpu.dma_semaphore, #tpu.memory_space<semaphore_mem>>)
      %eq3A_53 = arith.constant 15 : i32
      %eq3A_54 = arith.cmpi eq, %arg1, %eq3A_53 : i32
      %convert_element_type3A_55 = arith.extui %eq3A_54 : i1 to i32
      %cond3A_56 = arith.constant 0 : i32
      %cond3A_57 = arith.cmpi ne, %convert_element_type3A_55, %cond3A_56 : i32
      scf.if %cond3A_57 {
        "tpu.region"() ({
          %run_scoped3A = tpu.sem_alloc : memref<!tpu.dma_semaphore, #tpu.memory_space<semaphore_mem>>
          %dma_start3A_58 = arith.constant 9984 : i32
          %dma_start3A_59 = arith.constant 0 : i32
          %dma_start3A_60 = tpu.memref_slice %arg13[%dma_start3A_58, %dma_start3A_59] : memref<10000x128xf32, #tpu.memory_space<vmem_shared>> -> memref<16x128xf32, #tpu.memory_space<vmem_shared>>
          %dma_start3A_61 = arith.constant 9984 : i32
          %dma_start3A_62 = arith.constant 0 : i32
          %dma_start3A_63 = tpu.memref_slice %arg2[%dma_start3A_61, %dma_start3A_62] : memref<10000x128xf32, #tpu.memory_space<hbm>> -> memref<16x128xf32, #tpu.memory_space<hbm>>
          tpu.enqueue_dma source(%dma_start3A_63 : memref<16x128xf32, #tpu.memory_space<hbm>>) target(%dma_start3A_60 : memref<16x128xf32, #tpu.memory_space<vmem_shared>>) target_semaphore(%run_scoped3A : memref<!tpu.dma_semaphore, #tpu.memory_space<semaphore_mem>>)
          %dma_wait3A = arith.constant 9984 : i32
          %dma_wait3A_64 = arith.constant 0 : i32
          %dma_wait3A_65 = tpu.memref_slice %arg13[%dma_wait3A, %dma_wait3A_64] : memref<10000x128xf32, #tpu.memory_space<vmem_shared>> -> memref<16x128xf32, #tpu.memory_space<vmem_shared>>
          %dma_wait3A_66 = arith.constant 9984 : i32
          %dma_wait3A_67 = arith.constant 0 : i32
          %dma_wait3A_68 = tpu.memref_slice %arg2[%dma_wait3A_66, %dma_wait3A_67] : memref<10000x128xf32, #tpu.memory_space<hbm>> -> memref<16x128xf32, #tpu.memory_space<hbm>>
          tpu.wait_dma2 semaphore(%run_scoped3A : memref<!tpu.dma_semaphore, #tpu.memory_space<semaphore_mem>>) src(%dma_wait3A_68 : memref<16x128xf32, #tpu.memory_space<hbm>>) dst(%dma_wait3A_65 : memref<16x128xf32, #tpu.memory_space<vmem_shared>>)
          tpu.yield
        }) : () -> ()
      } else {
      }
    } else {
    }
    %ne3A = arith.constant 0 : i32
    %ne3A_5 = arith.cmpi ne, %arg0, %ne3A : i32
    %convert_element_type3A_6 = arith.extui %ne3A_5 : i1 to i32
    %cond3A_7 = arith.constant 0 : i32
    %cond3A_8 = arith.cmpi ne, %convert_element_type3A_6, %cond3A_7 : i32
    scf.if %cond3A_8 {
      %dma_start3A_49 = arith.constant 0 : i32
      %dma_start3A_50 = tpu.memref_slice %arg13[%mul3A_2, %dma_start3A_49] : memref<10000x128xf32, #tpu.memory_space<vmem_shared>> -> memref<624x128xf32, #tpu.memory_space<vmem_shared>>
      %dma_start3A_51 = arith.constant 0 : i32
      %dma_start3A_52 = tpu.memref_slice %arg5[%mul3A_2, %dma_start3A_51] : memref<10000x128xf32, #tpu.memory_space<hbm>> -> memref<624x128xf32, #tpu.memory_space<hbm>>
      tpu.enqueue_dma source(%dma_start3A_52 : memref<624x128xf32, #tpu.memory_space<hbm>>) target(%dma_start3A_50 : memref<624x128xf32, #tpu.memory_space<vmem_shared>>) target_semaphore(%arg12 : memref<!tpu.dma_semaphore, #tpu.memory_space<semaphore_mem>>)
      %eq3A_53 = arith.constant 15 : i32
      %eq3A_54 = arith.cmpi eq, %arg1, %eq3A_53 : i32
      %convert_element_type3A_55 = arith.extui %eq3A_54 : i1 to i32
      %cond3A_56 = arith.constant 0 : i32
      %cond3A_57 = arith.cmpi ne, %convert_element_type3A_55, %cond3A_56 : i32
      scf.if %cond3A_57 {
        "tpu.region"() ({
          %run_scoped3A = tpu.sem_alloc : memref<!tpu.dma_semaphore, #tpu.memory_space<semaphore_mem>>
          %dma_start3A_58 = arith.constant 9984 : i32
          %dma_start3A_59 = arith.constant 0 : i32
          %dma_start3A_60 = tpu.memref_slice %arg13[%dma_start3A_58, %dma_start3A_59] : memref<10000x128xf32, #tpu.memory_space<vmem_shared>> -> memref<16x128xf32, #tpu.memory_space<vmem_shared>>
          %dma_start3A_61 = arith.constant 9984 : i32
          %dma_start3A_62 = arith.constant 0 : i32
          %dma_start3A_63 = tpu.memref_slice %arg5[%dma_start3A_61, %dma_start3A_62] : memref<10000x128xf32, #tpu.memory_space<hbm>> -> memref<16x128xf32, #tpu.memory_space<hbm>>
          tpu.enqueue_dma source(%dma_start3A_63 : memref<16x128xf32, #tpu.memory_space<hbm>>) target(%dma_start3A_60 : memref<16x128xf32, #tpu.memory_space<vmem_shared>>) target_semaphore(%run_scoped3A : memref<!tpu.dma_semaphore, #tpu.memory_space<semaphore_mem>>)
          %dma_wait3A = arith.constant 9984 : i32
          %dma_wait3A_64 = arith.constant 0 : i32
          %dma_wait3A_65 = tpu.memref_slice %arg13[%dma_wait3A, %dma_wait3A_64] : memref<10000x128xf32, #tpu.memory_space<vmem_shared>> -> memref<16x128xf32, #tpu.memory_space<vmem_shared>>
          %dma_wait3A_66 = arith.constant 9984 : i32
          %dma_wait3A_67 = arith.constant 0 : i32
          %dma_wait3A_68 = tpu.memref_slice %arg5[%dma_wait3A_66, %dma_wait3A_67] : memref<10000x128xf32, #tpu.memory_space<hbm>> -> memref<16x128xf32, #tpu.memory_space<hbm>>
          tpu.wait_dma2 semaphore(%run_scoped3A : memref<!tpu.dma_semaphore, #tpu.memory_space<semaphore_mem>>) src(%dma_wait3A_68 : memref<16x128xf32, #tpu.memory_space<hbm>>) dst(%dma_wait3A_65 : memref<16x128xf32, #tpu.memory_space<vmem_shared>>)
          tpu.yield
        }) : () -> ()
      } else {
      }
    } else {
    }
    "tpu.region"() ({
      %run_scoped3A = tpu.sem_alloc : memref<!tpu.dma_semaphore, #tpu.memory_space<semaphore_mem>>
      %dma_start3A_49 = arith.constant 0 : i32
      %dma_start3A_50 = arith.constant 0 : i32
      %dma_start3A_51 = tpu.memref_slice %arg3[%add3A, %dma_start3A_49, %dma_start3A_50] : memref<32x80x125xi32, #tpu.memory_space<hbm>> -> memref<1x80x125xi32, #tpu.memory_space<hbm>>
      %dma_start3A_52 = tpu.memref_squeeze %dma_start3A_51 : memref<1x80x125xi32, #tpu.memory_space<hbm>> -> memref<80x125xi32, #tpu.memory_space<hbm>>
      %dma_start3A_53 = arith.constant 0 : i32
      %dma_start3A_54 = arith.constant 0 : i32
      %dma_start3A_55 = tpu.memref_slice %arg3[%add3A, %dma_start3A_53, %dma_start3A_54] : memref<32x80x125xi32, #tpu.memory_space<hbm>> -> memref<1x80x125xi32, #tpu.memory_space<hbm>>
      %dma_start3A_56 = tpu.memref_squeeze %dma_start3A_55 : memref<1x80x125xi32, #tpu.memory_space<hbm>> -> memref<80x125xi32, #tpu.memory_space<hbm>>
      tpu.enqueue_dma source(%dma_start3A_56 : memref<80x125xi32, #tpu.memory_space<hbm>>) target(%arg7 : memref<80x125xi32, #tpu.memory_space<vmem>>) target_semaphore(%run_scoped3A : memref<!tpu.dma_semaphore, #tpu.memory_space<semaphore_mem>>)
      %dma_wait3A = arith.constant 0 : i32
      %dma_wait3A_57 = arith.constant 0 : i32
      %dma_wait3A_58 = tpu.memref_slice %arg3[%add3A, %dma_wait3A, %dma_wait3A_57] : memref<32x80x125xi32, #tpu.memory_space<hbm>> -> memref<1x80x125xi32, #tpu.memory_space<hbm>>
      %dma_wait3A_59 = tpu.memref_squeeze %dma_wait3A_58 : memref<1x80x125xi32, #tpu.memory_space<hbm>> -> memref<80x125xi32, #tpu.memory_space<hbm>>
      %dma_wait3A_60 = arith.constant 0 : i32
      %dma_wait3A_61 = arith.constant 0 : i32
      %dma_wait3A_62 = tpu.memref_slice %arg3[%add3A, %dma_wait3A_60, %dma_wait3A_61] : memref<32x80x125xi32, #tpu.memory_space<hbm>> -> memref<1x80x125xi32, #tpu.memory_space<hbm>>
      %dma_wait3A_63 = tpu.memref_squeeze %dma_wait3A_62 : memref<1x80x125xi32, #tpu.memory_space<hbm>> -> memref<80x125xi32, #tpu.memory_space<hbm>>
      tpu.wait_dma2 semaphore(%run_scoped3A : memref<!tpu.dma_semaphore, #tpu.memory_space<semaphore_mem>>) src(%dma_wait3A_63 : memref<80x125xi32, #tpu.memory_space<hbm>>) dst(%arg7 : memref<80x125xi32, #tpu.memory_space<vmem>>)
      tpu.yield
    }) : () -> ()
    %eq3A_9 = arith.constant 0 : i32
    %eq3A_10 = arith.cmpi eq, %arg0, %eq3A_9 : i32
    %convert_element_type3A_11 = arith.extui %eq3A_10 : i1 to i32
    %cond3A_12 = arith.constant 0 : i32
    %cond3A_13 = arith.cmpi ne, %convert_element_type3A_11, %cond3A_12 : i32
    scf.if %cond3A_13 {
      %dma_wait3A = arith.constant 0 : i32
      %dma_wait3A_49 = tpu.memref_slice %arg13[%mul3A_2, %dma_wait3A] : memref<10000x128xf32, #tpu.memory_space<vmem_shared>> -> memref<624x128xf32, #tpu.memory_space<vmem_shared>>
      %dma_wait3A_50 = arith.constant 0 : i32
      %dma_wait3A_51 = tpu.memref_slice %arg2[%mul3A_2, %dma_wait3A_50] : memref<10000x128xf32, #tpu.memory_space<hbm>> -> memref<624x128xf32, #tpu.memory_space<hbm>>
      tpu.wait_dma2 semaphore(%arg12 : memref<!tpu.dma_semaphore, #tpu.memory_space<semaphore_mem>>) src(%dma_wait3A_51 : memref<624x128xf32, #tpu.memory_space<hbm>>) dst(%dma_wait3A_49 : memref<624x128xf32, #tpu.memory_space<vmem_shared>>)
    } else {
    }
    %ne3A_14 = arith.constant 0 : i32
    %ne3A_15 = arith.cmpi ne, %arg0, %ne3A_14 : i32
    %convert_element_type3A_16 = arith.extui %ne3A_15 : i1 to i32
    %cond3A_17 = arith.constant 0 : i32
    %cond3A_18 = arith.cmpi ne, %convert_element_type3A_16, %cond3A_17 : i32
    scf.if %cond3A_18 {
      %dma_wait3A = arith.constant 0 : i32
      %dma_wait3A_49 = tpu.memref_slice %arg13[%mul3A_2, %dma_wait3A] : memref<10000x128xf32, #tpu.memory_space<vmem_shared>> -> memref<624x128xf32, #tpu.memory_space<vmem_shared>>
      %dma_wait3A_50 = arith.constant 0 : i32
      %dma_wait3A_51 = tpu.memref_slice %arg5[%mul3A_2, %dma_wait3A_50] : memref<10000x128xf32, #tpu.memory_space<hbm>> -> memref<624x128xf32, #tpu.memory_space<hbm>>
      tpu.wait_dma2 semaphore(%arg12 : memref<!tpu.dma_semaphore, #tpu.memory_space<semaphore_mem>>) src(%dma_wait3A_51 : memref<624x128xf32, #tpu.memory_space<hbm>>) dst(%dma_wait3A_49 : memref<624x128xf32, #tpu.memory_space<vmem_shared>>)
    } else {
    }
    %barrier3A = arith.constant 0 : index
    tpu.barrier barrier_id(%barrier3A)
    "tpu.region"() ({
      %run_scoped3A = tpu.sem_alloc : memref<!tpu.dma_semaphore, #tpu.memory_space<semaphore_mem>>
      %dma_start3A_49 = arith.constant 0 : i32
      %dma_start3A_50 = arith.constant 0 : i32
      %dma_start3A_51 = tpu.memref_slice %arg4[%add3A, %dma_start3A_49, %dma_start3A_50] : memref<32x80x125xi32, #tpu.memory_space<hbm>> -> memref<1x40x125xi32, #tpu.memory_space<hbm>>
      %dma_start3A_52 = tpu.memref_squeeze %dma_start3A_51 : memref<1x40x125xi32, #tpu.memory_space<hbm>> -> memref<40x125xi32, #tpu.memory_space<hbm>>
      %dma_start3A_53 = arith.constant 0 : i32
      %dma_start3A_54 = arith.constant 0 : i32
      %dma_start3A_55 = tpu.memref_slice %arg4[%add3A, %dma_start3A_53, %dma_start3A_54] : memref<32x80x125xi32, #tpu.memory_space<hbm>> -> memref<1x40x125xi32, #tpu.memory_space<hbm>>
      %dma_start3A_56 = tpu.memref_squeeze %dma_start3A_55 : memref<1x40x125xi32, #tpu.memory_space<hbm>> -> memref<40x125xi32, #tpu.memory_space<hbm>>
      tpu.enqueue_dma source(%dma_start3A_56 : memref<40x125xi32, #tpu.memory_space<hbm>>) target(%arg8 : memref<40x125xi32, #tpu.memory_space<vmem>>) target_semaphore(%run_scoped3A : memref<!tpu.dma_semaphore, #tpu.memory_space<semaphore_mem>>)
      %dma_wait3A = arith.constant 0 : i32
      %dma_wait3A_57 = arith.constant 0 : i32
      %dma_wait3A_58 = tpu.memref_slice %arg4[%add3A, %dma_wait3A, %dma_wait3A_57] : memref<32x80x125xi32, #tpu.memory_space<hbm>> -> memref<1x40x125xi32, #tpu.memory_space<hbm>>
      %dma_wait3A_59 = tpu.memref_squeeze %dma_wait3A_58 : memref<1x40x125xi32, #tpu.memory_space<hbm>> -> memref<40x125xi32, #tpu.memory_space<hbm>>
      %dma_wait3A_60 = arith.constant 0 : i32
      %dma_wait3A_61 = arith.constant 0 : i32
      %dma_wait3A_62 = tpu.memref_slice %arg4[%add3A, %dma_wait3A_60, %dma_wait3A_61] : memref<32x80x125xi32, #tpu.memory_space<hbm>> -> memref<1x40x125xi32, #tpu.memory_space<hbm>>
      %dma_wait3A_63 = tpu.memref_squeeze %dma_wait3A_62 : memref<1x40x125xi32, #tpu.memory_space<hbm>> -> memref<40x125xi32, #tpu.memory_space<hbm>>
      tpu.wait_dma2 semaphore(%run_scoped3A : memref<!tpu.dma_semaphore, #tpu.memory_space<semaphore_mem>>) src(%dma_wait3A_63 : memref<40x125xi32, #tpu.memory_space<hbm>>) dst(%arg8 : memref<40x125xi32, #tpu.memory_space<vmem>>)
      tpu.yield
    }) : () -> ()
    %dma_start3A = arith.constant 0 : i32
    %dma_start3A_19 = arith.constant 0 : i32
    %dma_start3A_20 = tpu.memref_slice %arg7[%dma_start3A, %dma_start3A_19] : memref<80x125xi32, #tpu.memory_space<vmem>> -> memref<1x125xi32, #tpu.memory_space<vmem>>
    %dma_start3A_21 = tpu.memref_squeeze %dma_start3A_20 : memref<1x125xi32, #tpu.memory_space<vmem>> -> memref<125xi32, #tpu.memory_space<vmem>>
    %dma_start3A_22 = arith.constant 0 : i32
    %dma_start3A_23 = arith.constant 0 : i32
    %dma_start3A_24 = tpu.memref_slice %arg2[%dma_start3A_22, %dma_start3A_23] : memref<10000x128xf32, #tpu.memory_space<hbm>> -> memref<10000x128xf32, #tpu.memory_space<hbm>>
    tpu.enqueue_indirect_dma source(%dma_start3A_24 : memref<10000x128xf32, #tpu.memory_space<hbm>>) target(%arg9 : memref<125x128xf32, #tpu.memory_space<vmem>>) offsets(%dma_start3A_21 : memref<125xi32, #tpu.memory_space<vmem>>) semaphore(%arg11 : memref<!tpu.dma_semaphore, #tpu.memory_space<semaphore_mem>>)
    %scan3A = arith.constant 0 : i32
    %scan3A_25 = arith.constant 0 : i32
    %scan3A_26 = arith.constant 20 : i32
    %scan3A_27 = arith.addi %scan3A_25, %scan3A_26 : i32
    %scan3A_28 = arith.constant 1 : i32
    scf.for %scan3A_49 = %scan3A_25 to %scan3A_27 step %scan3A_28  : i32 {
      %mul3A_50 = arith.constant 2 : i32
      %mul3A_51 = arith.muli %mul3A_50, %scan3A_49 : i32
      %add3A_52 = arith.constant 0 : i32
      %add3A_53 = arith.addi %add3A_52, %mul3A_51 : i32
      %dma_wait3A = arith.constant 0 : i32
      %dma_wait3A_54 = tpu.memref_slice %arg7[%add3A_53, %dma_wait3A] : memref<80x125xi32, #tpu.memory_space<vmem>> -> memref<1x125xi32, #tpu.memory_space<vmem>>
      %dma_wait3A_55 = tpu.memref_squeeze %dma_wait3A_54 : memref<1x125xi32, #tpu.memory_space<vmem>> -> memref<125xi32, #tpu.memory_space<vmem>>
      %dma_wait3A_56 = arith.constant 0 : i32
      %dma_wait3A_57 = arith.constant 0 : i32
      %dma_wait3A_58 = tpu.memref_slice %arg2[%dma_wait3A_56, %dma_wait3A_57] : memref<10000x128xf32, #tpu.memory_space<hbm>> -> memref<10000x128xf32, #tpu.memory_space<hbm>>
      tpu.wait_indirect_dma semaphore(%arg11 : memref<!tpu.dma_semaphore, #tpu.memory_space<semaphore_mem>>) src(%dma_wait3A_58 : memref<10000x128xf32, #tpu.memory_space<hbm>>) dst(%arg9 : memref<125x128xf32, #tpu.memory_space<vmem>>)
      %add3A_59 = arith.constant 1 : i32
      %add3A_60 = arith.addi %add3A_53, %add3A_59 : i32
      %dma_start3A_61 = arith.constant 0 : i32
      %dma_start3A_62 = tpu.memref_slice %arg7[%add3A_60, %dma_start3A_61] : memref<80x125xi32, #tpu.memory_space<vmem>> -> memref<1x125xi32, #tpu.memory_space<vmem>>
      %dma_start3A_63 = tpu.memref_squeeze %dma_start3A_62 : memref<1x125xi32, #tpu.memory_space<vmem>> -> memref<125xi32, #tpu.memory_space<vmem>>
      %dma_start3A_64 = arith.constant 0 : i32
      %dma_start3A_65 = arith.constant 0 : i32
      %dma_start3A_66 = tpu.memref_slice %arg2[%dma_start3A_64, %dma_start3A_65] : memref<10000x128xf32, #tpu.memory_space<hbm>> -> memref<10000x128xf32, #tpu.memory_space<hbm>>
      tpu.enqueue_indirect_dma source(%dma_start3A_66 : memref<10000x128xf32, #tpu.memory_space<hbm>>) target(%arg10 : memref<125x128xf32, #tpu.memory_space<vmem>>) offsets(%dma_start3A_63 : memref<125xi32, #tpu.memory_space<vmem>>) semaphore(%arg12 : memref<!tpu.dma_semaphore, #tpu.memory_space<semaphore_mem>>)
      %mul3A_67 = arith.constant 2 : i32
      %mul3A_68 = arith.muli %mul3A_67, %scan3A_49 : i32
      "tpu.region"() ({
        %run_scoped3A = tpu.sem_alloc : memref<!tpu.dma_semaphore, #tpu.memory_space<semaphore_mem>>
        %dma_start3A_89 = arith.constant 0 : i32
        %dma_start3A_90 = tpu.memref_slice %arg8[%mul3A_68, %dma_start3A_89] : memref<40x125xi32, #tpu.memory_space<vmem>> -> memref<1x125xi32, #tpu.memory_space<vmem>>
        %dma_start3A_91 = tpu.memref_squeeze %dma_start3A_90 : memref<1x125xi32, #tpu.memory_space<vmem>> -> memref<125xi32, #tpu.memory_space<vmem>>
        %dma_start3A_92 = arith.constant 0 : i32
        %dma_start3A_93 = arith.constant 0 : i32
        %dma_start3A_94 = tpu.memref_slice %arg13[%dma_start3A_92, %dma_start3A_93] : memref<10000x128xf32, #tpu.memory_space<vmem_shared>> -> memref<10000x128xf32, #tpu.memory_space<vmem_shared>>
        tpu.enqueue_indirect_dma source(%arg9 : memref<125x128xf32, #tpu.memory_space<vmem>>) target(%dma_start3A_94 : memref<10000x128xf32, #tpu.memory_space<vmem_shared>>) offsets(%dma_start3A_91 : memref<125xi32, #tpu.memory_space<vmem>>) semaphore(%run_scoped3A : memref<!tpu.dma_semaphore, #tpu.memory_space<semaphore_mem>>) {add = true}
        %dma_wait3A_95 = arith.constant 0 : i32
        %dma_wait3A_96 = tpu.memref_slice %arg8[%mul3A_68, %dma_wait3A_95] : memref<40x125xi32, #tpu.memory_space<vmem>> -> memref<1x125xi32, #tpu.memory_space<vmem>>
        %dma_wait3A_97 = tpu.memref_squeeze %dma_wait3A_96 : memref<1x125xi32, #tpu.memory_space<vmem>> -> memref<125xi32, #tpu.memory_space<vmem>>
        %dma_wait3A_98 = arith.constant 0 : i32
        %dma_wait3A_99 = arith.constant 0 : i32
        %dma_wait3A_100 = tpu.memref_slice %arg13[%dma_wait3A_98, %dma_wait3A_99] : memref<10000x128xf32, #tpu.memory_space<vmem_shared>> -> memref<10000x128xf32, #tpu.memory_space<vmem_shared>>
        tpu.wait_indirect_dma semaphore(%run_scoped3A : memref<!tpu.dma_semaphore, #tpu.memory_space<semaphore_mem>>) src(%arg9 : memref<125x128xf32, #tpu.memory_space<vmem>>) dst(%dma_wait3A_100 : memref<10000x128xf32, #tpu.memory_space<vmem_shared>>)
        tpu.yield
      }) : () -> ()
      %add3A_69 = arith.constant 1 : i32
      %add3A_70 = arith.addi %add3A_53, %add3A_69 : i32
      %dma_wait3A_71 = arith.constant 0 : i32
      %dma_wait3A_72 = tpu.memref_slice %arg7[%add3A_70, %dma_wait3A_71] : memref<80x125xi32, #tpu.memory_space<vmem>> -> memref<1x125xi32, #tpu.memory_space<vmem>>
      %dma_wait3A_73 = tpu.memref_squeeze %dma_wait3A_72 : memref<1x125xi32, #tpu.memory_space<vmem>> -> memref<125xi32, #tpu.memory_space<vmem>>
      %dma_wait3A_74 = arith.constant 0 : i32
      %dma_wait3A_75 = arith.constant 0 : i32
      %dma_wait3A_76 = tpu.memref_slice %arg2[%dma_wait3A_74, %dma_wait3A_75] : memref<10000x128xf32, #tpu.memory_space<hbm>> -> memref<10000x128xf32, #tpu.memory_space<hbm>>
      tpu.wait_indirect_dma semaphore(%arg12 : memref<!tpu.dma_semaphore, #tpu.memory_space<semaphore_mem>>) src(%dma_wait3A_76 : memref<10000x128xf32, #tpu.memory_space<hbm>>) dst(%arg10 : memref<125x128xf32, #tpu.memory_space<vmem>>)
      %mul3A_77 = arith.constant 2 : i32
      %mul3A_78 = arith.muli %mul3A_77, %scan3A_49 : i32
      %add3A_79 = arith.constant 2 : i32
      %add3A_80 = arith.addi %mul3A_78, %add3A_79 : i32
      %lt3A = arith.constant 40 : i32
      %lt3A_81 = arith.cmpi slt, %add3A_80, %lt3A : i32
      %convert_element_type3A_82 = arith.extui %lt3A_81 : i1 to i32
      %cond3A_83 = arith.constant 0 : i32
      %cond3A_84 = arith.cmpi ne, %convert_element_type3A_82, %cond3A_83 : i32
      scf.if %cond3A_84 {
        %add3A_89 = arith.constant 2 : i32
        %add3A_90 = arith.addi %add3A_53, %add3A_89 : i32
        %dma_start3A_91 = arith.constant 0 : i32
        %dma_start3A_92 = tpu.memref_slice %arg7[%add3A_90, %dma_start3A_91] : memref<80x125xi32, #tpu.memory_space<vmem>> -> memref<1x125xi32, #tpu.memory_space<vmem>>
        %dma_start3A_93 = tpu.memref_squeeze %dma_start3A_92 : memref<1x125xi32, #tpu.memory_space<vmem>> -> memref<125xi32, #tpu.memory_space<vmem>>
        %dma_start3A_94 = arith.constant 0 : i32
        %dma_start3A_95 = arith.constant 0 : i32
        %dma_start3A_96 = tpu.memref_slice %arg2[%dma_start3A_94, %dma_start3A_95] : memref<10000x128xf32, #tpu.memory_space<hbm>> -> memref<10000x128xf32, #tpu.memory_space<hbm>>
        tpu.enqueue_indirect_dma source(%dma_start3A_96 : memref<10000x128xf32, #tpu.memory_space<hbm>>) target(%arg9 : memref<125x128xf32, #tpu.memory_space<vmem>>) offsets(%dma_start3A_93 : memref<125xi32, #tpu.memory_space<vmem>>) semaphore(%arg11 : memref<!tpu.dma_semaphore, #tpu.memory_space<semaphore_mem>>)
      } else {
      }
      %mul3A_85 = arith.constant 2 : i32
      %mul3A_86 = arith.muli %mul3A_85, %scan3A_49 : i32
      %add3A_87 = arith.constant 1 : i32
      %add3A_88 = arith.addi %mul3A_86, %add3A_87 : i32
      "tpu.region"() ({
        %run_scoped3A = tpu.sem_alloc : memref<!tpu.dma_semaphore, #tpu.memory_space<semaphore_mem>>
        %dma_start3A_89 = arith.constant 0 : i32
        %dma_start3A_90 = tpu.memref_slice %arg8[%add3A_88, %dma_start3A_89] : memref<40x125xi32, #tpu.memory_space<vmem>> -> memref<1x125xi32, #tpu.memory_space<vmem>>
        %dma_start3A_91 = tpu.memref_squeeze %dma_start3A_90 : memref<1x125xi32, #tpu.memory_space<vmem>> -> memref<125xi32, #tpu.memory_space<vmem>>
        %dma_start3A_92 = arith.constant 0 : i32
        %dma_start3A_93 = arith.constant 0 : i32
        %dma_start3A_94 = tpu.memref_slice %arg13[%dma_start3A_92, %dma_start3A_93] : memref<10000x128xf32, #tpu.memory_space<vmem_shared>> -> memref<10000x128xf32, #tpu.memory_space<vmem_shared>>
        tpu.enqueue_indirect_dma source(%arg10 : memref<125x128xf32, #tpu.memory_space<vmem>>) target(%dma_start3A_94 : memref<10000x128xf32, #tpu.memory_space<vmem_shared>>) offsets(%dma_start3A_91 : memref<125xi32, #tpu.memory_space<vmem>>) semaphore(%run_scoped3A : memref<!tpu.dma_semaphore, #tpu.memory_space<semaphore_mem>>) {add = true}
        %dma_wait3A_95 = arith.constant 0 : i32
        %dma_wait3A_96 = tpu.memref_slice %arg8[%add3A_88, %dma_wait3A_95] : memref<40x125xi32, #tpu.memory_space<vmem>> -> memref<1x125xi32, #tpu.memory_space<vmem>>
        %dma_wait3A_97 = tpu.memref_squeeze %dma_wait3A_96 : memref<1x125xi32, #tpu.memory_space<vmem>> -> memref<125xi32, #tpu.memory_space<vmem>>
        %dma_wait3A_98 = arith.constant 0 : i32
        %dma_wait3A_99 = arith.constant 0 : i32
        %dma_wait3A_100 = tpu.memref_slice %arg13[%dma_wait3A_98, %dma_wait3A_99] : memref<10000x128xf32, #tpu.memory_space<vmem_shared>> -> memref<10000x128xf32, #tpu.memory_space<vmem_shared>>
        tpu.wait_indirect_dma semaphore(%run_scoped3A : memref<!tpu.dma_semaphore, #tpu.memory_space<semaphore_mem>>) src(%arg10 : memref<125x128xf32, #tpu.memory_space<vmem>>) dst(%dma_wait3A_100 : memref<10000x128xf32, #tpu.memory_space<vmem_shared>>)
        tpu.yield
      }) : () -> ()
    }
    %scan3A_29 = arith.constant 20 : i32
    "tpu.region"() ({
      %run_scoped3A = tpu.sem_alloc : memref<!tpu.dma_semaphore, #tpu.memory_space<semaphore_mem>>
      %dma_start3A_49 = arith.constant 40 : i32
      %dma_start3A_50 = arith.constant 0 : i32
      %dma_start3A_51 = tpu.memref_slice %arg4[%add3A, %dma_start3A_49, %dma_start3A_50] : memref<32x80x125xi32, #tpu.memory_space<hbm>> -> memref<1x40x125xi32, #tpu.memory_space<hbm>>
      %dma_start3A_52 = tpu.memref_squeeze %dma_start3A_51 : memref<1x40x125xi32, #tpu.memory_space<hbm>> -> memref<40x125xi32, #tpu.memory_space<hbm>>
      %dma_start3A_53 = arith.constant 40 : i32
      %dma_start3A_54 = arith.constant 0 : i32
      %dma_start3A_55 = tpu.memref_slice %arg4[%add3A, %dma_start3A_53, %dma_start3A_54] : memref<32x80x125xi32, #tpu.memory_space<hbm>> -> memref<1x40x125xi32, #tpu.memory_space<hbm>>
      %dma_start3A_56 = tpu.memref_squeeze %dma_start3A_55 : memref<1x40x125xi32, #tpu.memory_space<hbm>> -> memref<40x125xi32, #tpu.memory_space<hbm>>
      tpu.enqueue_dma source(%dma_start3A_56 : memref<40x125xi32, #tpu.memory_space<hbm>>) target(%arg8 : memref<40x125xi32, #tpu.memory_space<vmem>>) target_semaphore(%run_scoped3A : memref<!tpu.dma_semaphore, #tpu.memory_space<semaphore_mem>>)
      %dma_wait3A = arith.constant 40 : i32
      %dma_wait3A_57 = arith.constant 0 : i32
      %dma_wait3A_58 = tpu.memref_slice %arg4[%add3A, %dma_wait3A, %dma_wait3A_57] : memref<32x80x125xi32, #tpu.memory_space<hbm>> -> memref<1x40x125xi32, #tpu.memory_space<hbm>>
      %dma_wait3A_59 = tpu.memref_squeeze %dma_wait3A_58 : memref<1x40x125xi32, #tpu.memory_space<hbm>> -> memref<40x125xi32, #tpu.memory_space<hbm>>
      %dma_wait3A_60 = arith.constant 40 : i32
      %dma_wait3A_61 = arith.constant 0 : i32
      %dma_wait3A_62 = tpu.memref_slice %arg4[%add3A, %dma_wait3A_60, %dma_wait3A_61] : memref<32x80x125xi32, #tpu.memory_space<hbm>> -> memref<1x40x125xi32, #tpu.memory_space<hbm>>
      %dma_wait3A_63 = tpu.memref_squeeze %dma_wait3A_62 : memref<1x40x125xi32, #tpu.memory_space<hbm>> -> memref<40x125xi32, #tpu.memory_space<hbm>>
      tpu.wait_dma2 semaphore(%run_scoped3A : memref<!tpu.dma_semaphore, #tpu.memory_space<semaphore_mem>>) src(%dma_wait3A_63 : memref<40x125xi32, #tpu.memory_space<hbm>>) dst(%arg8 : memref<40x125xi32, #tpu.memory_space<vmem>>)
      tpu.yield
    }) : () -> ()
    %dma_start3A_30 = arith.constant 40 : i32
    %dma_start3A_31 = arith.constant 0 : i32
    %dma_start3A_32 = tpu.memref_slice %arg7[%dma_start3A_30, %dma_start3A_31] : memref<80x125xi32, #tpu.memory_space<vmem>> -> memref<1x125xi32, #tpu.memory_space<vmem>>
    %dma_start3A_33 = tpu.memref_squeeze %dma_start3A_32 : memref<1x125xi32, #tpu.memory_space<vmem>> -> memref<125xi32, #tpu.memory_space<vmem>>
    %dma_start3A_34 = arith.constant 0 : i32
    %dma_start3A_35 = arith.constant 0 : i32
    %dma_start3A_36 = tpu.memref_slice %arg2[%dma_start3A_34, %dma_start3A_35] : memref<10000x128xf32, #tpu.memory_space<hbm>> -> memref<10000x128xf32, #tpu.memory_space<hbm>>
    tpu.enqueue_indirect_dma source(%dma_start3A_36 : memref<10000x128xf32, #tpu.memory_space<hbm>>) target(%arg9 : memref<125x128xf32, #tpu.memory_space<vmem>>) offsets(%dma_start3A_33 : memref<125xi32, #tpu.memory_space<vmem>>) semaphore(%arg11 : memref<!tpu.dma_semaphore, #tpu.memory_space<semaphore_mem>>)
    %scan3A_37 = arith.constant 0 : i32
    %scan3A_38 = arith.constant 0 : i32
    %scan3A_39 = arith.constant 20 : i32
    %scan3A_40 = arith.addi %scan3A_38, %scan3A_39 : i32
    %scan3A_41 = arith.constant 1 : i32
    scf.for %scan3A_49 = %scan3A_38 to %scan3A_40 step %scan3A_41  : i32 {
      %mul3A_50 = arith.constant 2 : i32
      %mul3A_51 = arith.muli %mul3A_50, %scan3A_49 : i32
      %add3A_52 = arith.constant 40 : i32
      %add3A_53 = arith.addi %add3A_52, %mul3A_51 : i32
      %dma_wait3A = arith.constant 0 : i32
      %dma_wait3A_54 = tpu.memref_slice %arg7[%add3A_53, %dma_wait3A] : memref<80x125xi32, #tpu.memory_space<vmem>> -> memref<1x125xi32, #tpu.memory_space<vmem>>
      %dma_wait3A_55 = tpu.memref_squeeze %dma_wait3A_54 : memref<1x125xi32, #tpu.memory_space<vmem>> -> memref<125xi32, #tpu.memory_space<vmem>>
      %dma_wait3A_56 = arith.constant 0 : i32
      %dma_wait3A_57 = arith.constant 0 : i32
      %dma_wait3A_58 = tpu.memref_slice %arg2[%dma_wait3A_56, %dma_wait3A_57] : memref<10000x128xf32, #tpu.memory_space<hbm>> -> memref<10000x128xf32, #tpu.memory_space<hbm>>
      tpu.wait_indirect_dma semaphore(%arg11 : memref<!tpu.dma_semaphore, #tpu.memory_space<semaphore_mem>>) src(%dma_wait3A_58 : memref<10000x128xf32, #tpu.memory_space<hbm>>) dst(%arg9 : memref<125x128xf32, #tpu.memory_space<vmem>>)
      %add3A_59 = arith.constant 1 : i32
      %add3A_60 = arith.addi %add3A_53, %add3A_59 : i32
      %dma_start3A_61 = arith.constant 0 : i32
      %dma_start3A_62 = tpu.memref_slice %arg7[%add3A_60, %dma_start3A_61] : memref<80x125xi32, #tpu.memory_space<vmem>> -> memref<1x125xi32, #tpu.memory_space<vmem>>
      %dma_start3A_63 = tpu.memref_squeeze %dma_start3A_62 : memref<1x125xi32, #tpu.memory_space<vmem>> -> memref<125xi32, #tpu.memory_space<vmem>>
      %dma_start3A_64 = arith.constant 0 : i32
      %dma_start3A_65 = arith.constant 0 : i32
      %dma_start3A_66 = tpu.memref_slice %arg2[%dma_start3A_64, %dma_start3A_65] : memref<10000x128xf32, #tpu.memory_space<hbm>> -> memref<10000x128xf32, #tpu.memory_space<hbm>>
      tpu.enqueue_indirect_dma source(%dma_start3A_66 : memref<10000x128xf32, #tpu.memory_space<hbm>>) target(%arg10 : memref<125x128xf32, #tpu.memory_space<vmem>>) offsets(%dma_start3A_63 : memref<125xi32, #tpu.memory_space<vmem>>) semaphore(%arg12 : memref<!tpu.dma_semaphore, #tpu.memory_space<semaphore_mem>>)
      %mul3A_67 = arith.constant 2 : i32
      %mul3A_68 = arith.muli %mul3A_67, %scan3A_49 : i32
      "tpu.region"() ({
        %run_scoped3A = tpu.sem_alloc : memref<!tpu.dma_semaphore, #tpu.memory_space<semaphore_mem>>
        %dma_start3A_89 = arith.constant 0 : i32
        %dma_start3A_90 = tpu.memref_slice %arg8[%mul3A_68, %dma_start3A_89] : memref<40x125xi32, #tpu.memory_space<vmem>> -> memref<1x125xi32, #tpu.memory_space<vmem>>
        %dma_start3A_91 = tpu.memref_squeeze %dma_start3A_90 : memref<1x125xi32, #tpu.memory_space<vmem>> -> memref<125xi32, #tpu.memory_space<vmem>>
        %dma_start3A_92 = arith.constant 0 : i32
        %dma_start3A_93 = arith.constant 0 : i32
        %dma_start3A_94 = tpu.memref_slice %arg13[%dma_start3A_92, %dma_start3A_93] : memref<10000x128xf32, #tpu.memory_space<vmem_shared>> -> memref<10000x128xf32, #tpu.memory_space<vmem_shared>>
        tpu.enqueue_indirect_dma source(%arg9 : memref<125x128xf32, #tpu.memory_space<vmem>>) target(%dma_start3A_94 : memref<10000x128xf32, #tpu.memory_space<vmem_shared>>) offsets(%dma_start3A_91 : memref<125xi32, #tpu.memory_space<vmem>>) semaphore(%run_scoped3A : memref<!tpu.dma_semaphore, #tpu.memory_space<semaphore_mem>>) {add = true}
        %dma_wait3A_95 = arith.constant 0 : i32
        %dma_wait3A_96 = tpu.memref_slice %arg8[%mul3A_68, %dma_wait3A_95] : memref<40x125xi32, #tpu.memory_space<vmem>> -> memref<1x125xi32, #tpu.memory_space<vmem>>
        %dma_wait3A_97 = tpu.memref_squeeze %dma_wait3A_96 : memref<1x125xi32, #tpu.memory_space<vmem>> -> memref<125xi32, #tpu.memory_space<vmem>>
        %dma_wait3A_98 = arith.constant 0 : i32
        %dma_wait3A_99 = arith.constant 0 : i32
        %dma_wait3A_100 = tpu.memref_slice %arg13[%dma_wait3A_98, %dma_wait3A_99] : memref<10000x128xf32, #tpu.memory_space<vmem_shared>> -> memref<10000x128xf32, #tpu.memory_space<vmem_shared>>
        tpu.wait_indirect_dma semaphore(%run_scoped3A : memref<!tpu.dma_semaphore, #tpu.memory_space<semaphore_mem>>) src(%arg9 : memref<125x128xf32, #tpu.memory_space<vmem>>) dst(%dma_wait3A_100 : memref<10000x128xf32, #tpu.memory_space<vmem_shared>>)
        tpu.yield
      }) : () -> ()
      %add3A_69 = arith.constant 1 : i32
      %add3A_70 = arith.addi %add3A_53, %add3A_69 : i32
      %dma_wait3A_71 = arith.constant 0 : i32
      %dma_wait3A_72 = tpu.memref_slice %arg7[%add3A_70, %dma_wait3A_71] : memref<80x125xi32, #tpu.memory_space<vmem>> -> memref<1x125xi32, #tpu.memory_space<vmem>>
      %dma_wait3A_73 = tpu.memref_squeeze %dma_wait3A_72 : memref<1x125xi32, #tpu.memory_space<vmem>> -> memref<125xi32, #tpu.memory_space<vmem>>
      %dma_wait3A_74 = arith.constant 0 : i32
      %dma_wait3A_75 = arith.constant 0 : i32
      %dma_wait3A_76 = tpu.memref_slice %arg2[%dma_wait3A_74, %dma_wait3A_75] : memref<10000x128xf32, #tpu.memory_space<hbm>> -> memref<10000x128xf32, #tpu.memory_space<hbm>>
      tpu.wait_indirect_dma semaphore(%arg12 : memref<!tpu.dma_semaphore, #tpu.memory_space<semaphore_mem>>) src(%dma_wait3A_76 : memref<10000x128xf32, #tpu.memory_space<hbm>>) dst(%arg10 : memref<125x128xf32, #tpu.memory_space<vmem>>)
      %mul3A_77 = arith.constant 2 : i32
      %mul3A_78 = arith.muli %mul3A_77, %scan3A_49 : i32
      %add3A_79 = arith.constant 2 : i32
      %add3A_80 = arith.addi %mul3A_78, %add3A_79 : i32
      %lt3A = arith.constant 40 : i32
      %lt3A_81 = arith.cmpi slt, %add3A_80, %lt3A : i32
      %convert_element_type3A_82 = arith.extui %lt3A_81 : i1 to i32
      %cond3A_83 = arith.constant 0 : i32
      %cond3A_84 = arith.cmpi ne, %convert_element_type3A_82, %cond3A_83 : i32
      scf.if %cond3A_84 {
        %add3A_89 = arith.constant 2 : i32
        %add3A_90 = arith.addi %add3A_53, %add3A_89 : i32
        %dma_start3A_91 = arith.constant 0 : i32
        %dma_start3A_92 = tpu.memref_slice %arg7[%add3A_90, %dma_start3A_91] : memref<80x125xi32, #tpu.memory_space<vmem>> -> memref<1x125xi32, #tpu.memory_space<vmem>>
        %dma_start3A_93 = tpu.memref_squeeze %dma_start3A_92 : memref<1x125xi32, #tpu.memory_space<vmem>> -> memref<125xi32, #tpu.memory_space<vmem>>
        %dma_start3A_94 = arith.constant 0 : i32
        %dma_start3A_95 = arith.constant 0 : i32
        %dma_start3A_96 = tpu.memref_slice %arg2[%dma_start3A_94, %dma_start3A_95] : memref<10000x128xf32, #tpu.memory_space<hbm>> -> memref<10000x128xf32, #tpu.memory_space<hbm>>
        tpu.enqueue_indirect_dma source(%dma_start3A_96 : memref<10000x128xf32, #tpu.memory_space<hbm>>) target(%arg9 : memref<125x128xf32, #tpu.memory_space<vmem>>) offsets(%dma_start3A_93 : memref<125xi32, #tpu.memory_space<vmem>>) semaphore(%arg11 : memref<!tpu.dma_semaphore, #tpu.memory_space<semaphore_mem>>)
      } else {
      }
      %mul3A_85 = arith.constant 2 : i32
      %mul3A_86 = arith.muli %mul3A_85, %scan3A_49 : i32
      %add3A_87 = arith.constant 1 : i32
      %add3A_88 = arith.addi %mul3A_86, %add3A_87 : i32
      "tpu.region"() ({
        %run_scoped3A = tpu.sem_alloc : memref<!tpu.dma_semaphore, #tpu.memory_space<semaphore_mem>>
        %dma_start3A_89 = arith.constant 0 : i32
        %dma_start3A_90 = tpu.memref_slice %arg8[%add3A_88, %dma_start3A_89] : memref<40x125xi32, #tpu.memory_space<vmem>> -> memref<1x125xi32, #tpu.memory_space<vmem>>
        %dma_start3A_91 = tpu.memref_squeeze %dma_start3A_90 : memref<1x125xi32, #tpu.memory_space<vmem>> -> memref<125xi32, #tpu.memory_space<vmem>>
        %dma_start3A_92 = arith.constant 0 : i32
        %dma_start3A_93 = arith.constant 0 : i32
        %dma_start3A_94 = tpu.memref_slice %arg13[%dma_start3A_92, %dma_start3A_93] : memref<10000x128xf32, #tpu.memory_space<vmem_shared>> -> memref<10000x128xf32, #tpu.memory_space<vmem_shared>>
        tpu.enqueue_indirect_dma source(%arg10 : memref<125x128xf32, #tpu.memory_space<vmem>>) target(%dma_start3A_94 : memref<10000x128xf32, #tpu.memory_space<vmem_shared>>) offsets(%dma_start3A_91 : memref<125xi32, #tpu.memory_space<vmem>>) semaphore(%run_scoped3A : memref<!tpu.dma_semaphore, #tpu.memory_space<semaphore_mem>>) {add = true}
        %dma_wait3A_95 = arith.constant 0 : i32
        %dma_wait3A_96 = tpu.memref_slice %arg8[%add3A_88, %dma_wait3A_95] : memref<40x125xi32, #tpu.memory_space<vmem>> -> memref<1x125xi32, #tpu.memory_space<vmem>>
        %dma_wait3A_97 = tpu.memref_squeeze %dma_wait3A_96 : memref<1x125xi32, #tpu.memory_space<vmem>> -> memref<125xi32, #tpu.memory_space<vmem>>
        %dma_wait3A_98 = arith.constant 0 : i32
        %dma_wait3A_99 = arith.constant 0 : i32
        %dma_wait3A_100 = tpu.memref_slice %arg13[%dma_wait3A_98, %dma_wait3A_99] : memref<10000x128xf32, #tpu.memory_space<vmem_shared>> -> memref<10000x128xf32, #tpu.memory_space<vmem_shared>>
        tpu.wait_indirect_dma semaphore(%run_scoped3A : memref<!tpu.dma_semaphore, #tpu.memory_space<semaphore_mem>>) src(%arg10 : memref<125x128xf32, #tpu.memory_space<vmem>>) dst(%dma_wait3A_100 : memref<10000x128xf32, #tpu.memory_space<vmem_shared>>)
        tpu.yield
      }) : () -> ()
    }
    %scan3A_42 = arith.constant 20 : i32
    %barrier3A_43 = arith.constant 0 : index
    tpu.barrier barrier_id(%barrier3A_43)
    "tpu.region"() ({
      %run_scoped3A = tpu.sem_alloc : memref<!tpu.dma_semaphore, #tpu.memory_space<semaphore_mem>>
      %dma_start3A_49 = arith.constant 0 : i32
      %dma_start3A_50 = tpu.memref_slice %arg6[%arg0, %mul3A_2, %dma_start3A_49] : memref<2x10000x128xf32, #tpu.memory_space<hbm>> -> memref<1x624x128xf32, #tpu.memory_space<hbm>>
      %dma_start3A_51 = tpu.memref_squeeze %dma_start3A_50 : memref<1x624x128xf32, #tpu.memory_space<hbm>> -> memref<624x128xf32, #tpu.memory_space<hbm>>
      %dma_start3A_52 = arith.constant 0 : i32
      %dma_start3A_53 = tpu.memref_slice %arg13[%mul3A_2, %dma_start3A_52] : memref<10000x128xf32, #tpu.memory_space<vmem_shared>> -> memref<624x128xf32, #tpu.memory_space<vmem_shared>>
      tpu.enqueue_dma source(%dma_start3A_53 : memref<624x128xf32, #tpu.memory_space<vmem_shared>>) target(%dma_start3A_51 : memref<624x128xf32, #tpu.memory_space<hbm>>) target_semaphore(%run_scoped3A : memref<!tpu.dma_semaphore, #tpu.memory_space<semaphore_mem>>)
      %dma_wait3A = arith.constant 0 : i32
      %dma_wait3A_54 = tpu.memref_slice %arg6[%arg0, %mul3A_2, %dma_wait3A] : memref<2x10000x128xf32, #tpu.memory_space<hbm>> -> memref<1x624x128xf32, #tpu.memory_space<hbm>>
      %dma_wait3A_55 = tpu.memref_squeeze %dma_wait3A_54 : memref<1x624x128xf32, #tpu.memory_space<hbm>> -> memref<624x128xf32, #tpu.memory_space<hbm>>
      %dma_wait3A_56 = arith.constant 0 : i32
      %dma_wait3A_57 = tpu.memref_slice %arg13[%mul3A_2, %dma_wait3A_56] : memref<10000x128xf32, #tpu.memory_space<vmem_shared>> -> memref<624x128xf32, #tpu.memory_space<vmem_shared>>
      tpu.wait_dma2 semaphore(%run_scoped3A : memref<!tpu.dma_semaphore, #tpu.memory_space<semaphore_mem>>) src(%dma_wait3A_57 : memref<624x128xf32, #tpu.memory_space<vmem_shared>>) dst(%dma_wait3A_55 : memref<624x128xf32, #tpu.memory_space<hbm>>)
      tpu.yield
    }) : () -> ()
    %eq3A_44 = arith.constant 15 : i32
    %eq3A_45 = arith.cmpi eq, %arg1, %eq3A_44 : i32
    %convert_element_type3A_46 = arith.extui %eq3A_45 : i1 to i32
    %cond3A_47 = arith.constant 0 : i32
    %cond3A_48 = arith.cmpi ne, %convert_element_type3A_46, %cond3A_47 : i32
    scf.if %cond3A_48 {
      "tpu.region"() ({
        %run_scoped3A = tpu.sem_alloc : memref<!tpu.dma_semaphore, #tpu.memory_space<semaphore_mem>>
        %dma_start3A_49 = arith.constant 9984 : i32
        %dma_start3A_50 = arith.constant 0 : i32
        %dma_start3A_51 = tpu.memref_slice %arg6[%arg0, %dma_start3A_49, %dma_start3A_50] : memref<2x10000x128xf32, #tpu.memory_space<hbm>> -> memref<1x16x128xf32, #tpu.memory_space<hbm>>
        %dma_start3A_52 = tpu.memref_squeeze %dma_start3A_51 : memref<1x16x128xf32, #tpu.memory_space<hbm>> -> memref<16x128xf32, #tpu.memory_space<hbm>>
        %dma_start3A_53 = arith.constant 9984 : i32
        %dma_start3A_54 = arith.constant 0 : i32
        %dma_start3A_55 = tpu.memref_slice %arg13[%dma_start3A_53, %dma_start3A_54] : memref<10000x128xf32, #tpu.memory_space<vmem_shared>> -> memref<16x128xf32, #tpu.memory_space<vmem_shared>>
        tpu.enqueue_dma source(%dma_start3A_55 : memref<16x128xf32, #tpu.memory_space<vmem_shared>>) target(%dma_start3A_52 : memref<16x128xf32, #tpu.memory_space<hbm>>) target_semaphore(%run_scoped3A : memref<!tpu.dma_semaphore, #tpu.memory_space<semaphore_mem>>)
        %dma_wait3A = arith.constant 9984 : i32
        %dma_wait3A_56 = arith.constant 0 : i32
        %dma_wait3A_57 = tpu.memref_slice %arg6[%arg0, %dma_wait3A, %dma_wait3A_56] : memref<2x10000x128xf32, #tpu.memory_space<hbm>> -> memref<1x16x128xf32, #tpu.memory_space<hbm>>
        %dma_wait3A_58 = tpu.memref_squeeze %dma_wait3A_57 : memref<1x16x128xf32, #tpu.memory_space<hbm>> -> memref<16x128xf32, #tpu.memory_space<hbm>>
        %dma_wait3A_59 = arith.constant 9984 : i32
        %dma_wait3A_60 = arith.constant 0 : i32
        %dma_wait3A_61 = tpu.memref_slice %arg13[%dma_wait3A_59, %dma_wait3A_60] : memref<10000x128xf32, #tpu.memory_space<vmem_shared>> -> memref<16x128xf32, #tpu.memory_space<vmem_shared>>
        tpu.wait_dma2 semaphore(%run_scoped3A : memref<!tpu.dma_semaphore, #tpu.memory_space<semaphore_mem>>) src(%dma_wait3A_61 : memref<16x128xf32, #tpu.memory_space<vmem_shared>>) dst(%dma_wait3A_58 : memref<16x128xf32, #tpu.memory_space<hbm>>)
        tpu.yield
      }) : () -> ()
    } else {
    }
    return
  }
}

module attributes {stable_mosaic.version = 14 : i64} {
  func.func @_mm_body(%arg0: i32, %arg1: memref<2x2000x128xf32, #tpu.memory_space<vmem>>, %arg2: memref<128x128xf32, #tpu.memory_space<vmem>>, %arg3: memref<1x128xf32, #tpu.memory_space<vmem>>, %arg4: memref<2000x128xf32, #tpu.memory_space<vmem>>) attributes {dimension_semantics = [#tpu.dimension_semantics<arbitrary>], iteration_bounds = array<i64: 5>, scalar_prefetch = 0 : i64, scratch_operands = 0 : i64, tpu.core_type = #tpu.core_type<tc>, window_params = [{transform_indices = @transform_0, window_bounds = array<i64: 2, 2000, 128>}, {pipeline_mode = #tpu.pipeline_mode<synchronous>, transform_indices = @transform_1, window_bounds = array<i64: 128, 128>}, {pipeline_mode = #tpu.pipeline_mode<synchronous>, transform_indices = @transform_2, window_bounds = array<i64: 1, 128>}, {transform_indices = @transform_3, window_bounds = array<i64: 2000, 128>}]} {
    %get3A = arith.constant 0 : index
    %get3A_0 = arith.constant 0 : index
    %get3A_1 = arith.constant 0 : index
    %get3A_2 = vector.load %arg1[%get3A, %get3A_0, %get3A_1] : memref<2x2000x128xf32, #tpu.memory_space<vmem>>, vector<1x2000x128xf32>
    %get3A_3 = vector.shape_cast %get3A_2 : vector<1x2000x128xf32> to vector<2000x128xf32>
    %get3A_4 = arith.constant 1 : index
    %get3A_5 = arith.constant 0 : index
    %get3A_6 = arith.constant 0 : index
    %get3A_7 = vector.load %arg1[%get3A_4, %get3A_5, %get3A_6] : memref<2x2000x128xf32, #tpu.memory_space<vmem>>, vector<1x2000x128xf32>
    %get3A_8 = vector.shape_cast %get3A_7 : vector<1x2000x128xf32> to vector<2000x128xf32>
    %add3A = arith.addf %get3A_3, %get3A_8 : vector<2000x128xf32>
    %get3A_9 = arith.constant 0 : index
    %get3A_10 = arith.constant 0 : index
    %get3A_11 = vector.load %arg2[%get3A_9, %get3A_10] : memref<128x128xf32, #tpu.memory_space<vmem>>, vector<128x128xf32>
    %dot_general3A = arith.constant dense<0.000000e+00> : vector<2000x128xf32>
    %dot_general3A_12 = tpu.matmul %add3A, %get3A_11, %dot_general3A {dimension_numbers = #tpu.dot_dimension_numbers<[1], [0], [0], [1], [0, 0, 1, 1], [], []>, transpose_lhs_hint = false} : vector<2000x128xf32>, vector<128x128xf32>, vector<2000x128xf32> -> vector<2000x128xf32>
    %get3A_13 = arith.constant 0 : index
    %get3A_14 = arith.constant 0 : index
    %get3A_15 = vector.load %arg3[%get3A_13, %get3A_14] : memref<1x128xf32, #tpu.memory_space<vmem>>, vector<1x128xf32>
    %add3A_16 = vector.broadcast %get3A_15 : vector<1x128xf32> to vector<2000x128xf32>
    %add3A_17 = arith.addf %dot_general3A_12, %add3A_16 : vector<2000x128xf32>
    %max3A = arith.constant 0.000000e+00 : f32
    %max3A_18 = vector.broadcast %max3A : f32 to vector<2000x128xf32>
    %max3A_19 = arith.maximumf %add3A_17, %max3A_18 : vector<2000x128xf32>
    %swap3A = arith.constant 0 : index
    %swap3A_20 = arith.constant 0 : index
    %swap3A_21 = vector.load %arg4[%swap3A, %swap3A_20] : memref<2000x128xf32, #tpu.memory_space<vmem>>, vector<2000x128xf32>
    tpu.vector_store %arg4[%swap3A, %swap3A_20], %max3A_19 {strides = array<i32>} : memref<2000x128xf32, #tpu.memory_space<vmem>>, vector<2000x128xf32>,
    return
  }
  func.func @transform_0(%arg0: i32) -> (i32, i32, i32) {
    %c0_i32 = arith.constant 0 : i32
    %c0_i32_0 = arith.constant 0 : i32
    %c0_i32_1 = arith.constant 0 : i32
    return %c0_i32, %arg0, %c0_i32_0 : i32, i32, i32
  }
  func.func @transform_1(%arg0: i32) -> (i32, i32) {
    %c0_i32 = arith.constant 0 : i32
    %c0_i32_0 = arith.constant 0 : i32
    %c0_i32_1 = arith.constant 0 : i32
    return %c0_i32, %c0_i32_0 : i32, i32
  }
  func.func @transform_2(%arg0: i32) -> (i32, i32) {
    %c0_i32 = arith.constant 0 : i32
    %c0_i32_0 = arith.constant 0 : i32
    %c0_i32_1 = arith.constant 0 : i32
    return %c0_i32, %c0_i32_0 : i32, i32
  }
  func.func @transform_3(%arg0: i32) -> (i32, i32) {
    %c0_i32 = arith.constant 0 : i32
    %c0_i32_0 = arith.constant 0 : i32
    return %arg0, %c0_i32 : i32, i32
  }
}

module attributes {stable_mosaic.version = 14 : i64} {
  func.func @_final_body(%arg0: i32, %arg1: memref<2x2000x128xf32, #tpu.memory_space<vmem>>, %arg2: memref<128x128xf32, #tpu.memory_space<vmem>>, %arg3: memref<1x128xf32, #tpu.memory_space<vmem>>, %arg4: memref<1x1x2000xi32, #tpu.memory_space<vmem>>, %arg5: memref<128x128xf32, #tpu.memory_space<vmem>>, %arg6: memref<1x128xf32, #tpu.memory_space<vmem>>, %arg7: memref<64x128xf32, #tpu.memory_space<vmem>>, %arg8: memref<64x128xf32, #tpu.memory_space<vmem>>, %arg9: memref<64x1xf32, #tpu.memory_space<vmem>>) attributes {dimension_semantics = [#tpu.dimension_semantics<arbitrary>], iteration_bounds = array<i64: 5>, scalar_prefetch = 0 : i64, scratch_operands = 2 : i64, tpu.core_type = #tpu.core_type<tc>, window_params = [{transform_indices = @transform_0, window_bounds = array<i64: 2, 2000, 128>}, {pipeline_mode = #tpu.pipeline_mode<synchronous>, transform_indices = @transform_1, window_bounds = array<i64: 128, 128>}, {pipeline_mode = #tpu.pipeline_mode<synchronous>, transform_indices = @transform_2, window_bounds = array<i64: 1, 128>}, {transform_indices = @transform_3, window_bounds = array<i64: 1, 1, 2000>}, {pipeline_mode = #tpu.pipeline_mode<synchronous>, transform_indices = @transform_4, window_bounds = array<i64: 128, 128>}, {pipeline_mode = #tpu.pipeline_mode<synchronous>, transform_indices = @transform_5, window_bounds = array<i64: 1, 128>}, {pipeline_mode = #tpu.pipeline_mode<synchronous>, transform_indices = @transform_6, window_bounds = array<i64: 64, 128>}]} {
    %eq3A = arith.constant 0 : i32
    %eq3A_0 = arith.cmpi eq, %arg0, %eq3A : i32
    %convert_element_type3A = arith.extui %eq3A_0 : i1 to i32
    %cond3A = arith.constant 0 : i32
    %cond3A_1 = arith.cmpi ne, %convert_element_type3A, %cond3A : i32
    scf.if %cond3A_1 {
      %broadcast_in_dim3A_52 = arith.constant 0.000000e+00 : f32
      %broadcast_in_dim3A_53 = vector.broadcast %broadcast_in_dim3A_52 : f32 to vector<64x128xf32>
      %swap3A_54 = arith.constant 0 : index
      %swap3A_55 = arith.constant 0 : index
      %swap3A_56 = vector.load %arg8[%swap3A_54, %swap3A_55] : memref<64x128xf32, #tpu.memory_space<vmem>>, vector<64x128xf32>
      tpu.vector_store %arg8[%swap3A_54, %swap3A_55], %broadcast_in_dim3A_53 {strides = array<i32>} : memref<64x128xf32, #tpu.memory_space<vmem>>, vector<64x128xf32>,
      %broadcast_in_dim3A_57 = arith.constant 0.000000e+00 : f32
      %broadcast_in_dim3A_58 = vector.broadcast %broadcast_in_dim3A_57 : f32 to vector<64x1xf32>
      %swap3A_59 = arith.constant 0 : index
      %swap3A_60 = arith.constant 0 : index
      %swap3A_61 = vector.load %arg9[%swap3A_59, %swap3A_60] : memref<64x1xf32, #tpu.memory_space<vmem>>, vector<64x1xf32>
      tpu.vector_store %arg9[%swap3A_59, %swap3A_60], %broadcast_in_dim3A_58 {strides = array<i32>} : memref<64x1xf32, #tpu.memory_space<vmem>>, vector<64x1xf32>,
    } else {
    }
    %get3A = arith.constant 0 : index
    %get3A_2 = arith.constant 0 : index
    %get3A_3 = arith.constant 0 : index
    %get3A_4 = vector.load %arg1[%get3A, %get3A_2, %get3A_3] : memref<2x2000x128xf32, #tpu.memory_space<vmem>>, vector<1x2000x128xf32>
    %get3A_5 = vector.shape_cast %get3A_4 : vector<1x2000x128xf32> to vector<2000x128xf32>
    %get3A_6 = arith.constant 1 : index
    %get3A_7 = arith.constant 0 : index
    %get3A_8 = arith.constant 0 : index
    %get3A_9 = vector.load %arg1[%get3A_6, %get3A_7, %get3A_8] : memref<2x2000x128xf32, #tpu.memory_space<vmem>>, vector<1x2000x128xf32>
    %get3A_10 = vector.shape_cast %get3A_9 : vector<1x2000x128xf32> to vector<2000x128xf32>
    %add3A = arith.addf %get3A_5, %get3A_10 : vector<2000x128xf32>
    %get3A_11 = arith.constant 0 : index
    %get3A_12 = arith.constant 0 : index
    %get3A_13 = vector.load %arg2[%get3A_11, %get3A_12] : memref<128x128xf32, #tpu.memory_space<vmem>>, vector<128x128xf32>
    %dot_general3A = arith.constant dense<0.000000e+00> : vector<2000x128xf32>
    %dot_general3A_14 = tpu.matmul %add3A, %get3A_13, %dot_general3A {dimension_numbers = #tpu.dot_dimension_numbers<[1], [0], [0], [1], [0, 0, 1, 1], [], []>, transpose_lhs_hint = false} : vector<2000x128xf32>, vector<128x128xf32>, vector<2000x128xf32> -> vector<2000x128xf32>
    %get3A_15 = arith.constant 0 : index
    %get3A_16 = arith.constant 0 : index
    %get3A_17 = vector.load %arg3[%get3A_15, %get3A_16] : memref<1x128xf32, #tpu.memory_space<vmem>>, vector<1x128xf32>
    %add3A_18 = vector.broadcast %get3A_17 : vector<1x128xf32> to vector<2000x128xf32>
    %add3A_19 = arith.addf %dot_general3A_14, %add3A_18 : vector<2000x128xf32>
    %max3A = arith.constant 0.000000e+00 : f32
    %max3A_20 = vector.broadcast %max3A : f32 to vector<2000x128xf32>
    %max3A_21 = arith.maximumf %add3A_19, %max3A_20 : vector<2000x128xf32>
    %get3A_22 = arith.constant 0 : index
    %get3A_23 = arith.constant 0 : index
    %get3A_24 = arith.constant 0 : index
    %get3A_25 = vector.load %arg4[%get3A_22, %get3A_23, %get3A_24] : memref<1x1x2000xi32, #tpu.memory_space<vmem>>, vector<1x1x2000xi32>
    %get3A_26 = vector.shape_cast %get3A_25 : vector<1x1x2000xi32> to vector<1x2000xi32>
    %iota3A = tpu.iota {dimensions = array<i32: 0>} : vector<64x2000xi32>
    %eq3A_27 = vector.broadcast %get3A_26 : vector<1x2000xi32> to vector<64x2000xi32>
    %eq3A_28 = arith.cmpi eq, %iota3A, %eq3A_27 : vector<64x2000xi32>
    %convert_element_type3A_29 = arith.extui %eq3A_28 : vector<64x2000xi1> to vector<64x2000xi32>
    %convert_element_type3A_30 = arith.sitofp %convert_element_type3A_29 : vector<64x2000xi32> to vector<64x2000xf32>
    %get3A_31 = arith.constant 0 : index
    %get3A_32 = arith.constant 0 : index
    %get3A_33 = vector.load %arg8[%get3A_31, %get3A_32] : memref<64x128xf32, #tpu.memory_space<vmem>>, vector<64x128xf32>
    %dot_general3A_34 = arith.constant dense<0.000000e+00> : vector<64x128xf32>
    %dot_general3A_35 = tpu.matmul %convert_element_type3A_30, %max3A_21, %dot_general3A_34 {dimension_numbers = #tpu.dot_dimension_numbers<[1], [0], [0], [1], [0, 0, 1, 1], [], []>, transpose_lhs_hint = false} : vector<64x2000xf32>, vector<2000x128xf32>, vector<64x128xf32> -> vector<64x128xf32>
    %add3A_36 = arith.addf %get3A_33, %dot_general3A_35 : vector<64x128xf32>
    %swap3A = arith.constant 0 : index
    %swap3A_37 = arith.constant 0 : index
    %swap3A_38 = vector.load %arg8[%swap3A, %swap3A_37] : memref<64x128xf32, #tpu.memory_space<vmem>>, vector<64x128xf32>
    tpu.vector_store %arg8[%swap3A, %swap3A_37], %add3A_36 {strides = array<i32>} : memref<64x128xf32, #tpu.memory_space<vmem>>, vector<64x128xf32>,
    %get3A_39 = arith.constant 0 : index
    %get3A_40 = arith.constant 0 : index
    %get3A_41 = vector.load %arg9[%get3A_39, %get3A_40] : memref<64x1xf32, #tpu.memory_space<vmem>>, vector<64x1xf32>
    %reduce_sum3A = arith.constant dense<0.000000e+00> : vector<64xf32>
    %reduce_sum3A_42 = vector.multi_reduction <add>, %convert_element_type3A_30, %reduce_sum3A [1] : vector<64x2000xf32> to vector<64xf32>
    %broadcast_in_dim3A = vector.shape_cast %reduce_sum3A_42 : vector<64xf32> to vector<64x1xf32>
    %add3A_43 = arith.addf %get3A_41, %broadcast_in_dim3A : vector<64x1xf32>
    %swap3A_44 = arith.constant 0 : index
    %swap3A_45 = arith.constant 0 : index
    %swap3A_46 = vector.load %arg9[%swap3A_44, %swap3A_45] : memref<64x1xf32, #tpu.memory_space<vmem>>, vector<64x1xf32>
    tpu.vector_store %arg9[%swap3A_44, %swap3A_45], %add3A_43 {strides = array<i32>} : memref<64x1xf32, #tpu.memory_space<vmem>>, vector<64x1xf32>,
    %eq3A_47 = arith.constant 4 : i32
    %eq3A_48 = arith.cmpi eq, %arg0, %eq3A_47 : i32
    %convert_element_type3A_49 = arith.extui %eq3A_48 : i1 to i32
    %cond3A_50 = arith.constant 0 : i32
    %cond3A_51 = arith.cmpi ne, %convert_element_type3A_49, %cond3A_50 : i32
    scf.if %cond3A_51 {
      %get3A_52 = arith.constant 0 : index
      %get3A_53 = arith.constant 0 : index
      %get3A_54 = vector.load %arg8[%get3A_52, %get3A_53] : memref<64x128xf32, #tpu.memory_space<vmem>>, vector<64x128xf32>
      %get3A_55 = arith.constant 0 : index
      %get3A_56 = arith.constant 0 : index
      %get3A_57 = vector.load %arg9[%get3A_55, %get3A_56] : memref<64x1xf32, #tpu.memory_space<vmem>>, vector<64x1xf32>
      %max3A_58 = arith.constant 1.000000e+00 : f32
      %max3A_59 = vector.broadcast %max3A_58 : f32 to vector<64x1xf32>
      %max3A_60 = arith.maximumf %get3A_57, %max3A_59 : vector<64x1xf32>
      %div3A = vector.broadcast %max3A_60 : vector<64x1xf32> to vector<64x128xf32>
      %div3A_61 = arith.divf %get3A_54, %div3A : vector<64x128xf32>
      %get3A_62 = arith.constant 0 : index
      %get3A_63 = arith.constant 0 : index
      %get3A_64 = vector.load %arg5[%get3A_62, %get3A_63] : memref<128x128xf32, #tpu.memory_space<vmem>>, vector<128x128xf32>
      %dot_general3A_65 = arith.constant dense<0.000000e+00> : vector<64x128xf32>
      %dot_general3A_66 = tpu.matmul %div3A_61, %get3A_64, %dot_general3A_65 {dimension_numbers = #tpu.dot_dimension_numbers<[1], [0], [0], [1], [0, 0, 1, 1], [], []>, transpose_lhs_hint = false} : vector<64x128xf32>, vector<128x128xf32>, vector<64x128xf32> -> vector<64x128xf32>
      %get3A_67 = arith.constant 0 : index
      %get3A_68 = arith.constant 0 : index
      %get3A_69 = vector.load %arg6[%get3A_67, %get3A_68] : memref<1x128xf32, #tpu.memory_space<vmem>>, vector<1x128xf32>
      %add3A_70 = vector.broadcast %get3A_69 : vector<1x128xf32> to vector<64x128xf32>
      %add3A_71 = arith.addf %dot_general3A_66, %add3A_70 : vector<64x128xf32>
      %swap3A_72 = arith.constant 0 : index
      %swap3A_73 = arith.constant 0 : index
      %swap3A_74 = vector.load %arg7[%swap3A_72, %swap3A_73] : memref<64x128xf32, #tpu.memory_space<vmem>>, vector<64x128xf32>
      tpu.vector_store %arg7[%swap3A_72, %swap3A_73], %add3A_71 {strides = array<i32>} : memref<64x128xf32, #tpu.memory_space<vmem>>, vector<64x128xf32>,
    } else {
    }
    return
  }
  func.func @transform_0(%arg0: i32) -> (i32, i32, i32) {
    %c0_i32 = arith.constant 0 : i32
    %c0_i32_0 = arith.constant 0 : i32
    %c0_i32_1 = arith.constant 0 : i32
    return %c0_i32, %arg0, %c0_i32_0 : i32, i32, i32
  }
  func.func @transform_1(%arg0: i32) -> (i32, i32) {
    %c0_i32 = arith.constant 0 : i32
    %c0_i32_0 = arith.constant 0 : i32
    %c0_i32_1 = arith.constant 0 : i32
    return %c0_i32, %c0_i32_0 : i32, i32
  }
  func.func @transform_2(%arg0: i32) -> (i32, i32) {
    %c0_i32 = arith.constant 0 : i32
    %c0_i32_0 = arith.constant 0 : i32
    %c0_i32_1 = arith.constant 0 : i32
    return %c0_i32, %c0_i32_0 : i32, i32
  }
  func.func @transform_3(%arg0: i32) -> (i32, i32, i32) {
    %c0_i32 = arith.constant 0 : i32
    %c0_i32_0 = arith.constant 0 : i32
    %c0_i32_1 = arith.constant 0 : i32
    return %arg0, %c0_i32, %c0_i32_0 : i32, i32, i32
  }
  func.func @transform_4(%arg0: i32) -> (i32, i32) {
    %c0_i32 = arith.constant 0 : i32
    %c0_i32_0 = arith.constant 0 : i32
    %c0_i32_1 = arith.constant 0 : i32
    return %c0_i32, %c0_i32_0 : i32, i32
  }
  func.func @transform_5(%arg0: i32) -> (i32, i32) {
    %c0_i32 = arith.constant 0 : i32
    %c0_i32_0 = arith.constant 0 : i32
    %c0_i32_1 = arith.constant 0 : i32
    return %c0_i32, %c0_i32_0 : i32, i32
  }
  func.func @transform_6(%arg0: i32) -> (i32, i32) {
    %c0_i32 = arith.constant 0 : i32
    %c0_i32_0 = arith.constant 0 : i32
    %c0_i32_1 = arith.constant 0 : i32
    return %c0_i32, %c0_i32_0 : i32, i32
  }
}

</mosaic_0001>

<sc_bundles>
// kernel: kernel.11.cloned.1.call-start
scs
__scs_entry_jumppad:
0x0: {  	(pc) =	sbr.rel $0x88, $3  }
0x1: {  	(tag) =	ssettag $0x0;
	lr =	simm.s32 $0x1  }
0x2: {  	[smem:$0x3F96] =	sst lr;
	_ =	strace $0xD0000000  }
0x3: {  	_ = 	snop  }
0x4: {  	_ = 	snop  }
0x5: {  	_ = 	snop  }
0x6: {  	_ = 	snop  }
0x7: {  	_ = 	snop  }
__scs_overlays_trampoline_lowered:
0x8: {  	[smem:$0x3FA5] =	sst s0  }
0x9: {  	[smem:$0x3FA6] =	sst s1  }
0xa: {  	[smem:$0x3FA7] =	sst s2  }
0xb: {  	[smem:$0x3FA8] =	sst s3  }
0xc: {  	[smem:$0x3FA9] =	sst s4  }
0xd: {  	[smem:$0x3FAA] =	sst s5  }
0xe: {  	[smem:$0x3FAB] =	sst s6  }
0xf: {  	[smem:$0x3FAC] =	sst s7  }
0x10: {  	[smem:$0x3FAD] =	sst s8  }
0x11: {  	[smem:$0x3FAE] =	sst s9;
	s0 =	simm.s32 @!p0 $0x0  }
0x12: {  	s1 =	sld [smem:$0x3F94];
	s0 =	simm.s32 @p0 $0x1  }
0x13: {  	[smem:$0x3FAF] =	sst s0;
	s0 =	simm.s32 @!p1 $0x0  }
0x14: {  	s2 =	sld [smem:$0x3F93];
	s0 =	simm.s32 @p1 $0x1  }
0x15: {  	[smem:$0x3FB0] =	sst s0;
	s0 =	simm.s32 @!p2 $0x0  }
0x16: {  	s3 =	sld [smem:$0x3FDB];
	s0 =	simm.s32 @p2 $0x1  }
0x17: {  	s4 =	simm.s32 $0x1BF5;
	[smem:$0x3FB2] =	sst s0  }
0x18: {  	s0 =	sld [smem:$0x3F95];
	_ =	swait.ge [sflag:s4], $0x0  }
0x19: {  	s7 =	sld [smem:$0x3F96]  }
0x1a: {  	s8 =	sadd.s32 $0xFFFFE003, lr  }
0x1b: {  	s9 =	sadd.s32 $0xFFFFFEF7, lr;
	s5 =	simm.s32 $0xFFFFFFFF;
	p2 =	slt.u32 s8, $0xFFFFF086  }
0x1c: {  	p1 =	slt.u32 s9, $0xF7A;
	s5 =	simm.s32 @!p2 $0x0  }
0x1d: {  	s5 =	simm.s32 @p1 $0x1;
	p0 =	seq.s32 s7, s2  }
0x1e: {  	s7 =	smul.u32 @!p0 $0xF7A, s2;
	p2 =	seq.s32 @!p0 s5, $0x0  }
0x1f: {  	s9 =	smul.u32 $0xF7A, s1;
	s8 =	simm.s32 @!p0 $0x1BF5;
	p2 =	por !p2, p0  }
0x20: {  	[sflag:s8] =	ssyncset.s32 @!p0 $0xFFFFF086;
	s6 =	sadd.s32 @!p0 s3, s7;
	s7 =	simm.s32 @!p0 $0x108  }
0x21: {  	s3 =	sadd.s32 s3, s9;
	s6 =	sadd.s32 @!p0 $0x88, s6;
	s7 =	simm.s32 @p2 $0x1082  }
0x22: {  	[simem:s7], [sflag:s8] =	dma.local @!p0 [hbm:s6], $0xF7A  }
0x23: {  	s9 =	sor.u32 $0xD0000000, s2;
	s6 =	simm.s32 $0x108;
	_ =	swait.ge @!p0 [sflag:s8], $0x0  }
0x24: {  	s3 =	sadd.s32 $0x88, s3;
	s6 =	simm.s32 @!p1 $0x1082;
	[sflag:s4] =	ssyncset.s32 $0xFFFFF086  }
0x25: {  	[simem:s6], [sflag:s4] =	dma.local [hbm:s3], $0xF7A  }
0x26: {  	[smem:$0x3F96] =	sst s1;
	(tag) =	ssettag s2;
	_ =	strace s9  }
0x27: {  	s1 =	sld [smem:$0x3FA6]  }
0x28: {  	s2 =	sld [smem:$0x3FA7]  }
0x29: {  	s4 =	sld [smem:$0x3FA9]  }
0x2a: {  	p0 =	seq.s32 s5, $0x0;
	s5 =	sld [smem:$0x3FAA]  }
0x2b: {  	s6 =	sld [smem:$0x3FAB]  }
0x2c: {  	s7 =	sld [smem:$0x3FAC]  }
0x2d: {  	s3 =	simm.s32 $0x108;
	s8 =	sld [smem:$0x3FAD]  }
0x2e: {  	s3 =	simm.s32 @!p0 $0x1082;
	s9 =	sld [smem:$0x3FAE]  }
0x2f: {  	lr =	sadd.s32 s0, s3;
	s0 =	sld [smem:$0x3FA5]  }
0x30: {  	s3 =	sld [smem:$0x3FA8]  }
0x31: {  	[smem:$0x3FB1] =	sst s10  }
0x32: {  	s10 =	sld [smem:$0x3FAF];
	_ =	sdelay $0x3  }
0x33: {  	p0 =	seq.s32 s10, $0x1;
	s10 =	sld [smem:$0x3FB1];
	_ =	sdelay $0x3  }
0x34: {  	[smem:$0x3FB1] =	sst s10  }
0x35: {  	s10 =	sld [smem:$0x3FB0];
	_ =	sdelay $0x3  }
0x36: {  	p1 =	seq.s32 s10, $0x1;
	s10 =	sld [smem:$0x3FB1];
	_ =	sdelay $0x3  }
0x37: {  	[smem:$0x3FB1] =	sst s10  }
0x38: {  	s10 =	sld [smem:$0x3FB2]  }
0x39: {  	_ = 	snop;
	(pc) =	sbr.ind lr, $3  }
0x3a: {  	_ = 	snop  }
0x3b: {  	_ = 	snop  }
0x3c: {  	p2 =	seq.s32 s10, $0x1;
	s10 =	sld [smem:$0x3FB1]  }
0x3d: {  	_ =	shalt  }
0x3e: {  	_ =	shalt  }
0x3f: {  	_ =	shalt  }
0x40: {  	_ =	shalt  }
0x41: {  	_ =	shalt  }
0x42: {  	_ =	shalt  }
0x43: {  	_ =	shalt  }
0x44: {  	_ =	shalt  }
0x45: {  	_ =	shalt  }
0x46: {  	_ =	shalt  }
0x47: {  	_ =	shalt  }
0x48: {  	_ =	shalt  }
0x49: {  	_ =	shalt  }
0x4a: {  	_ =	shalt  }
0x4b: {  	_ =	shalt  }
0x4c: {  	_ =	shalt  }
0x4d: {  	_ =	shalt  }
0x4e: {  	_ =	shalt  }
0x4f: {  	_ =	shalt  }
0x50: {  	_ =	shalt  }
0x51: {  	_ =	shalt  }
0x52: {  	_ =	shalt  }
0x53: {  	_ =	shalt  }
0x54: {  	_ =	shalt  }
0x55: {  	_ =	shalt  }
0x56: {  	_ =	shalt  }
0x57: {  	_ =	shalt  }
0x58: {  	_ =	shalt  }
0x59: {  	_ =	shalt  }
0x5a: {  	_ =	shalt  }
0x5b: {  	_ =	shalt  }
0x5c: {  	_ =	shalt  }
0x5d: {  	_ =	shalt  }
0x5e: {  	_ =	shalt  }
0x5f: {  	_ =	shalt  }
0x60: {  	_ =	shalt  }
0x61: {  	_ =	shalt  }
0x62: {  	_ =	shalt  }
0x63: {  	_ =	shalt  }
0x64: {  	_ =	shalt  }
0x65: {  	_ =	shalt  }
0x66: {  	_ =	shalt  }
0x67: {  	_ =	shalt  }
0x68: {  	_ =	shalt  }
0x69: {  	_ =	shalt  }
0x6a: {  	_ =	shalt  }
0x6b: {  	_ =	shalt  }
0x6c: {  	_ =	shalt  }
0x6d: {  	_ =	shalt  }
0x6e: {  	_ =	shalt  }
0x6f: {  	_ =	shalt  }
0x70: {  	_ =	shalt  }
0x71: {  	_ =	shalt  }
0x72: {  	_ =	shalt  }
0x73: {  	_ =	shalt  }
0x74: {  	_ =	shalt  }
0x75: {  	_ =	shalt  }
0x76: {  	_ =	shalt  }
0x77: {  	_ =	shalt  }
0x78: {  	_ =	shalt  }
0x79: {  	_ =	shalt  }
0x7a: {  	_ =	shalt  }
0x7b: {  	_ =	shalt  }
0x7c: {  	_ =	shalt  }
0x7d: {  	_ =	shalt  }
0x7e: {  	_ =	shalt  }
0x7f: {  	_ =	shalt  }
0x80: {  	_ =	shalt  }
0x81: {  	_ =	shalt  }
0x82: {  	_ =	shalt  }
0x83: {  	_ =	shalt  }
0x84: {  	_ =	shalt  }
0x85: {  	_ =	shalt  }
0x86: {  	_ =	shalt  }
0x87: {  	_ =	shalt  }
.Lfunc_end0:
.L_simem_size_0:
called_computation.1_lowered:
.L_overlay_start_0:
0x88: {  	s2 =	sld [smem:$0x3FD9]  }
0x89: {  	s3 =	sld [smem:$0x3FFE];
	_ =	sdelay $0x1  }
0x8a: {  	s1 =	srdreg.scid  }
0x8b: {  	s0 =	sand.u32 $0x1, s1  }
0x8c: {  	s16 =	sshll.u32 s0, $0xA;
	s2 =	sadd.s32 s3, s2  }
0x8d: {  	s2 =	sadd.s32 s2, s16  }
0x8e: {  	[smem:$0x3FBD] =	sst s2  }
0x8f: {  	_ = 	snop  }
0x90: {  	(tm) =	ssettm $0x1  }
0x91: {  	s17 =	sld [smem:$0x3FFB];
	_ =	sdelay $0x3  }
0x92: {  	_ =	strace s17  }
0x93: {  	s2 =	sld [smem:$0x3FFC];
	_ =	sdelay $0x3  }
0x94: {  	_ =	strace s2  }
0x95: {  	s2 =	sld [smem:$0x3FFD];
	_ =	sdelay $0x3  }
0x96: {  	_ =	strace s2  }
0x97: {  	_ =	strace $0x8FFFFFFF  }
0x98: {  	s18 =	sld [smem:$0x3FDB];
	_ =	sdelay $0x1  }
0x99: {  	s19 =	simm.s32 $_scs_section_size  }
0x9a: {  	s4 =	simm.s32 $_size__tile_overlayer_lowered;
	s5 =	simm.s32 $_tile_overlayer_lowered  }
0x9b: {  	s22 =	simm.s32 $0x1BFF;
	s21 =	sshll.u32 s5, $0x1;
	s2 =	sadd.s32 s19, s18  }
0x9c: {  	s6 =	simm.s32 $0x0;
	s20 =	sshll.u32 s4, $0x1;
	s4 =	sadd.s32 s21, s2  }
0x9d: {  	[timem:s6], [sflag:s22] =	dma.local [hbm:s4], s20  }
0x9e: {  	_ =	swait.ge [sflag:s22], s20  }
0x9f: {  	s3 =	ssub.s32 $0x0, s20;
	[sflag:s22] =	ssyncset.done $0x0  }
0xa0: {  	[sflag:s22] =	ssyncadd.s32 s3;
	_ =	sdelay $0x1  }
0xa1: {  	s23 =	simm.s32 $0x1B8B  }
0xa2: {  	_ =	swait.ge [sflag:s23], $0x1  }
0xa3: {  	[sflag:s23] =	ssyncset.done $0x0  }
0xa4: {  	s25 =	simm.s32 $0x1B8E;
	s24 =	sld [smem:$0x3FFE];
	[sflag:s23] =	ssyncadd.s32 $0xFFFFFFFF  }
0xa5: {  	s26 =	simm.s32 $execute0_lowered;
	[smem:$0x3FD2] =	sst s25  }
0xa6: {  	s4 =	sshll.u32 s26, $0x1;
	_ =	strace $0x80000049;
	[dreg:$0x1] =	wrdreg $0xFFFFFFFF  }
0xa7: {  	s28 =	simm.s32 $_size_execute0_lowered;
	s2 =	sadd.s32 s2, s4;
	[dreg:$0x0] =	wrdreg $0x0  }
0xa8: {  	s4 =	sshll.u32 s28, $0x1;
	[dreg:$0x2] =	wrdreg s2  }
0xa9: {  	[dreg:$0x3] =	wrdreg s4  }
0xaa: {  	[dreg:$0x4] =	wrdreg $0xC0  }
0xab: {  	_ =	task [dreg:s6], $0x5FFFF  }
0xac: {  	[dreg:$0x1] =	wrdreg $0xFFFFFFFF  }
0xad: {  	[dreg:$0x0] =	wrdreg $0x60  }
0xae: {  	[dreg:$0x2] =	wrdreg s24  }
0xaf: {  	[dreg:$0x3] =	wrdreg $0xBC000  }
0xb0: {  	[dreg:$0x4] =	wrdreg $0x9  }
0xb1: {  	_ =	task.clear_ibuf [dreg:s6], $0x5FFFF;
	_ =	strace $0x90000049  }
0xb2: {  	s29 =	simm.s32 $0x9;
	_ =	strace $0x8000004B  }
0xb3: {  	_ =	swait.ge [sflag:s29], $0x1  }
0xb4: {  	[sflag:s29] =	ssyncadd.s32 $0xFFFFFFFF  }
0xb5: {  	_ =	strace $0x9000004B  }
0xb6: {  	_ =	sfence  }
0xb7: {  	s30 =	sld [smem:$0x0];
	_ =	sdelay $0x2  }
0xb8: {  	s31 =	sshll.u32 s1, $0xD;
	s1 =	sshrl.u32 s1, $0x2  }
0xb9: {  	s3 =	sand.u32 $0x4000, s31;
	s1 =	sadd.s32 s1, s30  }
0xba: {  	s0 =	sor.u32 s3, s0;
	s1 =	sshll.u32 s1, $0x11  }
0xbb: {  	s0 =	sor.u32 s1, s0  }
0xbc: {  	s0 =	sadd.s32 $0x8F2B, s0  }
0xbd: {  	[sflag:s0] =	ssyncadd.remote.s32 $0x1  }
0xbe: {  	_ =	sfence.sel $0xFFFF  }
0xbf: {  	[dreg:$0x0] =	wrdreg $0xFFFFFFFF;
	(pc) =	sbr.abs _section_cstart, $3  }
0xc0: {  	[dreg:$0x1] =	wrdreg $0xFFFFFFFF  }
0xc1: {  	_ =	task.clear_ibuf [dreg:s6], $0x2FFFF;
	_ =	strace $0x9FFFFFFF  }
0xc2: {  	(tm) =	ssettm $0x7FFFFFFF  }
0xc3: {  	_ =	shalt  }
tec
execute0_lowered:
.L_overlay_start_1:
0x0: {  	(tag) =	ssettag $0x1  }
0x1: {  	s0 =	srdreg.scid;
	s1 =	rddreg [dreg:$0x0]  }
0x2: {  	s19 =	stileid.u32;
	s2 =	rddreg [dreg:$0x1]  }
0x3: {  	s20 =	simm.s32 $0x3;
	s21 =	simm.s32 $0x2;
	s22 =	simm.s32 $0x2800  }
0x4: {  	s23 =	simm.s32 $0x7D;
	s24 =	simm.s32 $0x3C00;
	s25 =	simm.s32 $0x1  }
0x5: {  	s28 =	simm.s32 $0x1380;
	s29 =	simm.s32 $0x3B00;
	s6 =	smul.u32 $0x4E000, s19  }
0x6: {  	s30 =	simm.s32 $0x3B80;
	s31 =	simm.s32 $0x1400;
	s8 =	smul.u32 $0x2700, s19  }
0x7: {  	s0 =	sand.u32 $0x1, s0;
	s12 =	smul.u32 $0x13800, s19;
	s15 =	sshll.u32 s19, $0x6  }
0x8: {  	p1 =	seq.s32 s19, $0xF;
	p2 =	sne.s32 s19, $0xF;
	s3 =	sshll.u32 s0, $0x4  }
0x9: {  	s7 =	ssub.s32 $0x2, s0;
	s10 =	smul.u32 $0x138800, s0;
	p0 =	sne.s32 s0, $0x0  }
0xa: {  	s16 =	sor.u32 $0x1C02, s15;
	s4 =	sor.u32 s19, s3;
	s3 =	simm.s32 $0x0  }
0xb: {  	s9 =	sshrl.u32 s7, $0x1;
	s6 =	sshrl.u32 s6, $0x2;
	s5 =	smul.u32 $0x2800, s4  }
0xc: {  	[smem:$0x7FF] =	sst s3;
	s4 =	sadd.s32 $0x3D200, s1;
	s14 =	ssub.s32 s7, s9  }
0xd: {  	s17 =	sadd.s32 s6, s2;
	s7 =	sadd.s32 $0x138000, s2;
	s12 =	sadd.s32 s12, s10  }
0xe: {  	s13 =	sshrl.u32 s10, $0x3;
	_ =	strace $0x8000004A;
	s12 =	sshrl.u32 s12, $0x3  }
0xf: {  	s14 =	smax.u32 s14, $0x1;
	s17 =	sshrl.u32 s17, $0x3;
	s5 =	sshrl.u32 s5, $0x3  }
0x10: {  	s18 =	sshrl.u32 s7, $0x3;
	s11 =	sadd.s32 s5, s1;
	s5 =	sadd.s32 $0x16000, s1  }
0x11: {  	s1 =	sadd.s32 $0x64400, s1;
	s26 =	sadd.s32 s5, s8;
	s8 =	sadd.s32 s4, s8  }
0x12: {  	s9 =	sadd.s32 $0x2000, s11;
	s10 =	sadd.s32 $0xC000, s11;
	s13 =	sadd.s32 s1, s13  }
0x13: {  	s11 =	sadd.s32 $0xC280, s11;
	s12 =	sadd.s32 s1, s12;
	s1 =	simm.s32 $0x2780  }
0x14: {  	[dreg:$0x3] =	wrdreg s26;
	s13 =	sadd.s32 $0x27000, s13;
	s26 =	simm.s32 $0x7C00  }
.LBB2_1:
.Ltmp0:
0x15: {  	(pc) =	sbr.rel @p0 .LBB2_3-.Ltmp0, $1  }
0x16: {  	_ =	sdelay $0x3  }
.Ltmp1:
0x17: {  	(pc) =	sbr.rel @p1 .LBB2_4-.Ltmp1, $4  }
.Ltmp2:
0x18: {  	(pc) =	sbr.rel @!p1 .LBB2_5-.Ltmp2, $4  }
0x19: {  	_ = 	snop  }
0x1a: {  	[spmem:s17], [sflag:s16] =	dma.local [hbm:s8], $0x2700  }
0x1b: {  	s0 =	smov.u32 s4  }
0x1c: {  	_ = 	snop  }
.LBB2_3:
.Ltmp3:
0x1d: {  	(pc) =	sbr.rel @p2 .LBB2_5-.Ltmp3, $4  }
0x1e: {  	_ = 	snop  }
0x1f: {  	s0 =	rddreg [dreg:$0x3]  }
0x20: {  	[spmem:s17], [sflag:s16] =	dma.local [hbm:s0], $0x2700  }
0x21: {  	s0 =	smov.u32 s5  }
.LBB2_4:
0x22: {  	s0 =	sadd.s32 $0x27000, s0;
	s6 =	simm.s32 $0x1FC3  }
0x23: {  	[spmem:s18], [sflag:s6] =	dma.local [hbm:s0], $0x100  }
0x24: {  	_ =	swait.ge [sflag:s20], $0x100  }
0x25: {  	[sflag:s20] =	ssyncset.done $0x0  }
0x26: {  	[sflag:s20] =	ssyncadd.s32 $0xFFFFFF00  }
.LBB2_5:
0x27: {  	s0 =	simm.s32 $0x0  }
0x28: {  	[tilespmem:s0], [sflag:$0x3] =	stream.linear.gather [hbm4b:s9+s0], $0x2800, $0x38;
	[tilespmem:$0x1F480] =	vst v63  }
0x29: {  	_ =	swait.ge [sflag:s20], $0x2800  }
0x2a: {  	[sflag:s20] =	ssyncset.done $0x0  }
0x2b: {  	[sflag:s20] =	ssyncadd.s32 $0xFFFFD800  }
0x2c: {  	_ =	swait.ge [sflag:s21], $0x2700  }
0x2d: {  	[sflag:s21] =	ssyncset.done $0x0  }
0x2e: {  	[sflag:s21] =	ssyncadd.s32 $0xFFFFD900  }
0x2f: {  	[bflag:$0x0] =	sbarrier.arrive $0xFFFF  }
0x30: {  	[tilespmem:s22], [sflag:$0x3] =	stream.linear.gather [hbm4b:s10+s0], $0x1400, $0x38;
	[tilespmem:$0x1F480] =	vst v63  }
0x31: {  	_ =	swait.ge [sflag:s20], $0x1400  }
0x32: {  	[sflag:s20] =	ssyncset.done $0x0  }
0x33: {  	[sflag:s20] =	ssyncadd.s32 $0xFFFFEC00  }
0x34: {  	[tilespmem:s24], [sflag:$0x1] =	stream.indirect.gather [hbm4b:s4+s23], $0x80, s0, s23, $0xb8;
	[tilespmem:$0x1F480] =	vst v63  }
0x35: {  	_ =	swait.ge [sflag:s25], $0x3E80  }
0x36: {  	[sflag:s25] =	ssyncset.done $0x0  }
0x37: {  	s6 =	simm.s32 $0x80;
	[sflag:s25] =	ssyncadd.s32 $0xFFFFC180  }
0x38: {  	[tilespmem:s26], [sflag:$0x2] =	stream.indirect.gather [hbm4b:s4+s23], $0x80, s6, s23, $0xb8;
	[tilespmem:$0x1F480] =	vst v63  }
0x39: {  	s19 =	simm.s32 $0x2800  }
0x3a: {  	[spmem:s2] =	stream.indirect.scatter.add.f32 [tilespmem:s24], [sflag:$0x3], $0x80, s19, s23, $0xb8;
	[tilespmem:$0x1F480] =	vst v63  }
0x3b: {  	_ =	swait.ge [sflag:s20], $0x3E80  }
0x3c: {  	[sflag:s20] =	ssyncset.done $0x0  }
0x3d: {  	[sflag:s20] =	ssyncadd.s32 $0xFFFFC180  }
0x3e: {  	_ =	swait.ge [sflag:s21], $0x3E80  }
0x3f: {  	[sflag:s21] =	ssyncset.done $0x0  }
0x40: {  	s6 =	simm.s32 $0x100;
	[sflag:s21] =	ssyncadd.s32 $0xFFFFC180  }
0x41: {  	[tilespmem:s24], [sflag:$0x1] =	stream.indirect.gather [hbm4b:s4+s23], $0x80, s6, s23, $0xb8;
	[tilespmem:$0x1F480] =	vst v63  }
0x42: {  	s19 =	simm.s32 $0x2880  }
0x43: {  	[spmem:s2] =	stream.indirect.scatter.add.f32 [tilespmem:s26], [sflag:$0x3], $0x80, s19, s23, $0xb8;
	[tilespmem:$0x1F480] =	vst v63  }
0x44: {  	_ =	swait.ge [sflag:s20], $0x3E80  }
0x45: {  	s0 =	simm.s32 $0x400;
	[sflag:s20] =	ssyncset.done $0x0  }
.LBB2_6:
0x46: {  	p3 =	sne.s32 s0, $0x4800  }
0x47: {  	[sflag:s20] =	ssyncadd.s32 $0xFFFFC180;
	s19 =	smov.u32 s0;
	s0 =	sadd.s32 $0x400, s0  }
0x48: {  	_ = 	snop  }
0x49: {  	_ =	swait.ge [sflag:s25], $0x3E80  }
0x4a: {  	s19 =	sshra.s32 s19, $0x2;
	[sflag:s25] =	ssyncset.done $0x0  }
0x4b: {  	s6 =	sadd.s32 $0x80, s19;
	[sflag:s25] =	ssyncadd.s32 $0xFFFFC180  }
0x4c: {  	[tilespmem:s26], [sflag:$0x2] =	stream.indirect.gather [hbm4b:s4+s23], $0x80, s6, s23, $0xb8;
	[tilespmem:$0x1F480] =	vst v63  }
0x4d: {  	s6 =	sadd.s32 $0x2800, s19  }
0x4e: {  	[spmem:s2] =	stream.indirect.scatter.add.f32 [tilespmem:s24], [sflag:$0x3], $0x80, s6, s23, $0xb8;
	[tilespmem:$0x1F480] =	vst v63  }
0x4f: {  	_ =	swait.ge [sflag:s20], $0x3E80  }
0x50: {  	[sflag:s20] =	ssyncset.done $0x0  }
0x51: {  	[sflag:s20] =	ssyncadd.s32 $0xFFFFC180  }
0x52: {  	_ =	swait.ge [sflag:s21], $0x3E80  }
0x53: {  	[sflag:s21] =	ssyncset.done $0x0  }
0x54: {  	s6 =	sadd.s32 $0x100, s19;
	[sflag:s21] =	ssyncadd.s32 $0xFFFFC180  }
0x55: {  	[tilespmem:s24], [sflag:$0x1] =	stream.indirect.gather [hbm4b:s4+s23], $0x80, s6, s23, $0xb8;
	[tilespmem:$0x1F480] =	vst v63  }
.Ltmp4:
0x56: {  	_ = 	snop;
	(pc) =	sbr.rel @p3 .LBB2_6-.Ltmp4, $4  }
0x57: {  	s6 =	sadd.s32 $0x2880, s19  }
0x58: {  	[spmem:s2] =	stream.indirect.scatter.add.f32 [tilespmem:s26], [sflag:$0x3], $0x80, s6, s23, $0xb8;
	[tilespmem:$0x1F480] =	vst v63  }
0x59: {  	_ =	swait.ge [sflag:s20], $0x3E80  }
0x5a: {  	[sflag:s20] =	ssyncset.done $0x0  }
0x5b: {  	[sflag:s20] =	ssyncadd.s32 $0xFFFFC180  }
0x5c: {  	_ =	swait.ge [sflag:s25], $0x3E80  }
0x5d: {  	[sflag:s25] =	ssyncset.done $0x0  }
0x5e: {  	[sflag:s25] =	ssyncadd.s32 $0xFFFFC180  }
0x5f: {  	[tilespmem:s26], [sflag:$0x2] =	stream.indirect.gather [hbm4b:s4+s23], $0x80, s28, s23, $0xb8;
	[tilespmem:$0x1F480] =	vst v63  }
0x60: {  	_ = 	snop  }
0x61: {  	[spmem:s2] =	stream.indirect.scatter.add.f32 [tilespmem:s24], [sflag:$0x3], $0x80, s29, s23, $0xb8;
	[tilespmem:$0x1F480] =	vst v63  }
0x62: {  	_ =	swait.ge [sflag:s20], $0x3E80  }
0x63: {  	[sflag:s20] =	ssyncset.done $0x0  }
0x64: {  	[sflag:s20] =	ssyncadd.s32 $0xFFFFC180  }
0x65: {  	_ =	swait.ge [sflag:s21], $0x3E80  }
0x66: {  	[sflag:s21] =	ssyncset.done $0x0  }
0x67: {  	[sflag:s21] =	ssyncadd.s32 $0xFFFFC180  }
0x68: {  	[spmem:s2] =	stream.indirect.scatter.add.f32 [tilespmem:s26], [sflag:$0x3], $0x80, s30, s23, $0xb8;
	[tilespmem:$0x1F480] =	vst v63  }
0x69: {  	_ =	swait.ge [sflag:s20], $0x3E80  }
0x6a: {  	[sflag:s20] =	ssyncset.done $0x0  }
0x6b: {  	s0 =	simm.s32 $0x0;
	[sflag:s20] =	ssyncadd.s32 $0xFFFFC180  }
0x6c: {  	[tilespmem:s22], [sflag:$0x3] =	stream.linear.gather [hbm4b:s11+s0], $0x1400, $0x38;
	[tilespmem:$0x1F480] =	vst v63  }
0x6d: {  	_ =	swait.ge [sflag:s20], $0x1400  }
0x6e: {  	[sflag:s20] =	ssyncset.done $0x0  }
0x6f: {  	[sflag:s20] =	ssyncadd.s32 $0xFFFFEC00  }
0x70: {  	[tilespmem:s24], [sflag:$0x1] =	stream.indirect.gather [hbm4b:s4+s23], $0x80, s31, s23, $0xb8;
	[tilespmem:$0x1F480] =	vst v63  }
0x71: {  	_ =	swait.ge [sflag:s25], $0x3E80  }
0x72: {  	[sflag:s25] =	ssyncset.done $0x0  }
0x73: {  	s6 =	simm.s32 $0x1480;
	[sflag:s25] =	ssyncadd.s32 $0xFFFFC180  }
0x74: {  	[tilespmem:s26], [sflag:$0x2] =	stream.indirect.gather [hbm4b:s4+s23], $0x80, s6, s23, $0xb8;
	[tilespmem:$0x1F480] =	vst v63  }
0x75: {  	s19 =	simm.s32 $0x2800  }
0x76: {  	[spmem:s2] =	stream.indirect.scatter.add.f32 [tilespmem:s24], [sflag:$0x3], $0x80, s19, s23, $0xb8;
	[tilespmem:$0x1F480] =	vst v63  }
0x77: {  	_ =	swait.ge [sflag:s20], $0x3E80  }
0x78: {  	[sflag:s20] =	ssyncset.done $0x0  }
0x79: {  	[sflag:s20] =	ssyncadd.s32 $0xFFFFC180  }
0x7a: {  	_ =	swait.ge [sflag:s21], $0x3E80  }
0x7b: {  	[sflag:s21] =	ssyncset.done $0x0  }
0x7c: {  	s6 =	simm.s32 $0x1500;
	[sflag:s21] =	ssyncadd.s32 $0xFFFFC180  }
0x7d: {  	[tilespmem:s24], [sflag:$0x1] =	stream.indirect.gather [hbm4b:s4+s23], $0x80, s6, s23, $0xb8;
	[tilespmem:$0x1F480] =	vst v63  }
0x7e: {  	s19 =	simm.s32 $0x2880  }
0x7f: {  	[spmem:s2] =	stream.indirect.scatter.add.f32 [tilespmem:s26], [sflag:$0x3], $0x80, s19, s23, $0xb8;
	[tilespmem:$0x1F480] =	vst v63  }
0x80: {  	_ =	swait.ge [sflag:s20], $0x3E80  }
0x81: {  	s0 =	simm.s32 $0x400;
	[sflag:s20] =	ssyncset.done $0x0  }
.LBB2_8:
0x82: {  	p3 =	sne.s32 s0, $0x4800  }
0x83: {  	[sflag:s20] =	ssyncadd.s32 $0xFFFFC180;
	s6 =	smov.u32 s0;
	s0 =	sadd.s32 $0x400, s0  }
0x84: {  	_ = 	snop  }
0x85: {  	_ =	swait.ge [sflag:s25], $0x3E80  }
0x86: {  	s6 =	sshra.s32 s6, $0x2;
	[sflag:s25] =	ssyncset.done $0x0  }
0x87: {  	s19 =	sadd.s32 $0x1480, s6;
	[sflag:s25] =	ssyncadd.s32 $0xFFFFC180  }
0x88: {  	[tilespmem:s26], [sflag:$0x2] =	stream.indirect.gather [hbm4b:s4+s23], $0x80, s19, s23, $0xb8;
	[tilespmem:$0x1F480] =	vst v63  }
0x89: {  	s19 =	sadd.s32 $0x2800, s6  }
0x8a: {  	[spmem:s2] =	stream.indirect.scatter.add.f32 [tilespmem:s24], [sflag:$0x3], $0x80, s19, s23, $0xb8;
	[tilespmem:$0x1F480] =	vst v63  }
0x8b: {  	_ =	swait.ge [sflag:s20], $0x3E80  }
0x8c: {  	[sflag:s20] =	ssyncset.done $0x0  }
0x8d: {  	[sflag:s20] =	ssyncadd.s32 $0xFFFFC180  }
0x8e: {  	_ =	swait.ge [sflag:s21], $0x3E80  }
0x8f: {  	[sflag:s21] =	ssyncset.done $0x0  }
0x90: {  	s19 =	sadd.s32 $0x1500, s6;
	[sflag:s21] =	ssyncadd.s32 $0xFFFFC180  }
0x91: {  	[tilespmem:s24], [sflag:$0x1] =	stream.indirect.gather [hbm4b:s4+s23], $0x80, s19, s23, $0xb8;
	[tilespmem:$0x1F480] =	vst v63  }
.Ltmp5:
0x92: {  	_ = 	snop;
	(pc) =	sbr.rel @p3 .LBB2_8-.Ltmp5, $4  }
0x93: {  	s6 =	sadd.s32 $0x2880, s6  }
0x94: {  	[spmem:s2] =	stream.indirect.scatter.add.f32 [tilespmem:s26], [sflag:$0x3], $0x80, s6, s23, $0xb8;
	[tilespmem:$0x1F480] =	vst v63  }
0x95: {  	_ =	swait.ge [sflag:s20], $0x3E80  }
0x96: {  	[sflag:s20] =	ssyncset.done $0x0  }
0x97: {  	[sflag:s20] =	ssyncadd.s32 $0xFFFFC180  }
0x98: {  	_ =	swait.ge [sflag:s25], $0x3E80  }
0x99: {  	[sflag:s25] =	ssyncset.done $0x0  }
0x9a: {  	[sflag:s25] =	ssyncadd.s32 $0xFFFFC180  }
0x9b: {  	[tilespmem:s26], [sflag:$0x2] =	stream.indirect.gather [hbm4b:s4+s23], $0x80, s1, s23, $0xb8;
	[tilespmem:$0x1F480] =	vst v63  }
0x9c: {  	_ = 	snop  }
0x9d: {  	[spmem:s2] =	stream.indirect.scatter.add.f32 [tilespmem:s24], [sflag:$0x3], $0x80, s29, s23, $0xb8;
	[tilespmem:$0x1F480] =	vst v63  }
0x9e: {  	_ =	swait.ge [sflag:s20], $0x3E80  }
0x9f: {  	[sflag:s20] =	ssyncset.done $0x0  }
0xa0: {  	[sflag:s20] =	ssyncadd.s32 $0xFFFFC180  }
0xa1: {  	_ =	swait.ge [sflag:s21], $0x3E80  }
0xa2: {  	[sflag:s21] =	ssyncset.done $0x0  }
0xa3: {  	[sflag:s21] =	ssyncadd.s32 $0xFFFFC180  }
0xa4: {  	[spmem:s2] =	stream.indirect.scatter.add.f32 [tilespmem:s26], [sflag:$0x3], $0x80, s30, s23, $0xb8;
	[tilespmem:$0x1F480] =	vst v63  }
0xa5: {  	_ =	swait.ge [sflag:s20], $0x3E80  }
0xa6: {  	[sflag:s20] =	ssyncset.done $0x0  }
0xa7: {  	[sflag:s20] =	ssyncadd.s32 $0xFFFFC180  }
0xa8: {  	s0 =	sor.u32 $0x1C03, s15;
	[bflag:$0x0] =	sbarrier.arrive $0xFFFF  }
0xa9: {  	[hbm:s12], [sflag:s0] =	dma.local [spmem:s17], $0x2700  }
0xaa: {  	_ =	swait.ge [sflag:s20], $0x2700  }
0xab: {  	s3 =	sadd.s32 $0x1, s3;
	[sflag:s20] =	ssyncset.done $0x0  }
0xac: {  	s6 =	sshrl.u32 @!p2 s7, $0x3;
	p3 =	sne.s32 s3, s14;
	[sflag:s20] =	ssyncadd.s32 $0xFFFFD900  }
0xad: {  	[hbm:s13], [sflag:s0] =	dma.local @!p2 [spmem:s6], $0x100  }
.Ltmp6:
0xae: {  	_ = 	snop;
	(pc) =	sbr.rel @p3 .LBB2_1-.Ltmp6, $4  }
0xaf: {  	s0 =	simm.s32 @!p2 $0x3  }
0xb0: {  	_ =	swait.ge @!p2 [sflag:s0], $0x100  }
0xb1: {  	[sflag:s0] =	ssyncset.done @!p2 $0x0  }
0xb2: {  	[sflag:s0] =	ssyncadd.s32 @!p2 $0xFFFFFF00  }
0xb3: {  	_ =	sfence.sel $0x180000  }
0xb4: {  	[bflag:$0x0] =	sbarrier.arrive $0xFFFF  }
0xb5: {  	_ =	strace $0x9000004A  }
0xb6: {  	s0 =	stileid.u32;
	[bflag:$0x2] =	sbarrier.arrive $0xFFFF  }
0xb7: {  	p0 =	sne.s32 s0, $0x0;
	s0 =	rddreg [dreg:$0x2]  }
0xb8: {  	s0 =	sadd.s32 @!p0 $0x100000, s0  }
0xb9: {  	[sflag:s0] =	ssyncadd.tile.s32 @!p0 $0x1;
	_ =	shalt  }
.Lfunc_end2:
_tile_overlayer_lowered:
.L_overlay_start_2:
0xba: {  	(tag) =	ssettag $0x2  }
0xbb: {  	s0 =	rddreg [dreg:$0x0];
	s2 =	stileid.u32  }
0xbc: {  	s1 =	rddreg [dreg:$0x1];
	p0 =	sne.s32 s2, $0x0  }
0xbd: {  	s3 =	rddreg [dreg:$0x2];
	[bflag:$0x3] =	sbarrier.arrive $0xFFFF;
	s2 =	simm.s32 @!p0 $0x1C03  }
0xbe: {  	[timem:s3], [sflag:s2] =	dma.local @!p0 [hbm:s0], s1  }
0xbf: {  	s0 =	simm.s32 @!p0 $0x3  }
0xc0: {  	_ =	swait.ge @!p0 [sflag:s0], s1  }
0xc1: {  	s1 =	ssub.s32 @!p0 $0x0, s1;
	[sflag:s0] =	ssyncset.done @!p0 $0x0  }
0xc2: {  	[sflag:s0] =	ssyncadd.s32 @!p0 s1  }
0xc3: {  	[bflag:$0x3] =	sbarrier.arrive $0xFFFF  }
0xc4: {  	_ =	shalt  }

// kernel: kernel.14.cloned.1.call-start
scs
__scs_entry_jumppad:
0x0: {  	(pc) =	sbr.rel $0x88, $3  }
0x1: {  	(tag) =	ssettag $0x0;
	lr =	simm.s32 $0x1  }
0x2: {  	[smem:$0x3F96] =	sst lr;
	_ =	strace $0xD0000000  }
0x3: {  	_ = 	snop  }
0x4: {  	_ = 	snop  }
0x5: {  	_ = 	snop  }
0x6: {  	_ = 	snop  }
0x7: {  	_ = 	snop  }
__scs_overlays_trampoline_lowered:
0x8: {  	[smem:$0x3FA5] =	sst s0  }
0x9: {  	[smem:$0x3FA6] =	sst s1  }
0xa: {  	[smem:$0x3FA7] =	sst s2  }
0xb: {  	[smem:$0x3FA8] =	sst s3  }
0xc: {  	[smem:$0x3FA9] =	sst s4  }
0xd: {  	[smem:$0x3FAA] =	sst s5  }
0xe: {  	[smem:$0x3FAB] =	sst s6  }
0xf: {  	[smem:$0x3FAC] =	sst s7  }
0x10: {  	[smem:$0x3FAD] =	sst s8  }
0x11: {  	[smem:$0x3FAE] =	sst s9;
	s0 =	simm.s32 @!p0 $0x0  }
0x12: {  	s1 =	sld [smem:$0x3F94];
	s0 =	simm.s32 @p0 $0x1  }
0x13: {  	[smem:$0x3FAF] =	sst s0;
	s0 =	simm.s32 @!p1 $0x0  }
0x14: {  	s2 =	sld [smem:$0x3F93];
	s0 =	simm.s32 @p1 $0x1  }
0x15: {  	[smem:$0x3FB0] =	sst s0;
	s0 =	simm.s32 @!p2 $0x0  }
0x16: {  	s3 =	sld [smem:$0x3FDB];
	s0 =	simm.s32 @p2 $0x1  }
0x17: {  	s4 =	simm.s32 $0x1BF5;
	[smem:$0x3FB2] =	sst s0  }
0x18: {  	s0 =	sld [smem:$0x3F95];
	_ =	swait.ge [sflag:s4], $0x0  }
0x19: {  	s7 =	sld [smem:$0x3F96]  }
0x1a: {  	s8 =	sadd.s32 $0xFFFFE003, lr  }
0x1b: {  	s9 =	sadd.s32 $0xFFFFFEF7, lr;
	s5 =	simm.s32 $0xFFFFFFFF;
	p2 =	slt.u32 s8, $0xFFFFF086  }
0x1c: {  	p1 =	slt.u32 s9, $0xF7A;
	s5 =	simm.s32 @!p2 $0x0  }
0x1d: {  	s5 =	simm.s32 @p1 $0x1;
	p0 =	seq.s32 s7, s2  }
0x1e: {  	s7 =	smul.u32 @!p0 $0xF7A, s2;
	p2 =	seq.s32 @!p0 s5, $0x0  }
0x1f: {  	s9 =	smul.u32 $0xF7A, s1;
	s8 =	simm.s32 @!p0 $0x1BF5;
	p2 =	por !p2, p0  }
0x20: {  	[sflag:s8] =	ssyncset.s32 @!p0 $0xFFFFF086;
	s6 =	sadd.s32 @!p0 s3, s7;
	s7 =	simm.s32 @!p0 $0x108  }
0x21: {  	s3 =	sadd.s32 s3, s9;
	s6 =	sadd.s32 @!p0 $0x88, s6;
	s7 =	simm.s32 @p2 $0x1082  }
0x22: {  	[simem:s7], [sflag:s8] =	dma.local @!p0 [hbm:s6], $0xF7A  }
0x23: {  	s9 =	sor.u32 $0xD0000000, s2;
	s6 =	simm.s32 $0x108;
	_ =	swait.ge @!p0 [sflag:s8], $0x0  }
0x24: {  	s3 =	sadd.s32 $0x88, s3;
	s6 =	simm.s32 @!p1 $0x1082;
	[sflag:s4] =	ssyncset.s32 $0xFFFFF086  }
0x25: {  	[simem:s6], [sflag:s4] =	dma.local [hbm:s3], $0xF7A  }
0x26: {  	[smem:$0x3F96] =	sst s1;
	(tag) =	ssettag s2;
	_ =	strace s9  }
0x27: {  	s1 =	sld [smem:$0x3FA6]  }
0x28: {  	s2 =	sld [smem:$0x3FA7]  }
0x29: {  	s4 =	sld [smem:$0x3FA9]  }
0x2a: {  	p0 =	seq.s32 s5, $0x0;
	s5 =	sld [smem:$0x3FAA]  }
0x2b: {  	s6 =	sld [smem:$0x3FAB]  }
0x2c: {  	s7 =	sld [smem:$0x3FAC]  }
0x2d: {  	s3 =	simm.s32 $0x108;
	s8 =	sld [smem:$0x3FAD]  }
0x2e: {  	s3 =	simm.s32 @!p0 $0x1082;
	s9 =	sld [smem:$0x3FAE]  }
0x2f: {  	lr =	sadd.s32 s0, s3;
	s0 =	sld [smem:$0x3FA5]  }
0x30: {  	s3 =	sld [smem:$0x3FA8]  }
0x31: {  	[smem:$0x3FB1] =	sst s10  }
0x32: {  	s10 =	sld [smem:$0x3FAF];
	_ =	sdelay $0x3  }
0x33: {  	p0 =	seq.s32 s10, $0x1;
	s10 =	sld [smem:$0x3FB1];
	_ =	sdelay $0x3  }
0x34: {  	[smem:$0x3FB1] =	sst s10  }
0x35: {  	s10 =	sld [smem:$0x3FB0];
	_ =	sdelay $0x3  }
0x36: {  	p1 =	seq.s32 s10, $0x1;
	s10 =	sld [smem:$0x3FB1];
	_ =	sdelay $0x3  }
0x37: {  	[smem:$0x3FB1] =	sst s10  }
0x38: {  	s10 =	sld [smem:$0x3FB2]  }
0x39: {  	_ = 	snop;
	(pc) =	sbr.ind lr, $3  }
0x3a: {  	_ = 	snop  }
0x3b: {  	_ = 	snop  }
0x3c: {  	p2 =	seq.s32 s10, $0x1;
	s10 =	sld [smem:$0x3FB1]  }
0x3d: {  	_ =	shalt  }
0x3e: {  	_ =	shalt  }
0x3f: {  	_ =	shalt  }
0x40: {  	_ =	shalt  }
0x41: {  	_ =	shalt  }
0x42: {  	_ =	shalt  }
0x43: {  	_ =	shalt  }
0x44: {  	_ =	shalt  }
0x45: {  	_ =	shalt  }
0x46: {  	_ =	shalt  }
0x47: {  	_ =	shalt  }
0x48: {  	_ =	shalt  }
0x49: {  	_ =	shalt  }
0x4a: {  	_ =	shalt  }
0x4b: {  	_ =	shalt  }
0x4c: {  	_ =	shalt  }
0x4d: {  	_ =	shalt  }
0x4e: {  	_ =	shalt  }
0x4f: {  	_ =	shalt  }
0x50: {  	_ =	shalt  }
0x51: {  	_ =	shalt  }
0x52: {  	_ =	shalt  }
0x53: {  	_ =	shalt  }
0x54: {  	_ =	shalt  }
0x55: {  	_ =	shalt  }
0x56: {  	_ =	shalt  }
0x57: {  	_ =	shalt  }
0x58: {  	_ =	shalt  }
0x59: {  	_ =	shalt  }
0x5a: {  	_ =	shalt  }
0x5b: {  	_ =	shalt  }
0x5c: {  	_ =	shalt  }
0x5d: {  	_ =	shalt  }
0x5e: {  	_ =	shalt  }
0x5f: {  	_ =	shalt  }
0x60: {  	_ =	shalt  }
0x61: {  	_ =	shalt  }
0x62: {  	_ =	shalt  }
0x63: {  	_ =	shalt  }
0x64: {  	_ =	shalt  }
0x65: {  	_ =	shalt  }
0x66: {  	_ =	shalt  }
0x67: {  	_ =	shalt  }
0x68: {  	_ =	shalt  }
0x69: {  	_ =	shalt  }
0x6a: {  	_ =	shalt  }
0x6b: {  	_ =	shalt  }
0x6c: {  	_ =	shalt  }
0x6d: {  	_ =	shalt  }
0x6e: {  	_ =	shalt  }
0x6f: {  	_ =	shalt  }
0x70: {  	_ =	shalt  }
0x71: {  	_ =	shalt  }
0x72: {  	_ =	shalt  }
0x73: {  	_ =	shalt  }
0x74: {  	_ =	shalt  }
0x75: {  	_ =	shalt  }
0x76: {  	_ =	shalt  }
0x77: {  	_ =	shalt  }
0x78: {  	_ =	shalt  }
0x79: {  	_ =	shalt  }
0x7a: {  	_ =	shalt  }
0x7b: {  	_ =	shalt  }
0x7c: {  	_ =	shalt  }
0x7d: {  	_ =	shalt  }
0x7e: {  	_ =	shalt  }
0x7f: {  	_ =	shalt  }
0x80: {  	_ =	shalt  }
0x81: {  	_ =	shalt  }
0x82: {  	_ =	shalt  }
0x83: {  	_ =	shalt  }
0x84: {  	_ =	shalt  }
0x85: {  	_ =	shalt  }
0x86: {  	_ =	shalt  }
0x87: {  	_ =	shalt  }
.Lfunc_end0:
.L_simem_size_0:
called_computation.2_lowered:
.L_overlay_start_0:
0x88: {  	s2 =	sld [smem:$0x3FD9]  }
0x89: {  	s3 =	sld [smem:$0x3FFE];
	_ =	sdelay $0x1  }
0x8a: {  	s1 =	srdreg.scid  }
0x8b: {  	s0 =	sand.u32 $0x1, s1  }
0x8c: {  	s16 =	sshll.u32 s0, $0xA;
	s2 =	sadd.s32 s3, s2  }
0x8d: {  	s2 =	sadd.s32 s2, s16  }
0x8e: {  	[smem:$0x3FBD] =	sst s2  }
0x8f: {  	_ = 	snop  }
0x90: {  	(tm) =	ssettm $0x1  }
0x91: {  	s17 =	sld [smem:$0x3FFB];
	_ =	sdelay $0x3  }
0x92: {  	_ =	strace s17  }
0x93: {  	s2 =	sld [smem:$0x3FFC];
	_ =	sdelay $0x3  }
0x94: {  	_ =	strace s2  }
0x95: {  	s2 =	sld [smem:$0x3FFD];
	_ =	sdelay $0x3  }
0x96: {  	_ =	strace s2  }
0x97: {  	_ =	strace $0x8FFFFFFF  }
0x98: {  	s18 =	sld [smem:$0x3FDB];
	_ =	sdelay $0x1  }
0x99: {  	s19 =	simm.s32 $_scs_section_size  }
0x9a: {  	s4 =	simm.s32 $_size__tile_overlayer_lowered;
	s5 =	simm.s32 $_tile_overlayer_lowered  }
0x9b: {  	s22 =	simm.s32 $0x1BFF;
	s21 =	sshll.u32 s5, $0x1;
	s2 =	sadd.s32 s19, s18  }
0x9c: {  	s6 =	simm.s32 $0x0;
	s20 =	sshll.u32 s4, $0x1;
	s4 =	sadd.s32 s21, s2  }
0x9d: {  	[timem:s6], [sflag:s22] =	dma.local [hbm:s4], s20  }
0x9e: {  	_ =	swait.ge [sflag:s22], s20  }
0x9f: {  	s3 =	ssub.s32 $0x0, s20;
	[sflag:s22] =	ssyncset.done $0x0  }
0xa0: {  	[sflag:s22] =	ssyncadd.s32 s3;
	_ =	sdelay $0x1  }
0xa1: {  	s23 =	simm.s32 $0x1B8B  }
0xa2: {  	_ =	swait.ge [sflag:s23], $0x1  }
0xa3: {  	[sflag:s23] =	ssyncset.done $0x0  }
0xa4: {  	s25 =	simm.s32 $0x1B8E;
	s24 =	sld [smem:$0x3FFE];
	[sflag:s23] =	ssyncadd.s32 $0xFFFFFFFF  }
0xa5: {  	s26 =	simm.s32 $execute0_lowered;
	[smem:$0x3FD2] =	sst s25  }
0xa6: {  	s4 =	sshll.u32 s26, $0x1;
	_ =	strace $0x8000004C;
	[dreg:$0x1] =	wrdreg $0xFFFFFFFF  }
0xa7: {  	s28 =	simm.s32 $_size_execute0_lowered;
	s2 =	sadd.s32 s2, s4;
	[dreg:$0x0] =	wrdreg $0x0  }
0xa8: {  	s4 =	sshll.u32 s28, $0x1;
	[dreg:$0x2] =	wrdreg s2  }
0xa9: {  	[dreg:$0x3] =	wrdreg s4  }
0xaa: {  	[dreg:$0x4] =	wrdreg $0xC0  }
0xab: {  	_ =	task [dreg:s6], $0x5FFFF  }
0xac: {  	[dreg:$0x1] =	wrdreg $0xFFFFFFFF  }
0xad: {  	[dreg:$0x0] =	wrdreg $0x60  }
0xae: {  	[dreg:$0x2] =	wrdreg s24  }
0xaf: {  	[dreg:$0x3] =	wrdreg $0xBC000  }
0xb0: {  	[dreg:$0x4] =	wrdreg $0x9  }
0xb1: {  	_ =	task.clear_ibuf [dreg:s6], $0x5FFFF;
	_ =	strace $0x9000004C  }
0xb2: {  	s29 =	simm.s32 $0x9;
	_ =	strace $0x8000004E  }
0xb3: {  	_ =	swait.ge [sflag:s29], $0x1  }
0xb4: {  	[sflag:s29] =	ssyncadd.s32 $0xFFFFFFFF  }
0xb5: {  	_ =	strace $0x9000004E  }
0xb6: {  	_ =	sfence  }
0xb7: {  	s30 =	sld [smem:$0x0];
	_ =	sdelay $0x2  }
0xb8: {  	s31 =	sshll.u32 s1, $0xD;
	s1 =	sshrl.u32 s1, $0x2  }
0xb9: {  	s3 =	sand.u32 $0x4000, s31;
	s1 =	sadd.s32 s1, s30  }
0xba: {  	s0 =	sor.u32 s3, s0;
	s1 =	sshll.u32 s1, $0x11  }
0xbb: {  	s0 =	sor.u32 s1, s0  }
0xbc: {  	s0 =	sadd.s32 $0x8F2B, s0  }
0xbd: {  	[sflag:s0] =	ssyncadd.remote.s32 $0x1  }
0xbe: {  	_ =	sfence.sel $0xFFFF  }
0xbf: {  	[dreg:$0x0] =	wrdreg $0xFFFFFFFF;
	(pc) =	sbr.abs _section_cstart, $3  }
0xc0: {  	[dreg:$0x1] =	wrdreg $0xFFFFFFFF  }
0xc1: {  	_ =	task.clear_ibuf [dreg:s6], $0x2FFFF;
	_ =	strace $0x9FFFFFFF  }
0xc2: {  	(tm) =	ssettm $0x7FFFFFFF  }
0xc3: {  	_ =	shalt  }
tec
execute0_lowered:
.L_overlay_start_1:
0x0: {  	(tag) =	ssettag $0x1  }
0x1: {  	s0 =	srdreg.scid;
	s1 =	rddreg [dreg:$0x0]  }
0x2: {  	s19 =	stileid.u32;
	s2 =	rddreg [dreg:$0x1]  }
0x3: {  	s20 =	simm.s32 $0x3;
	s21 =	simm.s32 $0x2;
	s22 =	simm.s32 $0x2800  }
0x4: {  	s23 =	simm.s32 $0x7D;
	s24 =	simm.s32 $0x3C00;
	s25 =	simm.s32 $0x1  }
0x5: {  	s28 =	simm.s32 $0x1380;
	s29 =	simm.s32 $0x3B00;
	s6 =	smul.u32 $0x4E000, s19  }
0x6: {  	s30 =	simm.s32 $0x3B80;
	s31 =	simm.s32 $0x1400;
	s8 =	smul.u32 $0x2700, s19  }
0x7: {  	s0 =	sand.u32 $0x1, s0;
	s12 =	smul.u32 $0x13800, s19;
	s15 =	sshll.u32 s19, $0x6  }
0x8: {  	p1 =	seq.s32 s19, $0xF;
	p2 =	sne.s32 s19, $0xF;
	s3 =	sshll.u32 s0, $0x4  }
0x9: {  	s7 =	ssub.s32 $0x2, s0;
	s10 =	smul.u32 $0x138800, s0;
	p0 =	sne.s32 s0, $0x0  }
0xa: {  	s16 =	sor.u32 $0x1C02, s15;
	s4 =	sor.u32 s19, s3;
	s3 =	simm.s32 $0x0  }
0xb: {  	s9 =	sshrl.u32 s7, $0x1;
	s6 =	sshrl.u32 s6, $0x2;
	s5 =	smul.u32 $0x2800, s4  }
0xc: {  	[smem:$0x7FF] =	sst s3;
	s4 =	sadd.s32 $0x3D200, s1;
	s14 =	ssub.s32 s7, s9  }
0xd: {  	s17 =	sadd.s32 s6, s2;
	s7 =	sadd.s32 $0x138000, s2;
	s12 =	sadd.s32 s12, s10  }
0xe: {  	s13 =	sshrl.u32 s10, $0x3;
	_ =	strace $0x8000004D;
	s12 =	sshrl.u32 s12, $0x3  }
0xf: {  	s14 =	smax.u32 s14, $0x1;
	s17 =	sshrl.u32 s17, $0x3;
	s5 =	sshrl.u32 s5, $0x3  }
0x10: {  	s18 =	sshrl.u32 s7, $0x3;
	s11 =	sadd.s32 s5, s1;
	s5 =	sadd.s32 $0x16000, s1  }
0x11: {  	s1 =	sadd.s32 $0x64400, s1;
	s26 =	sadd.s32 s5, s8;
	s8 =	sadd.s32 s4, s8  }
0x12: {  	s9 =	sadd.s32 $0x2000, s11;
	s10 =	sadd.s32 $0xC000, s11;
	s13 =	sadd.s32 s1, s13  }
0x13: {  	s11 =	sadd.s32 $0xC280, s11;
	s12 =	sadd.s32 s1, s12;
	s1 =	simm.s32 $0x2780  }
0x14: {  	[dreg:$0x3] =	wrdreg s26;
	s13 =	sadd.s32 $0x27000, s13;
	s26 =	simm.s32 $0x7C00  }
.LBB2_1:
.Ltmp0:
0x15: {  	(pc) =	sbr.rel @p0 .LBB2_3-.Ltmp0, $1  }
0x16: {  	_ =	sdelay $0x3  }
.Ltmp1:
0x17: {  	(pc) =	sbr.rel @p1 .LBB2_4-.Ltmp1, $4  }
.Ltmp2:
0x18: {  	(pc) =	sbr.rel @!p1 .LBB2_5-.Ltmp2, $4  }
0x19: {  	_ = 	snop  }
0x1a: {  	[spmem:s17], [sflag:s16] =	dma.local [hbm:s8], $0x2700  }
0x1b: {  	s0 =	smov.u32 s4  }
0x1c: {  	_ = 	snop  }
.LBB2_3:
.Ltmp3:
0x1d: {  	(pc) =	sbr.rel @p2 .LBB2_5-.Ltmp3, $4  }
0x1e: {  	_ = 	snop  }
0x1f: {  	s0 =	rddreg [dreg:$0x3]  }
0x20: {  	[spmem:s17], [sflag:s16] =	dma.local [hbm:s0], $0x2700  }
0x21: {  	s0 =	smov.u32 s5  }
.LBB2_4:
0x22: {  	s0 =	sadd.s32 $0x27000, s0;
	s6 =	simm.s32 $0x1FC3  }
0x23: {  	[spmem:s18], [sflag:s6] =	dma.local [hbm:s0], $0x100  }
0x24: {  	_ =	swait.ge [sflag:s20], $0x100  }
0x25: {  	[sflag:s20] =	ssyncset.done $0x0  }
0x26: {  	[sflag:s20] =	ssyncadd.s32 $0xFFFFFF00  }
.LBB2_5:
0x27: {  	s0 =	simm.s32 $0x0  }
0x28: {  	[tilespmem:s0], [sflag:$0x3] =	stream.linear.gather [hbm4b:s9+s0], $0x2800, $0x38;
	[tilespmem:$0x1F480] =	vst v63  }
0x29: {  	_ =	swait.ge [sflag:s20], $0x2800  }
0x2a: {  	[sflag:s20] =	ssyncset.done $0x0  }
0x2b: {  	[sflag:s20] =	ssyncadd.s32 $0xFFFFD800  }
0x2c: {  	_ =	swait.ge [sflag:s21], $0x2700  }
0x2d: {  	[sflag:s21] =	ssyncset.done $0x0  }
0x2e: {  	[sflag:s21] =	ssyncadd.s32 $0xFFFFD900  }
0x2f: {  	[bflag:$0x0] =	sbarrier.arrive $0xFFFF  }
0x30: {  	[tilespmem:s22], [sflag:$0x3] =	stream.linear.gather [hbm4b:s10+s0], $0x1400, $0x38;
	[tilespmem:$0x1F480] =	vst v63  }
0x31: {  	_ =	swait.ge [sflag:s20], $0x1400  }
0x32: {  	[sflag:s20] =	ssyncset.done $0x0  }
0x33: {  	[sflag:s20] =	ssyncadd.s32 $0xFFFFEC00  }
0x34: {  	[tilespmem:s24], [sflag:$0x1] =	stream.indirect.gather [hbm4b:s4+s23], $0x80, s0, s23, $0xb8;
	[tilespmem:$0x1F480] =	vst v63  }
0x35: {  	_ =	swait.ge [sflag:s25], $0x3E80  }
0x36: {  	[sflag:s25] =	ssyncset.done $0x0  }
0x37: {  	s6 =	simm.s32 $0x80;
	[sflag:s25] =	ssyncadd.s32 $0xFFFFC180  }
0x38: {  	[tilespmem:s26], [sflag:$0x2] =	stream.indirect.gather [hbm4b:s4+s23], $0x80, s6, s23, $0xb8;
	[tilespmem:$0x1F480] =	vst v63  }
0x39: {  	s19 =	simm.s32 $0x2800  }
0x3a: {  	[spmem:s2] =	stream.indirect.scatter.add.f32 [tilespmem:s24], [sflag:$0x3], $0x80, s19, s23, $0xb8;
	[tilespmem:$0x1F480] =	vst v63  }
0x3b: {  	_ =	swait.ge [sflag:s20], $0x3E80  }
0x3c: {  	[sflag:s20] =	ssyncset.done $0x0  }
0x3d: {  	[sflag:s20] =	ssyncadd.s32 $0xFFFFC180  }
0x3e: {  	_ =	swait.ge [sflag:s21], $0x3E80  }
0x3f: {  	[sflag:s21] =	ssyncset.done $0x0  }
0x40: {  	s6 =	simm.s32 $0x100;
	[sflag:s21] =	ssyncadd.s32 $0xFFFFC180  }
0x41: {  	[tilespmem:s24], [sflag:$0x1] =	stream.indirect.gather [hbm4b:s4+s23], $0x80, s6, s23, $0xb8;
	[tilespmem:$0x1F480] =	vst v63  }
0x42: {  	s19 =	simm.s32 $0x2880  }
0x43: {  	[spmem:s2] =	stream.indirect.scatter.add.f32 [tilespmem:s26], [sflag:$0x3], $0x80, s19, s23, $0xb8;
	[tilespmem:$0x1F480] =	vst v63  }
0x44: {  	_ =	swait.ge [sflag:s20], $0x3E80  }
0x45: {  	s0 =	simm.s32 $0x400;
	[sflag:s20] =	ssyncset.done $0x0  }
.LBB2_6:
0x46: {  	p3 =	sne.s32 s0, $0x4800  }
0x47: {  	[sflag:s20] =	ssyncadd.s32 $0xFFFFC180;
	s19 =	smov.u32 s0;
	s0 =	sadd.s32 $0x400, s0  }
0x48: {  	_ = 	snop  }
0x49: {  	_ =	swait.ge [sflag:s25], $0x3E80  }
0x4a: {  	s19 =	sshra.s32 s19, $0x2;
	[sflag:s25] =	ssyncset.done $0x0  }
0x4b: {  	s6 =	sadd.s32 $0x80, s19;
	[sflag:s25] =	ssyncadd.s32 $0xFFFFC180  }
0x4c: {  	[tilespmem:s26], [sflag:$0x2] =	stream.indirect.gather [hbm4b:s4+s23], $0x80, s6, s23, $0xb8;
	[tilespmem:$0x1F480] =	vst v63  }
0x4d: {  	s6 =	sadd.s32 $0x2800, s19  }
0x4e: {  	[spmem:s2] =	stream.indirect.scatter.add.f32 [tilespmem:s24], [sflag:$0x3], $0x80, s6, s23, $0xb8;
	[tilespmem:$0x1F480] =	vst v63  }
0x4f: {  	_ =	swait.ge [sflag:s20], $0x3E80  }
0x50: {  	[sflag:s20] =	ssyncset.done $0x0  }
0x51: {  	[sflag:s20] =	ssyncadd.s32 $0xFFFFC180  }
0x52: {  	_ =	swait.ge [sflag:s21], $0x3E80  }
0x53: {  	[sflag:s21] =	ssyncset.done $0x0  }
0x54: {  	s6 =	sadd.s32 $0x100, s19;
	[sflag:s21] =	ssyncadd.s32 $0xFFFFC180  }
0x55: {  	[tilespmem:s24], [sflag:$0x1] =	stream.indirect.gather [hbm4b:s4+s23], $0x80, s6, s23, $0xb8;
	[tilespmem:$0x1F480] =	vst v63  }
.Ltmp4:
0x56: {  	_ = 	snop;
	(pc) =	sbr.rel @p3 .LBB2_6-.Ltmp4, $4  }
0x57: {  	s6 =	sadd.s32 $0x2880, s19  }
0x58: {  	[spmem:s2] =	stream.indirect.scatter.add.f32 [tilespmem:s26], [sflag:$0x3], $0x80, s6, s23, $0xb8;
	[tilespmem:$0x1F480] =	vst v63  }
0x59: {  	_ =	swait.ge [sflag:s20], $0x3E80  }
0x5a: {  	[sflag:s20] =	ssyncset.done $0x0  }
0x5b: {  	[sflag:s20] =	ssyncadd.s32 $0xFFFFC180  }
0x5c: {  	_ =	swait.ge [sflag:s25], $0x3E80  }
0x5d: {  	[sflag:s25] =	ssyncset.done $0x0  }
0x5e: {  	[sflag:s25] =	ssyncadd.s32 $0xFFFFC180  }
0x5f: {  	[tilespmem:s26], [sflag:$0x2] =	stream.indirect.gather [hbm4b:s4+s23], $0x80, s28, s23, $0xb8;
	[tilespmem:$0x1F480] =	vst v63  }
0x60: {  	_ = 	snop  }
0x61: {  	[spmem:s2] =	stream.indirect.scatter.add.f32 [tilespmem:s24], [sflag:$0x3], $0x80, s29, s23, $0xb8;
	[tilespmem:$0x1F480] =	vst v63  }
0x62: {  	_ =	swait.ge [sflag:s20], $0x3E80  }
0x63: {  	[sflag:s20] =	ssyncset.done $0x0  }
0x64: {  	[sflag:s20] =	ssyncadd.s32 $0xFFFFC180  }
0x65: {  	_ =	swait.ge [sflag:s21], $0x3E80  }
0x66: {  	[sflag:s21] =	ssyncset.done $0x0  }
0x67: {  	[sflag:s21] =	ssyncadd.s32 $0xFFFFC180  }
0x68: {  	[spmem:s2] =	stream.indirect.scatter.add.f32 [tilespmem:s26], [sflag:$0x3], $0x80, s30, s23, $0xb8;
	[tilespmem:$0x1F480] =	vst v63  }
0x69: {  	_ =	swait.ge [sflag:s20], $0x3E80  }
0x6a: {  	[sflag:s20] =	ssyncset.done $0x0  }
0x6b: {  	s0 =	simm.s32 $0x0;
	[sflag:s20] =	ssyncadd.s32 $0xFFFFC180  }
0x6c: {  	[tilespmem:s22], [sflag:$0x3] =	stream.linear.gather [hbm4b:s11+s0], $0x1400, $0x38;
	[tilespmem:$0x1F480] =	vst v63  }
0x6d: {  	_ =	swait.ge [sflag:s20], $0x1400  }
0x6e: {  	[sflag:s20] =	ssyncset.done $0x0  }
0x6f: {  	[sflag:s20] =	ssyncadd.s32 $0xFFFFEC00  }
0x70: {  	[tilespmem:s24], [sflag:$0x1] =	stream.indirect.gather [hbm4b:s4+s23], $0x80, s31, s23, $0xb8;
	[tilespmem:$0x1F480] =	vst v63  }
0x71: {  	_ =	swait.ge [sflag:s25], $0x3E80  }
0x72: {  	[sflag:s25] =	ssyncset.done $0x0  }
0x73: {  	s6 =	simm.s32 $0x1480;
	[sflag:s25] =	ssyncadd.s32 $0xFFFFC180  }
0x74: {  	[tilespmem:s26], [sflag:$0x2] =	stream.indirect.gather [hbm4b:s4+s23], $0x80, s6, s23, $0xb8;
	[tilespmem:$0x1F480] =	vst v63  }
0x75: {  	s19 =	simm.s32 $0x2800  }
0x76: {  	[spmem:s2] =	stream.indirect.scatter.add.f32 [tilespmem:s24], [sflag:$0x3], $0x80, s19, s23, $0xb8;
	[tilespmem:$0x1F480] =	vst v63  }
0x77: {  	_ =	swait.ge [sflag:s20], $0x3E80  }
0x78: {  	[sflag:s20] =	ssyncset.done $0x0  }
0x79: {  	[sflag:s20] =	ssyncadd.s32 $0xFFFFC180  }
0x7a: {  	_ =	swait.ge [sflag:s21], $0x3E80  }
0x7b: {  	[sflag:s21] =	ssyncset.done $0x0  }
0x7c: {  	s6 =	simm.s32 $0x1500;
	[sflag:s21] =	ssyncadd.s32 $0xFFFFC180  }
0x7d: {  	[tilespmem:s24], [sflag:$0x1] =	stream.indirect.gather [hbm4b:s4+s23], $0x80, s6, s23, $0xb8;
	[tilespmem:$0x1F480] =	vst v63  }
0x7e: {  	s19 =	simm.s32 $0x2880  }
0x7f: {  	[spmem:s2] =	stream.indirect.scatter.add.f32 [tilespmem:s26], [sflag:$0x3], $0x80, s19, s23, $0xb8;
	[tilespmem:$0x1F480] =	vst v63  }
0x80: {  	_ =	swait.ge [sflag:s20], $0x3E80  }
0x81: {  	s0 =	simm.s32 $0x400;
	[sflag:s20] =	ssyncset.done $0x0  }
.LBB2_8:
0x82: {  	p3 =	sne.s32 s0, $0x4800  }
0x83: {  	[sflag:s20] =	ssyncadd.s32 $0xFFFFC180;
	s6 =	smov.u32 s0;
	s0 =	sadd.s32 $0x400, s0  }
0x84: {  	_ = 	snop  }
0x85: {  	_ =	swait.ge [sflag:s25], $0x3E80  }
0x86: {  	s6 =	sshra.s32 s6, $0x2;
	[sflag:s25] =	ssyncset.done $0x0  }
0x87: {  	s19 =	sadd.s32 $0x1480, s6;
	[sflag:s25] =	ssyncadd.s32 $0xFFFFC180  }
0x88: {  	[tilespmem:s26], [sflag:$0x2] =	stream.indirect.gather [hbm4b:s4+s23], $0x80, s19, s23, $0xb8;
	[tilespmem:$0x1F480] =	vst v63  }
0x89: {  	s19 =	sadd.s32 $0x2800, s6  }
0x8a: {  	[spmem:s2] =	stream.indirect.scatter.add.f32 [tilespmem:s24], [sflag:$0x3], $0x80, s19, s23, $0xb8;
	[tilespmem:$0x1F480] =	vst v63  }
0x8b: {  	_ =	swait.ge [sflag:s20], $0x3E80  }
0x8c: {  	[sflag:s20] =	ssyncset.done $0x0  }
0x8d: {  	[sflag:s20] =	ssyncadd.s32 $0xFFFFC180  }
0x8e: {  	_ =	swait.ge [sflag:s21], $0x3E80  }
0x8f: {  	[sflag:s21] =	ssyncset.done $0x0  }
0x90: {  	s19 =	sadd.s32 $0x1500, s6;
	[sflag:s21] =	ssyncadd.s32 $0xFFFFC180  }
0x91: {  	[tilespmem:s24], [sflag:$0x1] =	stream.indirect.gather [hbm4b:s4+s23], $0x80, s19, s23, $0xb8;
	[tilespmem:$0x1F480] =	vst v63  }
.Ltmp5:
0x92: {  	_ = 	snop;
	(pc) =	sbr.rel @p3 .LBB2_8-.Ltmp5, $4  }
0x93: {  	s6 =	sadd.s32 $0x2880, s6  }
0x94: {  	[spmem:s2] =	stream.indirect.scatter.add.f32 [tilespmem:s26], [sflag:$0x3], $0x80, s6, s23, $0xb8;
	[tilespmem:$0x1F480] =	vst v63  }
0x95: {  	_ =	swait.ge [sflag:s20], $0x3E80  }
0x96: {  	[sflag:s20] =	ssyncset.done $0x0  }
0x97: {  	[sflag:s20] =	ssyncadd.s32 $0xFFFFC180  }
0x98: {  	_ =	swait.ge [sflag:s25], $0x3E80  }
0x99: {  	[sflag:s25] =	ssyncset.done $0x0  }
0x9a: {  	[sflag:s25] =	ssyncadd.s32 $0xFFFFC180  }
0x9b: {  	[tilespmem:s26], [sflag:$0x2] =	stream.indirect.gather [hbm4b:s4+s23], $0x80, s1, s23, $0xb8;
	[tilespmem:$0x1F480] =	vst v63  }
0x9c: {  	_ = 	snop  }
0x9d: {  	[spmem:s2] =	stream.indirect.scatter.add.f32 [tilespmem:s24], [sflag:$0x3], $0x80, s29, s23, $0xb8;
	[tilespmem:$0x1F480] =	vst v63  }
0x9e: {  	_ =	swait.ge [sflag:s20], $0x3E80  }
0x9f: {  	[sflag:s20] =	ssyncset.done $0x0  }
0xa0: {  	[sflag:s20] =	ssyncadd.s32 $0xFFFFC180  }
0xa1: {  	_ =	swait.ge [sflag:s21], $0x3E80  }
0xa2: {  	[sflag:s21] =	ssyncset.done $0x0  }
0xa3: {  	[sflag:s21] =	ssyncadd.s32 $0xFFFFC180  }
0xa4: {  	[spmem:s2] =	stream.indirect.scatter.add.f32 [tilespmem:s26], [sflag:$0x3], $0x80, s30, s23, $0xb8;
	[tilespmem:$0x1F480] =	vst v63  }
0xa5: {  	_ =	swait.ge [sflag:s20], $0x3E80  }
0xa6: {  	[sflag:s20] =	ssyncset.done $0x0  }
0xa7: {  	[sflag:s20] =	ssyncadd.s32 $0xFFFFC180  }
0xa8: {  	s0 =	sor.u32 $0x1C03, s15;
	[bflag:$0x0] =	sbarrier.arrive $0xFFFF  }
0xa9: {  	[hbm:s12], [sflag:s0] =	dma.local [spmem:s17], $0x2700  }
0xaa: {  	_ =	swait.ge [sflag:s20], $0x2700  }
0xab: {  	s3 =	sadd.s32 $0x1, s3;
	[sflag:s20] =	ssyncset.done $0x0  }
0xac: {  	s6 =	sshrl.u32 @!p2 s7, $0x3;
	p3 =	sne.s32 s3, s14;
	[sflag:s20] =	ssyncadd.s32 $0xFFFFD900  }
0xad: {  	[hbm:s13], [sflag:s0] =	dma.local @!p2 [spmem:s6], $0x100  }
.Ltmp6:
0xae: {  	_ = 	snop;
	(pc) =	sbr.rel @p3 .LBB2_1-.Ltmp6, $4  }
0xaf: {  	s0 =	simm.s32 @!p2 $0x3  }
0xb0: {  	_ =	swait.ge @!p2 [sflag:s0], $0x100  }
0xb1: {  	[sflag:s0] =	ssyncset.done @!p2 $0x0  }
0xb2: {  	[sflag:s0] =	ssyncadd.s32 @!p2 $0xFFFFFF00  }
0xb3: {  	_ =	sfence.sel $0x180000  }
0xb4: {  	[bflag:$0x0] =	sbarrier.arrive $0xFFFF  }
0xb5: {  	_ =	strace $0x9000004D  }
0xb6: {  	s0 =	stileid.u32;
	[bflag:$0x2] =	sbarrier.arrive $0xFFFF  }
0xb7: {  	p0 =	sne.s32 s0, $0x0;
	s0 =	rddreg [dreg:$0x2]  }
0xb8: {  	s0 =	sadd.s32 @!p0 $0x100000, s0  }
0xb9: {  	[sflag:s0] =	ssyncadd.tile.s32 @!p0 $0x1;
	_ =	shalt  }
.Lfunc_end2:
_tile_overlayer_lowered:
.L_overlay_start_2:
0xba: {  	(tag) =	ssettag $0x2  }
0xbb: {  	s0 =	rddreg [dreg:$0x0];
	s2 =	stileid.u32  }
0xbc: {  	s1 =	rddreg [dreg:$0x1];
	p0 =	sne.s32 s2, $0x0  }
0xbd: {  	s3 =	rddreg [dreg:$0x2];
	[bflag:$0x3] =	sbarrier.arrive $0xFFFF;
	s2 =	simm.s32 @!p0 $0x1C03  }
0xbe: {  	[timem:s3], [sflag:s2] =	dma.local @!p0 [hbm:s0], s1  }
0xbf: {  	s0 =	simm.s32 @!p0 $0x3  }
0xc0: {  	_ =	swait.ge @!p0 [sflag:s0], s1  }
0xc1: {  	s1 =	ssub.s32 @!p0 $0x0, s1;
	[sflag:s0] =	ssyncset.done @!p0 $0x0  }
0xc2: {  	[sflag:s0] =	ssyncadd.s32 @!p0 s1  }
0xc3: {  	[bflag:$0x3] =	sbarrier.arrive $0xFFFF  }
0xc4: {  	_ =	shalt  }

// kernel: kernel.8.cloned.1.call-start
scs
__scs_entry_jumppad:
0x0: {  	(pc) =	sbr.rel $0x88, $3  }
0x1: {  	(tag) =	ssettag $0x0;
	lr =	simm.s32 $0x1  }
0x2: {  	[smem:$0x3F96] =	sst lr;
	_ =	strace $0xD0000000  }
0x3: {  	_ = 	snop  }
0x4: {  	_ = 	snop  }
0x5: {  	_ = 	snop  }
0x6: {  	_ = 	snop  }
0x7: {  	_ = 	snop  }
__scs_overlays_trampoline_lowered:
0x8: {  	[smem:$0x3FA5] =	sst s0  }
0x9: {  	[smem:$0x3FA6] =	sst s1  }
0xa: {  	[smem:$0x3FA7] =	sst s2  }
0xb: {  	[smem:$0x3FA8] =	sst s3  }
0xc: {  	[smem:$0x3FA9] =	sst s4  }
0xd: {  	[smem:$0x3FAA] =	sst s5  }
0xe: {  	[smem:$0x3FAB] =	sst s6  }
0xf: {  	[smem:$0x3FAC] =	sst s7  }
0x10: {  	[smem:$0x3FAD] =	sst s8  }
0x11: {  	[smem:$0x3FAE] =	sst s9;
	s0 =	simm.s32 @!p0 $0x0  }
0x12: {  	s1 =	sld [smem:$0x3F94];
	s0 =	simm.s32 @p0 $0x1  }
0x13: {  	[smem:$0x3FAF] =	sst s0;
	s0 =	simm.s32 @!p1 $0x0  }
0x14: {  	s2 =	sld [smem:$0x3F93];
	s0 =	simm.s32 @p1 $0x1  }
0x15: {  	[smem:$0x3FB0] =	sst s0;
	s0 =	simm.s32 @!p2 $0x0  }
0x16: {  	s3 =	sld [smem:$0x3FDB];
	s0 =	simm.s32 @p2 $0x1  }
0x17: {  	s4 =	simm.s32 $0x1BF5;
	[smem:$0x3FB2] =	sst s0  }
0x18: {  	s0 =	sld [smem:$0x3F95];
	_ =	swait.ge [sflag:s4], $0x0  }
0x19: {  	s7 =	sld [smem:$0x3F96]  }
0x1a: {  	s8 =	sadd.s32 $0xFFFFE003, lr  }
0x1b: {  	s9 =	sadd.s32 $0xFFFFFEF7, lr;
	s5 =	simm.s32 $0xFFFFFFFF;
	p2 =	slt.u32 s8, $0xFFFFF086  }
0x1c: {  	p1 =	slt.u32 s9, $0xF7A;
	s5 =	simm.s32 @!p2 $0x0  }
0x1d: {  	s5 =	simm.s32 @p1 $0x1;
	p0 =	seq.s32 s7, s2  }
0x1e: {  	s7 =	smul.u32 @!p0 $0xF7A, s2;
	p2 =	seq.s32 @!p0 s5, $0x0  }
0x1f: {  	s9 =	smul.u32 $0xF7A, s1;
	s8 =	simm.s32 @!p0 $0x1BF5;
	p2 =	por !p2, p0  }
0x20: {  	[sflag:s8] =	ssyncset.s32 @!p0 $0xFFFFF086;
	s6 =	sadd.s32 @!p0 s3, s7;
	s7 =	simm.s32 @!p0 $0x108  }
0x21: {  	s3 =	sadd.s32 s3, s9;
	s6 =	sadd.s32 @!p0 $0x88, s6;
	s7 =	simm.s32 @p2 $0x1082  }
0x22: {  	[simem:s7], [sflag:s8] =	dma.local @!p0 [hbm:s6], $0xF7A  }
0x23: {  	s9 =	sor.u32 $0xD0000000, s2;
	s6 =	simm.s32 $0x108;
	_ =	swait.ge @!p0 [sflag:s8], $0x0  }
0x24: {  	s3 =	sadd.s32 $0x88, s3;
	s6 =	simm.s32 @!p1 $0x1082;
	[sflag:s4] =	ssyncset.s32 $0xFFFFF086  }
0x25: {  	[simem:s6], [sflag:s4] =	dma.local [hbm:s3], $0xF7A  }
0x26: {  	[smem:$0x3F96] =	sst s1;
	(tag) =	ssettag s2;
	_ =	strace s9  }
0x27: {  	s1 =	sld [smem:$0x3FA6]  }
0x28: {  	s2 =	sld [smem:$0x3FA7]  }
0x29: {  	s4 =	sld [smem:$0x3FA9]  }
0x2a: {  	p0 =	seq.s32 s5, $0x0;
	s5 =	sld [smem:$0x3FAA]  }
0x2b: {  	s6 =	sld [smem:$0x3FAB]  }
0x2c: {  	s7 =	sld [smem:$0x3FAC]  }
0x2d: {  	s3 =	simm.s32 $0x108;
	s8 =	sld [smem:$0x3FAD]  }
0x2e: {  	s3 =	simm.s32 @!p0 $0x1082;
	s9 =	sld [smem:$0x3FAE]  }
0x2f: {  	lr =	sadd.s32 s0, s3;
	s0 =	sld [smem:$0x3FA5]  }
0x30: {  	s3 =	sld [smem:$0x3FA8]  }
0x31: {  	[smem:$0x3FB1] =	sst s10  }
0x32: {  	s10 =	sld [smem:$0x3FAF];
	_ =	sdelay $0x3  }
0x33: {  	p0 =	seq.s32 s10, $0x1;
	s10 =	sld [smem:$0x3FB1];
	_ =	sdelay $0x3  }
0x34: {  	[smem:$0x3FB1] =	sst s10  }
0x35: {  	s10 =	sld [smem:$0x3FB0];
	_ =	sdelay $0x3  }
0x36: {  	p1 =	seq.s32 s10, $0x1;
	s10 =	sld [smem:$0x3FB1];
	_ =	sdelay $0x3  }
0x37: {  	[smem:$0x3FB1] =	sst s10  }
0x38: {  	s10 =	sld [smem:$0x3FB2]  }
0x39: {  	_ = 	snop;
	(pc) =	sbr.ind lr, $3  }
0x3a: {  	_ = 	snop  }
0x3b: {  	_ = 	snop  }
0x3c: {  	p2 =	seq.s32 s10, $0x1;
	s10 =	sld [smem:$0x3FB1]  }
0x3d: {  	_ =	shalt  }
0x3e: {  	_ =	shalt  }
0x3f: {  	_ =	shalt  }
0x40: {  	_ =	shalt  }
0x41: {  	_ =	shalt  }
0x42: {  	_ =	shalt  }
0x43: {  	_ =	shalt  }
0x44: {  	_ =	shalt  }
0x45: {  	_ =	shalt  }
0x46: {  	_ =	shalt  }
0x47: {  	_ =	shalt  }
0x48: {  	_ =	shalt  }
0x49: {  	_ =	shalt  }
0x4a: {  	_ =	shalt  }
0x4b: {  	_ =	shalt  }
0x4c: {  	_ =	shalt  }
0x4d: {  	_ =	shalt  }
0x4e: {  	_ =	shalt  }
0x4f: {  	_ =	shalt  }
0x50: {  	_ =	shalt  }
0x51: {  	_ =	shalt  }
0x52: {  	_ =	shalt  }
0x53: {  	_ =	shalt  }
0x54: {  	_ =	shalt  }
0x55: {  	_ =	shalt  }
0x56: {  	_ =	shalt  }
0x57: {  	_ =	shalt  }
0x58: {  	_ =	shalt  }
0x59: {  	_ =	shalt  }
0x5a: {  	_ =	shalt  }
0x5b: {  	_ =	shalt  }
0x5c: {  	_ =	shalt  }
0x5d: {  	_ =	shalt  }
0x5e: {  	_ =	shalt  }
0x5f: {  	_ =	shalt  }
0x60: {  	_ =	shalt  }
0x61: {  	_ =	shalt  }
0x62: {  	_ =	shalt  }
0x63: {  	_ =	shalt  }
0x64: {  	_ =	shalt  }
0x65: {  	_ =	shalt  }
0x66: {  	_ =	shalt  }
0x67: {  	_ =	shalt  }
0x68: {  	_ =	shalt  }
0x69: {  	_ =	shalt  }
0x6a: {  	_ =	shalt  }
0x6b: {  	_ =	shalt  }
0x6c: {  	_ =	shalt  }
0x6d: {  	_ =	shalt  }
0x6e: {  	_ =	shalt  }
0x6f: {  	_ =	shalt  }
0x70: {  	_ =	shalt  }
0x71: {  	_ =	shalt  }
0x72: {  	_ =	shalt  }
0x73: {  	_ =	shalt  }
0x74: {  	_ =	shalt  }
0x75: {  	_ =	shalt  }
0x76: {  	_ =	shalt  }
0x77: {  	_ =	shalt  }
0x78: {  	_ =	shalt  }
0x79: {  	_ =	shalt  }
0x7a: {  	_ =	shalt  }
0x7b: {  	_ =	shalt  }
0x7c: {  	_ =	shalt  }
0x7d: {  	_ =	shalt  }
0x7e: {  	_ =	shalt  }
0x7f: {  	_ =	shalt  }
0x80: {  	_ =	shalt  }
0x81: {  	_ =	shalt  }
0x82: {  	_ =	shalt  }
0x83: {  	_ =	shalt  }
0x84: {  	_ =	shalt  }
0x85: {  	_ =	shalt  }
0x86: {  	_ =	shalt  }
0x87: {  	_ =	shalt  }
.Lfunc_end0:
.L_simem_size_0:
called_computation_lowered:
.L_overlay_start_0:
0x88: {  	s2 =	sld [smem:$0x3FD9]  }
0x89: {  	s3 =	sld [smem:$0x3FFE];
	_ =	sdelay $0x1  }
0x8a: {  	s1 =	srdreg.scid  }
0x8b: {  	s0 =	sand.u32 $0x1, s1  }
0x8c: {  	s17 =	sshll.u32 s0, $0xA;
	s2 =	sadd.s32 s3, s2  }
0x8d: {  	s2 =	sadd.s32 s2, s17  }
0x8e: {  	[smem:$0x3FBD] =	sst s2  }
0x8f: {  	_ = 	snop  }
0x90: {  	s2 =	sld [smem:$0x3FC9];
	(tm) =	ssettm $0x1  }
0x91: {  	s18 =	sld [smem:$0x3FFB];
	_ =	sdelay $0x3  }
0x92: {  	_ =	strace s18  }
0x93: {  	s3 =	sld [smem:$0x3FFC];
	_ =	sdelay $0x3  }
0x94: {  	_ =	strace s3  }
0x95: {  	s3 =	sld [smem:$0x3FFD];
	_ =	sdelay $0x3  }
0x96: {  	_ =	strace s3  }
0x97: {  	_ =	strace $0x8FFFFFFF  }
0x98: {  	s19 =	sld [smem:$0x3FDB];
	_ =	sdelay $0x1  }
0x99: {  	s4 =	simm.s32 $_scs_section_size  }
0x9a: {  	s5 =	simm.s32 $_size__tile_overlayer_lowered;
	s6 =	simm.s32 $_tile_overlayer_lowered  }
0x9b: {  	s22 =	simm.s32 $0x1BFF;
	s21 =	sshll.u32 s6, $0x1;
	s3 =	sadd.s32 s4, s19  }
0x9c: {  	s7 =	simm.s32 $0x0;
	s20 =	sshll.u32 s5, $0x1;
	s5 =	sadd.s32 s21, s3  }
0x9d: {  	[timem:s7], [sflag:s22] =	dma.local [hbm:s5], s20  }
0x9e: {  	_ =	swait.ge [sflag:s22], s20  }
0x9f: {  	s4 =	ssub.s32 $0x0, s20;
	[sflag:s22] =	ssyncset.done $0x0  }
0xa0: {  	[sflag:s22] =	ssyncadd.s32 s4;
	_ =	sdelay $0x1  }
0xa1: {  	s23 =	simm.s32 $0x1B8B  }
0xa2: {  	_ =	swait.ge [sflag:s23], $0x1  }
0xa3: {  	[sflag:s23] =	ssyncset.done $0x0  }
0xa4: {  	s25 =	simm.s32 $0x1B8E;
	s24 =	sld [smem:$0x3FFE];
	[sflag:s23] =	ssyncadd.s32 $0xFFFFFFFF  }
0xa5: {  	s26 =	simm.s32 $execute0_lowered;
	[smem:$0x3FD2] =	sst s25  }
0xa6: {  	s5 =	sshll.u32 s26, $0x1;
	_ =	strace $0x80000046;
	[dreg:$0x1] =	wrdreg $0xFFFFFFFF  }
0xa7: {  	s28 =	simm.s32 $_size_execute0_lowered;
	s3 =	sadd.s32 s3, s5;
	[dreg:$0x0] =	wrdreg $0x0  }
0xa8: {  	s5 =	sshll.u32 s28, $0x1;
	[dreg:$0x2] =	wrdreg s3  }
0xa9: {  	[dreg:$0x3] =	wrdreg s5  }
0xaa: {  	[dreg:$0x4] =	wrdreg $0xC0  }
0xab: {  	_ =	task [dreg:s7], $0x5FFFF  }
0xac: {  	[dreg:$0x1] =	wrdreg $0xFFFFFFFF  }
0xad: {  	[dreg:$0x0] =	wrdreg $0x60  }
0xae: {  	[dreg:$0x2] =	wrdreg s2  }
0xaf: {  	[dreg:$0x3] =	wrdreg s24  }
0xb0: {  	[dreg:$0x4] =	wrdreg $0xBC000  }
0xb1: {  	[dreg:$0x5] =	wrdreg $0x9  }
0xb2: {  	_ =	task.clear_ibuf [dreg:s7], $0x6FFFF;
	_ =	strace $0x90000046  }
0xb3: {  	s29 =	simm.s32 $0x9;
	_ =	strace $0x80000048  }
0xb4: {  	_ =	swait.ge [sflag:s29], $0x1  }
0xb5: {  	[sflag:s29] =	ssyncadd.s32 $0xFFFFFFFF  }
0xb6: {  	_ =	strace $0x90000048  }
0xb7: {  	_ =	sfence  }
0xb8: {  	s30 =	sld [smem:$0x0];
	_ =	sdelay $0x2  }
0xb9: {  	s31 =	sshll.u32 s1, $0xD;
	s1 =	sshrl.u32 s1, $0x2  }
0xba: {  	s3 =	sand.u32 $0x4000, s31;
	s1 =	sadd.s32 s1, s30  }
0xbb: {  	s0 =	sor.u32 s3, s0;
	s1 =	sshll.u32 s1, $0x11  }
0xbc: {  	s0 =	sor.u32 s1, s0  }
0xbd: {  	s0 =	sadd.s32 $0x8F2B, s0  }
0xbe: {  	[sflag:s0] =	ssyncadd.remote.s32 $0x1  }
0xbf: {  	_ =	sfence.sel $0xFFFF  }
0xc0: {  	[dreg:$0x0] =	wrdreg $0xFFFFFFFF;
	(pc) =	sbr.abs _section_cstart, $3  }
0xc1: {  	[dreg:$0x1] =	wrdreg $0xFFFFFFFF  }
0xc2: {  	_ =	task.clear_ibuf [dreg:s7], $0x2FFFF;
	_ =	strace $0x9FFFFFFF  }
0xc3: {  	(tm) =	ssettm $0x7FFFFFFF  }
tec
execute0_lowered:
.L_overlay_start_1:
0x0: {  	(tag) =	ssettag $0x1  }
0x1: {  	s0 =	srdreg.scid;
	s1 =	rddreg [dreg:$0x0]  }
0x2: {  	s2 =	rddreg [dreg:$0x1];
	s19 =	stileid.u32  }
0x3: {  	s3 =	rddreg [dreg:$0x2];
	s20 =	simm.s32 $0x3;
	s21 =	simm.s32 $0x2  }
0x4: {  	s22 =	simm.s32 $0x2800;
	s23 =	simm.s32 $0x7D;
	s24 =	simm.s32 $0x3C00  }
0x5: {  	s25 =	simm.s32 $0x1;
	s28 =	simm.s32 $0x1380;
	s6 =	smul.u32 $0x4E000, s19  }
0x6: {  	s29 =	simm.s32 $0x3B00;
	s30 =	simm.s32 $0x3B80;
	s8 =	smul.u32 $0x2700, s19  }
0x7: {  	s31 =	simm.s32 $0x1400;
	s0 =	sand.u32 $0x1, s0;
	s12 =	smul.u32 $0x13800, s19  }
0x8: {  	s15 =	sshll.u32 s19, $0x6;
	p1 =	seq.s32 s19, $0xF;
	p2 =	sne.s32 s19, $0xF  }
0x9: {  	s4 =	sshll.u32 s0, $0x4;
	s7 =	ssub.s32 $0x2, s0;
	s10 =	smul.u32 $0x138800, s0  }
0xa: {  	p0 =	sne.s32 s0, $0x0;
	s16 =	sor.u32 $0x1C02, s15;
	s5 =	sor.u32 s19, s4  }
0xb: {  	s4 =	simm.s32 $0x0;
	s9 =	sshrl.u32 s7, $0x1;
	s6 =	sshrl.u32 s6, $0x2  }
0xc: {  	s5 =	smul.u32 $0x2800, s5;
	[smem:$0x7FF] =	sst s4;
	s14 =	ssub.s32 s7, s9  }
0xd: {  	s17 =	sadd.s32 s6, s3;
	s7 =	sadd.s32 $0x138000, s3;
	s12 =	sadd.s32 s12, s10  }
0xe: {  	s13 =	sshrl.u32 s10, $0x3;
	_ =	strace $0x80000047;
	s12 =	sshrl.u32 s12, $0x3  }
0xf: {  	s14 =	smax.u32 s14, $0x1;
	s17 =	sshrl.u32 s17, $0x3;
	s5 =	sshrl.u32 s5, $0x3  }
0x10: {  	s18 =	sshrl.u32 s7, $0x3;
	s11 =	sadd.s32 s5, s2;
	s5 =	sadd.s32 $0x16000, s2  }
0x11: {  	s2 =	sadd.s32 $0x3D200, s2;
	s26 =	sadd.s32 s5, s8;
	s8 =	sadd.s32 s1, s8  }
0x12: {  	s9 =	sadd.s32 $0x2000, s11;
	s10 =	sadd.s32 $0xC000, s11;
	s13 =	sadd.s32 s2, s13  }
0x13: {  	s11 =	sadd.s32 $0xC280, s11;
	s12 =	sadd.s32 s2, s12;
	s2 =	simm.s32 $0x2780  }
0x14: {  	[dreg:$0x4] =	wrdreg s26;
	s13 =	sadd.s32 $0x27000, s13;
	s26 =	simm.s32 $0x7C00  }
.LBB2_1:
.Ltmp0:
0x15: {  	(pc) =	sbr.rel @p0 .LBB2_3-.Ltmp0, $1  }
0x16: {  	_ =	sdelay $0x3  }
.Ltmp1:
0x17: {  	(pc) =	sbr.rel @p1 .LBB2_4-.Ltmp1, $4  }
.Ltmp2:
0x18: {  	(pc) =	sbr.rel @!p1 .LBB2_5-.Ltmp2, $4  }
0x19: {  	_ = 	snop  }
0x1a: {  	[spmem:s17], [sflag:s16] =	dma.local [hbm:s8], $0x2700  }
0x1b: {  	s0 =	smov.u32 s1  }
0x1c: {  	_ = 	snop  }
.LBB2_3:
.Ltmp3:
0x1d: {  	(pc) =	sbr.rel @p2 .LBB2_5-.Ltmp3, $4  }
0x1e: {  	_ = 	snop  }
0x1f: {  	s0 =	rddreg [dreg:$0x4]  }
0x20: {  	[spmem:s17], [sflag:s16] =	dma.local [hbm:s0], $0x2700  }
0x21: {  	s0 =	smov.u32 s5  }
.LBB2_4:
0x22: {  	s0 =	sadd.s32 $0x27000, s0;
	s6 =	simm.s32 $0x1FC3  }
0x23: {  	[spmem:s18], [sflag:s6] =	dma.local [hbm:s0], $0x100  }
0x24: {  	_ =	swait.ge [sflag:s20], $0x100  }
0x25: {  	[sflag:s20] =	ssyncset.done $0x0  }
0x26: {  	[sflag:s20] =	ssyncadd.s32 $0xFFFFFF00  }
.LBB2_5:
0x27: {  	s0 =	simm.s32 $0x0  }
0x28: {  	[tilespmem:s0], [sflag:$0x3] =	stream.linear.gather [hbm4b:s9+s0], $0x2800, $0x38;
	[tilespmem:$0x1F480] =	vst v63  }
0x29: {  	_ =	swait.ge [sflag:s20], $0x2800  }
0x2a: {  	[sflag:s20] =	ssyncset.done $0x0  }
0x2b: {  	[sflag:s20] =	ssyncadd.s32 $0xFFFFD800  }
0x2c: {  	_ =	swait.ge [sflag:s21], $0x2700  }
0x2d: {  	[sflag:s21] =	ssyncset.done $0x0  }
0x2e: {  	[sflag:s21] =	ssyncadd.s32 $0xFFFFD900  }
0x2f: {  	[bflag:$0x0] =	sbarrier.arrive $0xFFFF  }
0x30: {  	[tilespmem:s22], [sflag:$0x3] =	stream.linear.gather [hbm4b:s10+s0], $0x1400, $0x38;
	[tilespmem:$0x1F480] =	vst v63  }
0x31: {  	_ =	swait.ge [sflag:s20], $0x1400  }
0x32: {  	[sflag:s20] =	ssyncset.done $0x0  }
0x33: {  	[sflag:s20] =	ssyncadd.s32 $0xFFFFEC00  }
0x34: {  	[tilespmem:s24], [sflag:$0x1] =	stream.indirect.gather [hbm4b:s1+s23], $0x80, s0, s23, $0xb8;
	[tilespmem:$0x1F480] =	vst v63  }
0x35: {  	_ =	swait.ge [sflag:s25], $0x3E80  }
0x36: {  	[sflag:s25] =	ssyncset.done $0x0  }
0x37: {  	s6 =	simm.s32 $0x80;
	[sflag:s25] =	ssyncadd.s32 $0xFFFFC180  }
0x38: {  	[tilespmem:s26], [sflag:$0x2] =	stream.indirect.gather [hbm4b:s1+s23], $0x80, s6, s23, $0xb8;
	[tilespmem:$0x1F480] =	vst v63  }
0x39: {  	s19 =	simm.s32 $0x2800  }
0x3a: {  	[spmem:s3] =	stream.indirect.scatter.add.f32 [tilespmem:s24], [sflag:$0x3], $0x80, s19, s23, $0xb8;
	[tilespmem:$0x1F480] =	vst v63  }
0x3b: {  	_ =	swait.ge [sflag:s20], $0x3E80  }
0x3c: {  	[sflag:s20] =	ssyncset.done $0x0  }
0x3d: {  	[sflag:s20] =	ssyncadd.s32 $0xFFFFC180  }
0x3e: {  	_ =	swait.ge [sflag:s21], $0x3E80  }
0x3f: {  	[sflag:s21] =	ssyncset.done $0x0  }
0x40: {  	s6 =	simm.s32 $0x100;
	[sflag:s21] =	ssyncadd.s32 $0xFFFFC180  }
0x41: {  	[tilespmem:s24], [sflag:$0x1] =	stream.indirect.gather [hbm4b:s1+s23], $0x80, s6, s23, $0xb8;
	[tilespmem:$0x1F480] =	vst v63  }
0x42: {  	s19 =	simm.s32 $0x2880  }
0x43: {  	[spmem:s3] =	stream.indirect.scatter.add.f32 [tilespmem:s26], [sflag:$0x3], $0x80, s19, s23, $0xb8;
	[tilespmem:$0x1F480] =	vst v63  }
0x44: {  	_ =	swait.ge [sflag:s20], $0x3E80  }
0x45: {  	s0 =	simm.s32 $0x400;
	[sflag:s20] =	ssyncset.done $0x0  }
.LBB2_6:
0x46: {  	p3 =	sne.s32 s0, $0x4800  }
0x47: {  	[sflag:s20] =	ssyncadd.s32 $0xFFFFC180;
	s19 =	smov.u32 s0;
	s0 =	sadd.s32 $0x400, s0  }
0x48: {  	_ = 	snop  }
0x49: {  	_ =	swait.ge [sflag:s25], $0x3E80  }
0x4a: {  	s19 =	sshra.s32 s19, $0x2;
	[sflag:s25] =	ssyncset.done $0x0  }
0x4b: {  	s6 =	sadd.s32 $0x80, s19;
	[sflag:s25] =	ssyncadd.s32 $0xFFFFC180  }
0x4c: {  	[tilespmem:s26], [sflag:$0x2] =	stream.indirect.gather [hbm4b:s1+s23], $0x80, s6, s23, $0xb8;
	[tilespmem:$0x1F480] =	vst v63  }
0x4d: {  	s6 =	sadd.s32 $0x2800, s19  }
0x4e: {  	[spmem:s3] =	stream.indirect.scatter.add.f32 [tilespmem:s24], [sflag:$0x3], $0x80, s6, s23, $0xb8;
	[tilespmem:$0x1F480] =	vst v63  }
0x4f: {  	_ =	swait.ge [sflag:s20], $0x3E80  }
0x50: {  	[sflag:s20] =	ssyncset.done $0x0  }
0x51: {  	[sflag:s20] =	ssyncadd.s32 $0xFFFFC180  }
0x52: {  	_ =	swait.ge [sflag:s21], $0x3E80  }
0x53: {  	[sflag:s21] =	ssyncset.done $0x0  }
0x54: {  	s6 =	sadd.s32 $0x100, s19;
	[sflag:s21] =	ssyncadd.s32 $0xFFFFC180  }
0x55: {  	[tilespmem:s24], [sflag:$0x1] =	stream.indirect.gather [hbm4b:s1+s23], $0x80, s6, s23, $0xb8;
	[tilespmem:$0x1F480] =	vst v63  }
.Ltmp4:
0x56: {  	_ = 	snop;
	(pc) =	sbr.rel @p3 .LBB2_6-.Ltmp4, $4  }
0x57: {  	s6 =	sadd.s32 $0x2880, s19  }
0x58: {  	[spmem:s3] =	stream.indirect.scatter.add.f32 [tilespmem:s26], [sflag:$0x3], $0x80, s6, s23, $0xb8;
	[tilespmem:$0x1F480] =	vst v63  }
0x59: {  	_ =	swait.ge [sflag:s20], $0x3E80  }
0x5a: {  	[sflag:s20] =	ssyncset.done $0x0  }
0x5b: {  	[sflag:s20] =	ssyncadd.s32 $0xFFFFC180  }
0x5c: {  	_ =	swait.ge [sflag:s25], $0x3E80  }
0x5d: {  	[sflag:s25] =	ssyncset.done $0x0  }
0x5e: {  	[sflag:s25] =	ssyncadd.s32 $0xFFFFC180  }
0x5f: {  	[tilespmem:s26], [sflag:$0x2] =	stream.indirect.gather [hbm4b:s1+s23], $0x80, s28, s23, $0xb8;
	[tilespmem:$0x1F480] =	vst v63  }
0x60: {  	_ = 	snop  }
0x61: {  	[spmem:s3] =	stream.indirect.scatter.add.f32 [tilespmem:s24], [sflag:$0x3], $0x80, s29, s23, $0xb8;
	[tilespmem:$0x1F480] =	vst v63  }
0x62: {  	_ =	swait.ge [sflag:s20], $0x3E80  }
0x63: {  	[sflag:s20] =	ssyncset.done $0x0  }
0x64: {  	[sflag:s20] =	ssyncadd.s32 $0xFFFFC180  }
0x65: {  	_ =	swait.ge [sflag:s21], $0x3E80  }
0x66: {  	[sflag:s21] =	ssyncset.done $0x0  }
0x67: {  	[sflag:s21] =	ssyncadd.s32 $0xFFFFC180  }
0x68: {  	[spmem:s3] =	stream.indirect.scatter.add.f32 [tilespmem:s26], [sflag:$0x3], $0x80, s30, s23, $0xb8;
	[tilespmem:$0x1F480] =	vst v63  }
0x69: {  	_ =	swait.ge [sflag:s20], $0x3E80  }
0x6a: {  	[sflag:s20] =	ssyncset.done $0x0  }
0x6b: {  	s0 =	simm.s32 $0x0;
	[sflag:s20] =	ssyncadd.s32 $0xFFFFC180  }
0x6c: {  	[tilespmem:s22], [sflag:$0x3] =	stream.linear.gather [hbm4b:s11+s0], $0x1400, $0x38;
	[tilespmem:$0x1F480] =	vst v63  }
0x6d: {  	_ =	swait.ge [sflag:s20], $0x1400  }
0x6e: {  	[sflag:s20] =	ssyncset.done $0x0  }
0x6f: {  	[sflag:s20] =	ssyncadd.s32 $0xFFFFEC00  }
0x70: {  	[tilespmem:s24], [sflag:$0x1] =	stream.indirect.gather [hbm4b:s1+s23], $0x80, s31, s23, $0xb8;
	[tilespmem:$0x1F480] =	vst v63  }
0x71: {  	_ =	swait.ge [sflag:s25], $0x3E80  }
0x72: {  	[sflag:s25] =	ssyncset.done $0x0  }
0x73: {  	s6 =	simm.s32 $0x1480;
	[sflag:s25] =	ssyncadd.s32 $0xFFFFC180  }
0x74: {  	[tilespmem:s26], [sflag:$0x2] =	stream.indirect.gather [hbm4b:s1+s23], $0x80, s6, s23, $0xb8;
	[tilespmem:$0x1F480] =	vst v63  }
0x75: {  	s19 =	simm.s32 $0x2800  }
0x76: {  	[spmem:s3] =	stream.indirect.scatter.add.f32 [tilespmem:s24], [sflag:$0x3], $0x80, s19, s23, $0xb8;
	[tilespmem:$0x1F480] =	vst v63  }
0x77: {  	_ =	swait.ge [sflag:s20], $0x3E80  }
0x78: {  	[sflag:s20] =	ssyncset.done $0x0  }
0x79: {  	[sflag:s20] =	ssyncadd.s32 $0xFFFFC180  }
0x7a: {  	_ =	swait.ge [sflag:s21], $0x3E80  }
0x7b: {  	[sflag:s21] =	ssyncset.done $0x0  }
0x7c: {  	s6 =	simm.s32 $0x1500;
	[sflag:s21] =	ssyncadd.s32 $0xFFFFC180  }
0x7d: {  	[tilespmem:s24], [sflag:$0x1] =	stream.indirect.gather [hbm4b:s1+s23], $0x80, s6, s23, $0xb8;
	[tilespmem:$0x1F480] =	vst v63  }
0x7e: {  	s19 =	simm.s32 $0x2880  }
0x7f: {  	[spmem:s3] =	stream.indirect.scatter.add.f32 [tilespmem:s26], [sflag:$0x3], $0x80, s19, s23, $0xb8;
	[tilespmem:$0x1F480] =	vst v63  }
0x80: {  	_ =	swait.ge [sflag:s20], $0x3E80  }
0x81: {  	s0 =	simm.s32 $0x400;
	[sflag:s20] =	ssyncset.done $0x0  }
.LBB2_8:
0x82: {  	p3 =	sne.s32 s0, $0x4800  }
0x83: {  	[sflag:s20] =	ssyncadd.s32 $0xFFFFC180;
	s6 =	smov.u32 s0;
	s0 =	sadd.s32 $0x400, s0  }
0x84: {  	_ = 	snop  }
0x85: {  	_ =	swait.ge [sflag:s25], $0x3E80  }
0x86: {  	s6 =	sshra.s32 s6, $0x2;
	[sflag:s25] =	ssyncset.done $0x0  }
0x87: {  	s19 =	sadd.s32 $0x1480, s6;
	[sflag:s25] =	ssyncadd.s32 $0xFFFFC180  }
0x88: {  	[tilespmem:s26], [sflag:$0x2] =	stream.indirect.gather [hbm4b:s1+s23], $0x80, s19, s23, $0xb8;
	[tilespmem:$0x1F480] =	vst v63  }
0x89: {  	s19 =	sadd.s32 $0x2800, s6  }
0x8a: {  	[spmem:s3] =	stream.indirect.scatter.add.f32 [tilespmem:s24], [sflag:$0x3], $0x80, s19, s23, $0xb8;
	[tilespmem:$0x1F480] =	vst v63  }
0x8b: {  	_ =	swait.ge [sflag:s20], $0x3E80  }
0x8c: {  	[sflag:s20] =	ssyncset.done $0x0  }
0x8d: {  	[sflag:s20] =	ssyncadd.s32 $0xFFFFC180  }
0x8e: {  	_ =	swait.ge [sflag:s21], $0x3E80  }
0x8f: {  	[sflag:s21] =	ssyncset.done $0x0  }
0x90: {  	s19 =	sadd.s32 $0x1500, s6;
	[sflag:s21] =	ssyncadd.s32 $0xFFFFC180  }
0x91: {  	[tilespmem:s24], [sflag:$0x1] =	stream.indirect.gather [hbm4b:s1+s23], $0x80, s19, s23, $0xb8;
	[tilespmem:$0x1F480] =	vst v63  }
.Ltmp5:
0x92: {  	_ = 	snop;
	(pc) =	sbr.rel @p3 .LBB2_8-.Ltmp5, $4  }
0x93: {  	s6 =	sadd.s32 $0x2880, s6  }
0x94: {  	[spmem:s3] =	stream.indirect.scatter.add.f32 [tilespmem:s26], [sflag:$0x3], $0x80, s6, s23, $0xb8;
	[tilespmem:$0x1F480] =	vst v63  }
0x95: {  	_ =	swait.ge [sflag:s20], $0x3E80  }
0x96: {  	[sflag:s20] =	ssyncset.done $0x0  }
0x97: {  	[sflag:s20] =	ssyncadd.s32 $0xFFFFC180  }
0x98: {  	_ =	swait.ge [sflag:s25], $0x3E80  }
0x99: {  	[sflag:s25] =	ssyncset.done $0x0  }
0x9a: {  	[sflag:s25] =	ssyncadd.s32 $0xFFFFC180  }
0x9b: {  	[tilespmem:s26], [sflag:$0x2] =	stream.indirect.gather [hbm4b:s1+s23], $0x80, s2, s23, $0xb8;
	[tilespmem:$0x1F480] =	vst v63  }
0x9c: {  	_ = 	snop  }
0x9d: {  	[spmem:s3] =	stream.indirect.scatter.add.f32 [tilespmem:s24], [sflag:$0x3], $0x80, s29, s23, $0xb8;
	[tilespmem:$0x1F480] =	vst v63  }
0x9e: {  	_ =	swait.ge [sflag:s20], $0x3E80  }
0x9f: {  	[sflag:s20] =	ssyncset.done $0x0  }
0xa0: {  	[sflag:s20] =	ssyncadd.s32 $0xFFFFC180  }
0xa1: {  	_ =	swait.ge [sflag:s21], $0x3E80  }
0xa2: {  	[sflag:s21] =	ssyncset.done $0x0  }
0xa3: {  	[sflag:s21] =	ssyncadd.s32 $0xFFFFC180  }
0xa4: {  	[spmem:s3] =	stream.indirect.scatter.add.f32 [tilespmem:s26], [sflag:$0x3], $0x80, s30, s23, $0xb8;
	[tilespmem:$0x1F480] =	vst v63  }
0xa5: {  	_ =	swait.ge [sflag:s20], $0x3E80  }
0xa6: {  	[sflag:s20] =	ssyncset.done $0x0  }
0xa7: {  	[sflag:s20] =	ssyncadd.s32 $0xFFFFC180  }
0xa8: {  	s0 =	sor.u32 $0x1C03, s15;
	[bflag:$0x0] =	sbarrier.arrive $0xFFFF  }
0xa9: {  	[hbm:s12], [sflag:s0] =	dma.local [spmem:s17], $0x2700  }
0xaa: {  	_ =	swait.ge [sflag:s20], $0x2700  }
0xab: {  	s4 =	sadd.s32 $0x1, s4;
	[sflag:s20] =	ssyncset.done $0x0  }
0xac: {  	s6 =	sshrl.u32 @!p2 s7, $0x3;
	p3 =	sne.s32 s4, s14;
	[sflag:s20] =	ssyncadd.s32 $0xFFFFD900  }
0xad: {  	[hbm:s13], [sflag:s0] =	dma.local @!p2 [spmem:s6], $0x100  }
.Ltmp6:
0xae: {  	_ = 	snop;
	(pc) =	sbr.rel @p3 .LBB2_1-.Ltmp6, $4  }
0xaf: {  	s0 =	simm.s32 @!p2 $0x3  }
0xb0: {  	_ =	swait.ge @!p2 [sflag:s0], $0x100  }
0xb1: {  	[sflag:s0] =	ssyncset.done @!p2 $0x0  }
0xb2: {  	[sflag:s0] =	ssyncadd.s32 @!p2 $0xFFFFFF00  }
0xb3: {  	_ =	sfence.sel $0x180000  }
0xb4: {  	[bflag:$0x0] =	sbarrier.arrive $0xFFFF  }
0xb5: {  	_ =	strace $0x90000047  }
0xb6: {  	s0 =	stileid.u32;
	[bflag:$0x2] =	sbarrier.arrive $0xFFFF  }
0xb7: {  	p0 =	sne.s32 s0, $0x0;
	s0 =	rddreg [dreg:$0x3]  }
0xb8: {  	s0 =	sadd.s32 @!p0 $0x100000, s0  }
0xb9: {  	[sflag:s0] =	ssyncadd.tile.s32 @!p0 $0x1;
	_ =	shalt  }
.Lfunc_end2:
_tile_overlayer_lowered:
.L_overlay_start_2:
0xba: {  	(tag) =	ssettag $0x2  }
0xbb: {  	s0 =	rddreg [dreg:$0x0];
	s2 =	stileid.u32  }
0xbc: {  	s1 =	rddreg [dreg:$0x1];
	p0 =	sne.s32 s2, $0x0  }
0xbd: {  	s3 =	rddreg [dreg:$0x2];
	[bflag:$0x3] =	sbarrier.arrive $0xFFFF;
	s2 =	simm.s32 @!p0 $0x1C03  }
0xbe: {  	[timem:s3], [sflag:s2] =	dma.local @!p0 [hbm:s0], s1  }
0xbf: {  	s0 =	simm.s32 @!p0 $0x3  }
0xc0: {  	_ =	swait.ge @!p0 [sflag:s0], s1  }
0xc1: {  	s1 =	ssub.s32 @!p0 $0x0, s1;
	[sflag:s0] =	ssyncset.done @!p0 $0x0  }
0xc2: {  	[sflag:s0] =	ssyncadd.s32 @!p0 s1  }
0xc3: {  	[bflag:$0x3] =	sbarrier.arrive $0xFFFF  }
0xc4: {  	_ =	shalt  }

</sc_bundles>
